<compile_context>
chip_gen: v7x
topology: tpu7x:2x2x1
jax: 0.10.2.dev20260603
libtpu: 0.0.44.dev20260713+nightly
codegen_flags: <defaults>
</compile_context>

<pallas_src>
import functools

import jax
import jax.numpy as jnp
import numpy as np
from jax import lax
from jax.experimental import pallas as pl
from jax.experimental.pallas import tpu as pltpu
from jax.experimental.pallas import tpu_sc as plsc

RC = 6.0
ETA = 0.5
NUM_RS = 8
PI = float(np.pi)
UNROLL = 1

COS_C = (0.9999999954837723, -0.4999999182511114, 0.04166651545566957,
         -0.0013887904317784216, 2.477170058325944e-05,
         -2.7094472211869996e-07, 1.7294977163936824e-09)
SIN_C = (0.999999999682044, -0.16666666111981374, 0.00833332307674742,
         -0.0001984060248142518, 2.753708367635486e-06,
         -2.4739295909583705e-08, 1.3646969208297968e-10)


def _horner(t, cs):
    acc = jnp.full_like(t, cs[-1])
    for c in cs[-2::-1]:
        acc = acc * t + c
    return acc


def _rsqrt(ss):
    ii = plsc.bitcast(ss, jnp.int32)
    ii = jnp.int32(0x5F3759DF) - lax.shift_right_logical(ii, 1)
    y = plsc.bitcast(ii, jnp.float32)
    for _ in range(3):
        y = y * (1.5 - 0.5 * ss * y * y)
    return y


def _zero_vmem(ref, nwords, unroll):
    zf = jnp.zeros((16,), jnp.float32)
    groups = nwords // 16

    def body(j, c):
        for k in range(unroll):
            ref[pl.ds((j * unroll + k) * 16, 16)] = zf
        return c

    lax.fori_loop(0, groups // unroll, body, 0)


@functools.partial(jax.jit, static_argnums=(3, 4, 5, 6, 7))
def _sc_forward(pos_flat, src, dst, n, e, nw, chunk, cap):
    rs = [RC * i / (NUM_RS - 1) for i in range(NUM_RS)]
    e_per_w = e // nw
    nchunks = e_per_w // chunk

    def body(pos_hbm, src_hbm, dst_hbm, rad_out, cmp_out, cnt_out, pos_v,
             rad_v, src_v, dst_v, cb_v, cnt_v, psem, esems, osems):
        wid = lax.axis_index("s") * 2 + lax.axis_index("c")
        lane = lax.iota(jnp.int32, 16)
        cnts_vec = jnp.zeros((16,), jnp.int32)
        pcopy = pltpu.async_copy(pos_hbm, pos_v, psem)
        ebase = wid * e_per_w
        incopies = [None] * nchunks
        incopies[0] = [
            pltpu.async_copy(src_hbm.at[pl.ds(ebase, chunk)],
                             src_v.at[pl.ds(0, chunk)], esems[0]),
            pltpu.async_copy(dst_hbm.at[pl.ds(ebase, chunk)],
                             dst_v.at[pl.ds(0, chunk)], esems[0]),
        ]
        _zero_vmem(rad_v, NUM_RS * n, 8)
        _zero_vmem(cb_v, 2 * 6 * cap, 8)
        pcopy.wait()
        outcopies = [None] * nchunks
        for ci in range(nchunks):
            par = ci % 2
            base = ebase + ci * chunk
            if ci + 1 < nchunks:
                npar = (ci + 1) % 2
                incopies[ci + 1] = [
                    pltpu.async_copy(src_hbm.at[pl.ds(base + chunk, chunk)],
                                     src_v.at[pl.ds(npar * chunk, chunk)],
                                     esems[npar]),
                    pltpu.async_copy(dst_hbm.at[pl.ds(base + chunk, chunk)],
                                     dst_v.at[pl.ds(npar * chunk, chunk)],
                                     esems[npar]),
                ]
            for c_ in incopies[ci]:
                c_.wait()
            if ci >= 2 and outcopies[ci - 2] is not None:
                outcopies[ci - 2].wait()

            def ebody(j, cnt):
                off = j * 16
                s = src_v[pl.ds(par * chunk + off, 16)]
                t_ = dst_v[pl.ds(par * chunk + off, 16)]
                s3 = s * 3
                t3 = t_ * 3
                xs = plsc.load_gather(pos_v, [s3])
                ys = plsc.load_gather(pos_v, [s3 + 1])
                zs = plsc.load_gather(pos_v, [s3 + 2])
                xd = plsc.load_gather(pos_v, [t3])
                yd = plsc.load_gather(pos_v, [t3 + 1])
                zd = plsc.load_gather(pos_v, [t3 + 2])
                vx = xd - xs
                vy = yd - ys
                vz = zd - zs
                ss = vx * vx + vy * vy + vz * vz + 1e-12
                r = _rsqrt(ss)
                d = ss * r
                x = d * (PI / RC)
                xc = jnp.minimum(x, PI)
                tt = xc * xc
                cosx = _horner(tt, COS_C)
                inside = d < RC
                fc = jnp.where(inside, 0.5 * (cosx + 1.0), 0.0)
                s8 = s * NUM_RS
                for i in range(NUM_RS):
                    dt = d - rs[i]
                    g = jnp.exp((-ETA) * dt * dt) * fc
                    plsc.addupdate_scatter(rad_v, [s8 + i], g, mask=inside)
                cbase = par * (6 * cap)
                plsc.store_compressed(cb_v.at[pl.ds(cbase + cnt, 16)],
                                      plsc.bitcast(s8, jnp.float32),
                                      mask=inside)
                plsc.store_compressed(cb_v.at[pl.ds(cbase + cap + cnt, 16)],
                                      plsc.bitcast(t_, jnp.float32),
                                      mask=inside)
                plsc.store_compressed(
                    cb_v.at[pl.ds(cbase + 2 * cap + cnt, 16)], d,
                    mask=inside)
                plsc.store_compressed(
                    cb_v.at[pl.ds(cbase + 3 * cap + cnt, 16)],
                    vx * r, mask=inside)
                plsc.store_compressed(
                    cb_v.at[pl.ds(cbase + 4 * cap + cnt, 16)],
                    vy * r, mask=inside)
                plsc.store_compressed(
                    cb_v.at[pl.ds(cbase + 5 * cap + cnt, 16)],
                    vz * r, mask=inside)
                pc = plsc.all_reduce_population_count(inside)
                return jnp.minimum(cnt + pc[0], jnp.int32(cap - 16))

            cnt = lax.fori_loop(0, chunk // 16, ebody, jnp.int32(0))
            cnts_vec = jnp.where(lane == ci, cnt, cnts_vec)
            outcopies[ci] = pltpu.async_copy(
                cb_v.at[pl.ds(par * (6 * cap), 6 * cap)],
                cmp_out.at[wid * nchunks + ci], osems[par])
        for oc in outcopies[max(0, nchunks - 2):]:
            if oc is not None:
                oc.wait()
        cnt_v[...] = cnts_vec
        pltpu.sync_copy(rad_v, rad_out.at[wid])
        pltpu.sync_copy(cnt_v, cnt_out.at[wid])

    f32 = jnp.float32
    fwd = pl.kernel(
        body,
        out_type=[
            jax.ShapeDtypeStruct((nw, NUM_RS * n), f32),
            jax.ShapeDtypeStruct((nw * nchunks, 6 * cap), f32),
            jax.ShapeDtypeStruct((nw, 16), jnp.int32),
        ],
        mesh=plsc.VectorSubcoreMesh(core_axis_name="c", subcore_axis_name="s"),
        compiler_params=pltpu.CompilerParams(needs_layout_passes=False),
        scratch_types=[
            pltpu.VMEM((3 * n,), f32),
            pltpu.VMEM((NUM_RS * n,), f32),
            pltpu.VMEM((2 * chunk,), jnp.int32),
            pltpu.VMEM((2 * chunk,), jnp.int32),
            pltpu.VMEM((2 * 6 * cap,), f32),
            pltpu.VMEM((16,), jnp.int32),
            pltpu.SemaphoreType.DMA,
            [pltpu.SemaphoreType.DMA, pltpu.SemaphoreType.DMA],
            [pltpu.SemaphoreType.DMA, pltpu.SemaphoreType.DMA],
        ],
    )
    return fwd(pos_flat, src, dst)


@functools.partial(jax.jit, static_argnums=(3, 4, 5, 6))
def _sc_backward(cmp, cnts, q_flat, n, nw, nchunks, cap):
    rs = [RC * i / (NUM_RS - 1) for i in range(NUM_RS)]

    def body(cmp_hbm, cnt_hbm, q_hbm, f_out, q_v, f_v, cb_v, cnt_v, qsem,
             csems):
        wid = lax.axis_index("s") * 2 + lax.axis_index("c")
        lane = lax.iota(jnp.int32, 16)
        qcopy = pltpu.async_copy(q_hbm, q_v, qsem)
        pltpu.sync_copy(cnt_hbm.at[wid], cnt_v)
        ccopies = [None] * nchunks
        ccopies[0] = pltpu.async_copy(cmp_hbm.at[wid * nchunks],
                                      cb_v.at[pl.ds(0, 6 * cap)], csems[0])
        _zero_vmem(f_v, 3 * n, 5)
        qcopy.wait()
        cnts_all = cnt_v[...]
        for ci in range(nchunks):
            par = ci % 2
            if ci + 1 < nchunks:
                npar = (ci + 1) % 2
                ccopies[ci + 1] = pltpu.async_copy(
                    cmp_hbm.at[wid * nchunks + ci + 1],
                    cb_v.at[pl.ds(npar * 6 * cap, 6 * cap)], csems[npar])
            ccopies[ci].wait()
            cnt = cnts_all[ci]

            def ebody(j, c):
                off = j * 16
                m = lane < (cnt - off)
                cbase = par * (6 * cap)
                s8 = plsc.bitcast(cb_v[pl.ds(cbase + off, 16)], jnp.int32)
                t_ = plsc.bitcast(cb_v[pl.ds(cbase + cap + off, 16)],
                                  jnp.int32)
                s8 = jnp.where(m, s8, 0)
                t_ = jnp.where(m, t_, 0)
                d = cb_v[pl.ds(cbase + 2 * cap + off, 16)]
                x = d * (PI / RC)
                xc = jnp.minimum(x, PI)
                tt = xc * xc
                cosx = _horner(tt, COS_C)
                sinx = xc * _horner(tt, SIN_C)
                fc = 0.5 * (cosx + 1.0)
                fcp = (-0.5 * PI / RC) * sinx
                acc = jnp.zeros((16,), jnp.float32)
                for i in range(NUM_RS):
                    dt = d - rs[i]
                    ei = jnp.exp((-ETA) * dt * dt)
                    gp = ei * (fcp - (2.0 * ETA) * dt * fc)
                    qi = plsc.load_gather(q_v, [s8 + i], mask=m)
                    acc = acc + jnp.where(m, qi, 0.0) * gp
                wx = acc * cb_v[pl.ds(cbase + 3 * cap + off, 16)]
                wy = acc * cb_v[pl.ds(cbase + 4 * cap + off, 16)]
                wz = acc * cb_v[pl.ds(cbase + 5 * cap + off, 16)]
                s = lax.shift_right_logical(s8, 3)
                plsc.addupdate_scatter(f_v, [s], wx, mask=m)
                plsc.addupdate_scatter(f_v, [s + n], wy, mask=m)
                plsc.addupdate_scatter(f_v, [s + 2 * n], wz, mask=m)
                plsc.addupdate_scatter(f_v, [t_], -wx, mask=m)
                plsc.addupdate_scatter(f_v, [t_ + n], -wy, mask=m)
                plsc.addupdate_scatter(f_v, [t_ + 2 * n], -wz, mask=m)
                return c

            ng = jnp.minimum(lax.div(cnt + 15, 16), jnp.int32(cap // 16))
            ng = jnp.maximum(ng, 0)
            lax.fori_loop(0, ng, ebody, 0)
        pltpu.sync_copy(f_v, f_out.at[wid])

    f32 = jnp.float32
    bwd = pl.kernel(
        body,
        out_type=jax.ShapeDtypeStruct((nw, 3 * n), f32),
        mesh=plsc.VectorSubcoreMesh(core_axis_name="c", subcore_axis_name="s"),
        compiler_params=pltpu.CompilerParams(needs_layout_passes=False),
        scratch_types=[
            pltpu.VMEM((NUM_RS * n,), f32),
            pltpu.VMEM((3 * n,), f32),
            pltpu.VMEM((2 * 6 * cap,), f32),
            pltpu.VMEM((16,), jnp.int32),
            pltpu.SemaphoreType.DMA,
            [pltpu.SemaphoreType.DMA, pltpu.SemaphoreType.DMA],
        ],
    )
    return bwd(cmp, cnts, q_flat)


def _tc_reduce2d(parts):
    def body(fp, o):
        o[...] = jnp.sum(fp[...], axis=0, keepdims=True)

    nw, m = parts.shape
    return pl.pallas_call(
        body,
        out_shape=jax.ShapeDtypeStruct((1, m), jnp.float32),
    )(parts)


def _tc_dense(rad, emb0, W1, b1, W2, b2, w3r, w3c, b3, n, nw, nb):
    dn = (((1,), (1,)), ((), ()))

    def body(rad_r, e0, w1, b1_, w2, b2_, w3_, w3c_, b3_, ae_o, tot_o, q_o):
        rad = rad_r[...]
        w1a = w1[0:128, :]
        w1r = w1[128:136, :]
        z1a = jnp.dot(e0[...], w1a, preferred_element_type=jnp.float32) + b1_[...]
        z1 = jnp.dot(rad, w1r, preferred_element_type=jnp.float32) + z1a
        s1 = 1.0 / (1.0 + jnp.exp(-z1))
        h1 = z1 * s1
        z2 = jnp.dot(h1, w2[...], preferred_element_type=jnp.float32) + b2_[...]
        s2 = 1.0 / (1.0 + jnp.exp(-z2))
        h2 = z2 * s2
        ae = jnp.dot(h2, w3c_[...],
                     preferred_element_type=jnp.float32) + b3_[0, 0]
        ae_o[...] = ae
        psum = jnp.sum(ae)

        @pl.when(pl.program_id(0) == 0)
        def _init():
            tot_o[0, 0] = psum

        @pl.when(pl.program_id(0) > 0)
        def _acc():
            tot_o[0, 0] = tot_o[0, 0] + psum

        sp2 = s2 * (1.0 + z2 * (1.0 - s2))
        t2 = sp2 * w3_[...]
        dh1 = lax.dot_general(t2, w2[...], dn,
                              preferred_element_type=jnp.float32)
        sp1 = s1 * (1.0 + z1 * (1.0 - s1))
        dz1 = dh1 * sp1
        q_o[...] = lax.dot_general(dz1, w1r, dn,
                                   preferred_element_type=jnp.float32)

    f32 = jnp.float32
    full = lambda shape: pl.BlockSpec(shape, lambda g: (0,) * len(shape))
    return pl.pallas_call(
        body,
        grid=(n // nb,),
        in_specs=[
            pl.BlockSpec((nb, NUM_RS), lambda g: (g, 0)),
            full((1, 128)),
            full((136, 128)),
            full((1, 128)),
            full((128, 128)),
            full((1, 128)),
            full((1, 128)),
            full((128, 1)),
            pl.BlockSpec(memory_space=pltpu.SMEM),
        ],
        out_specs=[
            pl.BlockSpec((nb, 1), lambda g: (g, 0)),
            pl.BlockSpec(memory_space=pltpu.SMEM),
            pl.BlockSpec((nb, NUM_RS), lambda g: (g, 0)),
        ],
        out_shape=[
            jax.ShapeDtypeStruct((n, 1), f32),
            jax.ShapeDtypeStruct((1, 1), f32),
            jax.ShapeDtypeStruct((n, NUM_RS), f32),
        ],
    )(rad, emb0, W1, b1, W2, b2, w3r, w3c, b3)


def _tc_reduce(f_parts):
    def body(fp, o):
        o[...] = jnp.sum(fp[...], axis=0)

    nw, three, n = f_parts.shape
    return pl.pallas_call(
        body,
        out_shape=jax.ShapeDtypeStruct((three, n), jnp.float32),
    )(f_parts)


def kernel(atomic_numbers, positions, edge_index, atom_emb, W1, b1, W2, b2,
           W3, b3):
    n = positions.shape[0]
    e = edge_index.shape[1]
    info = plsc.get_sparse_core_info()
    nw = info.num_cores * info.num_subcores
    chunk = 2000
    cap = 1024
    pos_flat = positions.reshape(-1)
    src = edge_index[0]
    dst = edge_index[1]
    rad_parts, cmp, cnts = _sc_forward(pos_flat, src, dst, n, e, nw, chunk,
                                       cap)
    rad = _tc_reduce2d(rad_parts).reshape(n, NUM_RS)
    ae_col, tot, q_ne = _tc_dense(
        rad, atom_emb[0:1], W1,
        b1.reshape(1, -1), W2, b2.reshape(1, -1), W3.reshape(1, -1), W3,
        b3.reshape(1, 1), n, nw, 2000)
    f_parts = _sc_backward(cmp, cnts, q_ne.reshape(-1), n, nw,
                           (e // nw) // chunk, cap)
    forces3 = _tc_reduce(f_parts.reshape(nw, 3, n))
    return (tot[0, 0], forces3.T, ae_col.reshape(-1))

# --- scband reference (transcript-rebuilt; emitter-appended) ---
"""Pipeline reference for scband-energy-conserving-potential-7275674599712 (READ-ONLY COPY).

The authoritative reference and input builder live on the scoring server;
editing this copy changes nothing except your own understanding.
"""

import jax, jax.numpy as jnp
import numpy as np

N = 10000
E = 320000
DESC = 128
HID = 128
NUM_EL = 100
RC = 6.0
ETA = 0.5
NUM_RS = 8


def _energy(positions, atom_emb, W1, b1, W2, b2, W3, b3, atomic_numbers, edge_index):
    src = edge_index[0]
    dst = edge_index[1]
    atom_features = jnp.take(atom_emb, atomic_numbers - 1, axis=0)
    vectors = positions[dst] - positions[src]
    distances = jnp.sqrt(jnp.sum(vectors * vectors, axis=-1, keepdims=True) + 1e-12)
    rs_values = jnp.linspace(0.0, RC, NUM_RS)
    fc = 0.5 * (jnp.cos(distances * jnp.pi / RC) + 1.0) * (distances < RC).astype(jnp.float32)
    radial = []
    for i in range(NUM_RS):
        g = jnp.exp(-ETA * (distances - rs_values[i]) ** 2) * fc
        radial.append(jax.ops.segment_sum(g, src, num_segments=N))
    radial = jnp.concatenate(radial, axis=-1)
    descriptor = jnp.concatenate([atom_features, radial], axis=-1)
    h = jax.nn.silu(descriptor @ W1 + b1)
    h = jax.nn.silu(h @ W2 + b2)
    atomic_energies = (h @ W3 + b3)[:, 0]
    return atomic_energies.sum(), atomic_energies


def setup_inputs(seed: int = 0):
    key = jax.random.key(seed)
    ks = jax.random.split(key, 8)
    atomic_numbers = jnp.ones((N,), dtype=jnp.int32)
    positions = jax.random.normal(ks[0], (N, 3), dtype=jnp.float32) * 5.0
    edge_index = jax.random.randint(ks[1], (2, E), 0, N)
    atom_emb = jax.random.normal(ks[2], (NUM_EL, DESC), dtype=jnp.float32) * 0.02
    W1 = jax.random.normal(ks[3], (DESC + NUM_RS, HID), dtype=jnp.float32) / np.sqrt(DESC + NUM_RS)
    b1 = jnp.zeros((HID,), dtype=jnp.float32)
    W2 = jax.random.normal(ks[4], (HID, HID), dtype=jnp.float32) / np.sqrt(HID)
    b2 = jnp.zeros((HID,), dtype=jnp.float32)
    W3 = jax.random.normal(ks[5], (HID, 1), dtype=jnp.float32) / np.sqrt(HID)
    b3 = jnp.zeros((1,), dtype=jnp.float32)
    return {"atomic_numbers": atomic_numbers, "positions": positions, "edge_index": edge_index, "atom_emb": atom_emb, "W1": W1, "b1": b1, "W2": W2, "b2": b2, "W3": W3, "b3": b3}


def reference(atomic_numbers, positions, edge_index, atom_emb, W1, b1, W2, b2, W3, b3):
    def e_fn(pos):
        return _energy(pos, atom_emb, W1, b1, W2, b2, W3, b3, atomic_numbers, edge_index)
    (total_energy, atomic_energies), grad_pos = jax.value_and_grad(e_fn, has_aux=True)(positions)
    forces = -grad_pos
    return (total_energy, forces, atomic_energies)

if __name__ == "__main__":
    import jax
    _d = setup_inputs()
    print(jax.jit(kernel)(*tuple(_d.values())))

</pallas_src>

<mosaic_0001>
#map = affine_map<(d0, d1) -> (0)>
#map1 = affine_map<(d0, d1) -> (0, 0)>
module attributes {stable_mosaic.version = 14 : i64} {
  func.func @body(%arg0: i32, %arg1: i32, %arg2: memref<30000xf32, #tpu.memory_space<hbm>>, %arg3: memref<320000xi32, #tpu.memory_space<hbm>>, %arg4: memref<320000xi32, #tpu.memory_space<hbm>>, %arg5: memref<32x80000xf32, #tpu.memory_space<hbm>>, %arg6: memref<160x6144xf32, #tpu.memory_space<hbm>>, %arg7: memref<32x16xi32, #tpu.memory_space<hbm>>, %arg8: memref<30000xf32, #tpu.memory_space<vmem>>, %arg9: memref<80000xf32, #tpu.memory_space<vmem>>, %arg10: memref<4000xi32, #tpu.memory_space<vmem>>, %arg11: memref<4000xi32, #tpu.memory_space<vmem>>, %arg12: memref<12288xf32, #tpu.memory_space<vmem>>, %arg13: memref<16xi32, #tpu.memory_space<vmem>>, %arg14: memref<!tpu.dma_semaphore, #tpu.memory_space<semaphore_mem>>, %arg15: memref<!tpu.dma_semaphore, #tpu.memory_space<semaphore_mem>>, %arg16: memref<!tpu.dma_semaphore, #tpu.memory_space<semaphore_mem>>, %arg17: memref<!tpu.dma_semaphore, #tpu.memory_space<semaphore_mem>>, %arg18: memref<!tpu.dma_semaphore, #tpu.memory_space<semaphore_mem>>) attributes {dimension_semantics = [#tpu.dimension_semantics<core_parallel>, #tpu.dimension_semantics<subcore_parallel>], iteration_bounds = array<i64: 2, 16>, scalar_prefetch = 0 : i64, scratch_operands = 11 : i64, tpu.core_type = #tpu.core_type<sc_vector_subcore>, window_params = [{transform_indices = #map}, {transform_indices = #map}, {transform_indices = #map}, {transform_indices = #map1}, {transform_indices = #map1}, {transform_indices = #map1}]} {
    %mul3A = arith.constant 2 : i32
    %mul3A_0 = arith.muli %arg1, %mul3A : i32
    %add3A = arith.addi %mul3A_0, %arg0 : i32
    %iota3A = tpu.iota {dimensions = array<i32: 0>} : vector<16xi32>
    %broadcast_in_dim3A = arith.constant 0 : i32
    %broadcast_in_dim3A_1 = vector.broadcast %broadcast_in_dim3A : i32 to vector<16xi32>
    tpu.enqueue_dma source(%arg2 : memref<30000xf32, #tpu.memory_space<hbm>>) target(%arg8 : memref<30000xf32, #tpu.memory_space<vmem>>) target_semaphore(%arg14 : memref<!tpu.dma_semaphore, #tpu.memory_space<semaphore_mem>>)
    %mul3A_2 = arith.constant 10000 : i32
    %mul3A_3 = arith.muli %add3A, %mul3A_2 : i32
    %dma_start3A = arith.constant 0 : i32
    %dma_start3A_4 = tpu.memref_slice %arg10[%dma_start3A] : memref<4000xi32, #tpu.memory_space<vmem>> -> memref<2000xi32, #tpu.memory_space<vmem>>
    %dma_start3A_5 = tpu.memref_slice %arg3[%mul3A_3] : memref<320000xi32, #tpu.memory_space<hbm>> -> memref<2000xi32, #tpu.memory_space<hbm>>
    %dma_start3A_6 = arith.constant 0 : i32
    %dma_start3A_7 = tpu.memref_slice %arg10[%dma_start3A_6] : memref<4000xi32, #tpu.memory_space<vmem>> -> memref<2000xi32, #tpu.memory_space<vmem>>
    %dma_start3A_8 = tpu.memref_slice %arg3[%mul3A_3] : memref<320000xi32, #tpu.memory_space<hbm>> -> memref<2000xi32, #tpu.memory_space<hbm>>
    tpu.enqueue_dma source(%dma_start3A_8 : memref<2000xi32, #tpu.memory_space<hbm>>) target(%dma_start3A_7 : memref<2000xi32, #tpu.memory_space<vmem>>) target_semaphore(%arg15 : memref<!tpu.dma_semaphore, #tpu.memory_space<semaphore_mem>>)
    %dma_start3A_9 = arith.constant 0 : i32
    %dma_start3A_10 = tpu.memref_slice %arg11[%dma_start3A_9] : memref<4000xi32, #tpu.memory_space<vmem>> -> memref<2000xi32, #tpu.memory_space<vmem>>
    %dma_start3A_11 = tpu.memref_slice %arg4[%mul3A_3] : memref<320000xi32, #tpu.memory_space<hbm>> -> memref<2000xi32, #tpu.memory_space<hbm>>
    %dma_start3A_12 = arith.constant 0 : i32
    %dma_start3A_13 = tpu.memref_slice %arg11[%dma_start3A_12] : memref<4000xi32, #tpu.memory_space<vmem>> -> memref<2000xi32, #tpu.memory_space<vmem>>
    %dma_start3A_14 = tpu.memref_slice %arg4[%mul3A_3] : memref<320000xi32, #tpu.memory_space<hbm>> -> memref<2000xi32, #tpu.memory_space<hbm>>
    tpu.enqueue_dma source(%dma_start3A_14 : memref<2000xi32, #tpu.memory_space<hbm>>) target(%dma_start3A_13 : memref<2000xi32, #tpu.memory_space<vmem>>) target_semaphore(%arg15 : memref<!tpu.dma_semaphore, #tpu.memory_space<semaphore_mem>>)
    %broadcast_in_dim3A_15 = arith.constant 0.000000e+00 : f32
    %broadcast_in_dim3A_16 = vector.broadcast %broadcast_in_dim3A_15 : f32 to vector<16xf32>
    %scan3A = arith.constant 0 : i32
    %scan3A_17 = arith.constant 0 : i32
    %scan3A_18 = arith.constant 625 : i32
    %scan3A_19 = arith.addi %scan3A_17, %scan3A_18 : i32
    %scan3A_20 = arith.constant 1 : i32
    scf.for %scan3A_342 = %scan3A_17 to %scan3A_19 step %scan3A_20  : i32 {
      %mul3A_343 = arith.constant 8 : i32
      %mul3A_344 = arith.muli %scan3A_342, %mul3A_343 : i32
      %add3A_345 = arith.constant 0 : i32
      %add3A_346 = arith.addi %mul3A_344, %add3A_345 : i32
      %mul3A_347 = arith.constant 16 : i32
      %mul3A_348 = arith.muli %add3A_346, %mul3A_347 : i32
      %swap3A_349 = arith.index_cast %mul3A_348 : i32 to index
      %swap3A_350 = tpu.vector_load %arg9[%swap3A_349] {strides = array<i32>} : memref<80000xf32, #tpu.memory_space<vmem>>, vector<16xf32>,
      tpu.vector_store %arg9[%swap3A_349], %broadcast_in_dim3A_16 {strides = array<i32>} : memref<80000xf32, #tpu.memory_space<vmem>>, vector<16xf32>,
      %mul3A_351 = arith.constant 8 : i32
      %mul3A_352 = arith.muli %scan3A_342, %mul3A_351 : i32
      %add3A_353 = arith.constant 1 : i32
      %add3A_354 = arith.addi %mul3A_352, %add3A_353 : i32
      %mul3A_355 = arith.constant 16 : i32
      %mul3A_356 = arith.muli %add3A_354, %mul3A_355 : i32
      %swap3A_357 = arith.index_cast %mul3A_356 : i32 to index
      %swap3A_358 = tpu.vector_load %arg9[%swap3A_357] {strides = array<i32>} : memref<80000xf32, #tpu.memory_space<vmem>>, vector<16xf32>,
      tpu.vector_store %arg9[%swap3A_357], %broadcast_in_dim3A_16 {strides = array<i32>} : memref<80000xf32, #tpu.memory_space<vmem>>, vector<16xf32>,
      %mul3A_359 = arith.constant 8 : i32
      %mul3A_360 = arith.muli %scan3A_342, %mul3A_359 : i32
      %add3A_361 = arith.constant 2 : i32
      %add3A_362 = arith.addi %mul3A_360, %add3A_361 : i32
      %mul3A_363 = arith.constant 16 : i32
      %mul3A_364 = arith.muli %add3A_362, %mul3A_363 : i32
      %swap3A_365 = arith.index_cast %mul3A_364 : i32 to index
      %swap3A_366 = tpu.vector_load %arg9[%swap3A_365] {strides = array<i32>} : memref<80000xf32, #tpu.memory_space<vmem>>, vector<16xf32>,
      tpu.vector_store %arg9[%swap3A_365], %broadcast_in_dim3A_16 {strides = array<i32>} : memref<80000xf32, #tpu.memory_space<vmem>>, vector<16xf32>,
      %mul3A_367 = arith.constant 8 : i32
      %mul3A_368 = arith.muli %scan3A_342, %mul3A_367 : i32
      %add3A_369 = arith.constant 3 : i32
      %add3A_370 = arith.addi %mul3A_368, %add3A_369 : i32
      %mul3A_371 = arith.constant 16 : i32
      %mul3A_372 = arith.muli %add3A_370, %mul3A_371 : i32
      %swap3A_373 = arith.index_cast %mul3A_372 : i32 to index
      %swap3A_374 = tpu.vector_load %arg9[%swap3A_373] {strides = array<i32>} : memref<80000xf32, #tpu.memory_space<vmem>>, vector<16xf32>,
      tpu.vector_store %arg9[%swap3A_373], %broadcast_in_dim3A_16 {strides = array<i32>} : memref<80000xf32, #tpu.memory_space<vmem>>, vector<16xf32>,
      %mul3A_375 = arith.constant 8 : i32
      %mul3A_376 = arith.muli %scan3A_342, %mul3A_375 : i32
      %add3A_377 = arith.constant 4 : i32
      %add3A_378 = arith.addi %mul3A_376, %add3A_377 : i32
      %mul3A_379 = arith.constant 16 : i32
      %mul3A_380 = arith.muli %add3A_378, %mul3A_379 : i32
      %swap3A_381 = arith.index_cast %mul3A_380 : i32 to index
      %swap3A_382 = tpu.vector_load %arg9[%swap3A_381] {strides = array<i32>} : memref<80000xf32, #tpu.memory_space<vmem>>, vector<16xf32>,
      tpu.vector_store %arg9[%swap3A_381], %broadcast_in_dim3A_16 {strides = array<i32>} : memref<80000xf32, #tpu.memory_space<vmem>>, vector<16xf32>,
      %mul3A_383 = arith.constant 8 : i32
      %mul3A_384 = arith.muli %scan3A_342, %mul3A_383 : i32
      %add3A_385 = arith.constant 5 : i32
      %add3A_386 = arith.addi %mul3A_384, %add3A_385 : i32
      %mul3A_387 = arith.constant 16 : i32
      %mul3A_388 = arith.muli %add3A_386, %mul3A_387 : i32
      %swap3A_389 = arith.index_cast %mul3A_388 : i32 to index
      %swap3A_390 = tpu.vector_load %arg9[%swap3A_389] {strides = array<i32>} : memref<80000xf32, #tpu.memory_space<vmem>>, vector<16xf32>,
      tpu.vector_store %arg9[%swap3A_389], %broadcast_in_dim3A_16 {strides = array<i32>} : memref<80000xf32, #tpu.memory_space<vmem>>, vector<16xf32>,
      %mul3A_391 = arith.constant 8 : i32
      %mul3A_392 = arith.muli %scan3A_342, %mul3A_391 : i32
      %add3A_393 = arith.constant 6 : i32
      %add3A_394 = arith.addi %mul3A_392, %add3A_393 : i32
      %mul3A_395 = arith.constant 16 : i32
      %mul3A_396 = arith.muli %add3A_394, %mul3A_395 : i32
      %swap3A_397 = arith.index_cast %mul3A_396 : i32 to index
      %swap3A_398 = tpu.vector_load %arg9[%swap3A_397] {strides = array<i32>} : memref<80000xf32, #tpu.memory_space<vmem>>, vector<16xf32>,
      tpu.vector_store %arg9[%swap3A_397], %broadcast_in_dim3A_16 {strides = array<i32>} : memref<80000xf32, #tpu.memory_space<vmem>>, vector<16xf32>,
      %mul3A_399 = arith.constant 8 : i32
      %mul3A_400 = arith.muli %scan3A_342, %mul3A_399 : i32
      %add3A_401 = arith.constant 7 : i32
      %add3A_402 = arith.addi %mul3A_400, %add3A_401 : i32
      %mul3A_403 = arith.constant 16 : i32
      %mul3A_404 = arith.muli %add3A_402, %mul3A_403 : i32
      %swap3A_405 = arith.index_cast %mul3A_404 : i32 to index
      %swap3A_406 = tpu.vector_load %arg9[%swap3A_405] {strides = array<i32>} : memref<80000xf32, #tpu.memory_space<vmem>>, vector<16xf32>,
      tpu.vector_store %arg9[%swap3A_405], %broadcast_in_dim3A_16 {strides = array<i32>} : memref<80000xf32, #tpu.memory_space<vmem>>, vector<16xf32>,
    }
    %scan3A_21 = arith.constant 625 : i32
    %broadcast_in_dim3A_22 = arith.constant 0.000000e+00 : f32
    %broadcast_in_dim3A_23 = vector.broadcast %broadcast_in_dim3A_22 : f32 to vector<16xf32>
    %scan3A_24 = arith.constant 0 : i32
    %scan3A_25 = arith.constant 0 : i32
    %scan3A_26 = arith.constant 96 : i32
    %scan3A_27 = arith.addi %scan3A_25, %scan3A_26 : i32
    %scan3A_28 = arith.constant 1 : i32
    scf.for %scan3A_342 = %scan3A_25 to %scan3A_27 step %scan3A_28  : i32 {
      %mul3A_343 = arith.constant 8 : i32
      %mul3A_344 = arith.muli %scan3A_342, %mul3A_343 : i32
      %add3A_345 = arith.constant 0 : i32
      %add3A_346 = arith.addi %mul3A_344, %add3A_345 : i32
      %mul3A_347 = arith.constant 16 : i32
      %mul3A_348 = arith.muli %add3A_346, %mul3A_347 : i32
      %swap3A_349 = arith.index_cast %mul3A_348 : i32 to index
      %swap3A_350 = tpu.vector_load %arg12[%swap3A_349] {strides = array<i32>} : memref<12288xf32, #tpu.memory_space<vmem>>, vector<16xf32>,
      tpu.vector_store %arg12[%swap3A_349], %broadcast_in_dim3A_23 {strides = array<i32>} : memref<12288xf32, #tpu.memory_space<vmem>>, vector<16xf32>,
      %mul3A_351 = arith.constant 8 : i32
      %mul3A_352 = arith.muli %scan3A_342, %mul3A_351 : i32
      %add3A_353 = arith.constant 1 : i32
      %add3A_354 = arith.addi %mul3A_352, %add3A_353 : i32
      %mul3A_355 = arith.constant 16 : i32
      %mul3A_356 = arith.muli %add3A_354, %mul3A_355 : i32
      %swap3A_357 = arith.index_cast %mul3A_356 : i32 to index
      %swap3A_358 = tpu.vector_load %arg12[%swap3A_357] {strides = array<i32>} : memref<12288xf32, #tpu.memory_space<vmem>>, vector<16xf32>,
      tpu.vector_store %arg12[%swap3A_357], %broadcast_in_dim3A_23 {strides = array<i32>} : memref<12288xf32, #tpu.memory_space<vmem>>, vector<16xf32>,
      %mul3A_359 = arith.constant 8 : i32
      %mul3A_360 = arith.muli %scan3A_342, %mul3A_359 : i32
      %add3A_361 = arith.constant 2 : i32
      %add3A_362 = arith.addi %mul3A_360, %add3A_361 : i32
      %mul3A_363 = arith.constant 16 : i32
      %mul3A_364 = arith.muli %add3A_362, %mul3A_363 : i32
      %swap3A_365 = arith.index_cast %mul3A_364 : i32 to index
      %swap3A_366 = tpu.vector_load %arg12[%swap3A_365] {strides = array<i32>} : memref<12288xf32, #tpu.memory_space<vmem>>, vector<16xf32>,
      tpu.vector_store %arg12[%swap3A_365], %broadcast_in_dim3A_23 {strides = array<i32>} : memref<12288xf32, #tpu.memory_space<vmem>>, vector<16xf32>,
      %mul3A_367 = arith.constant 8 : i32
      %mul3A_368 = arith.muli %scan3A_342, %mul3A_367 : i32
      %add3A_369 = arith.constant 3 : i32
      %add3A_370 = arith.addi %mul3A_368, %add3A_369 : i32
      %mul3A_371 = arith.constant 16 : i32
      %mul3A_372 = arith.muli %add3A_370, %mul3A_371 : i32
      %swap3A_373 = arith.index_cast %mul3A_372 : i32 to index
      %swap3A_374 = tpu.vector_load %arg12[%swap3A_373] {strides = array<i32>} : memref<12288xf32, #tpu.memory_space<vmem>>, vector<16xf32>,
      tpu.vector_store %arg12[%swap3A_373], %broadcast_in_dim3A_23 {strides = array<i32>} : memref<12288xf32, #tpu.memory_space<vmem>>, vector<16xf32>,
      %mul3A_375 = arith.constant 8 : i32
      %mul3A_376 = arith.muli %scan3A_342, %mul3A_375 : i32
      %add3A_377 = arith.constant 4 : i32
      %add3A_378 = arith.addi %mul3A_376, %add3A_377 : i32
      %mul3A_379 = arith.constant 16 : i32
      %mul3A_380 = arith.muli %add3A_378, %mul3A_379 : i32
      %swap3A_381 = arith.index_cast %mul3A_380 : i32 to index
      %swap3A_382 = tpu.vector_load %arg12[%swap3A_381] {strides = array<i32>} : memref<12288xf32, #tpu.memory_space<vmem>>, vector<16xf32>,
      tpu.vector_store %arg12[%swap3A_381], %broadcast_in_dim3A_23 {strides = array<i32>} : memref<12288xf32, #tpu.memory_space<vmem>>, vector<16xf32>,
      %mul3A_383 = arith.constant 8 : i32
      %mul3A_384 = arith.muli %scan3A_342, %mul3A_383 : i32
      %add3A_385 = arith.constant 5 : i32
      %add3A_386 = arith.addi %mul3A_384, %add3A_385 : i32
      %mul3A_387 = arith.constant 16 : i32
      %mul3A_388 = arith.muli %add3A_386, %mul3A_387 : i32
      %swap3A_389 = arith.index_cast %mul3A_388 : i32 to index
      %swap3A_390 = tpu.vector_load %arg12[%swap3A_389] {strides = array<i32>} : memref<12288xf32, #tpu.memory_space<vmem>>, vector<16xf32>,
      tpu.vector_store %arg12[%swap3A_389], %broadcast_in_dim3A_23 {strides = array<i32>} : memref<12288xf32, #tpu.memory_space<vmem>>, vector<16xf32>,
      %mul3A_391 = arith.constant 8 : i32
      %mul3A_392 = arith.muli %scan3A_342, %mul3A_391 : i32
      %add3A_393 = arith.constant 6 : i32
      %add3A_394 = arith.addi %mul3A_392, %add3A_393 : i32
      %mul3A_395 = arith.constant 16 : i32
      %mul3A_396 = arith.muli %add3A_394, %mul3A_395 : i32
      %swap3A_397 = arith.index_cast %mul3A_396 : i32 to index
      %swap3A_398 = tpu.vector_load %arg12[%swap3A_397] {strides = array<i32>} : memref<12288xf32, #tpu.memory_space<vmem>>, vector<16xf32>,
      tpu.vector_store %arg12[%swap3A_397], %broadcast_in_dim3A_23 {strides = array<i32>} : memref<12288xf32, #tpu.memory_space<vmem>>, vector<16xf32>,
      %mul3A_399 = arith.constant 8 : i32
      %mul3A_400 = arith.muli %scan3A_342, %mul3A_399 : i32
      %add3A_401 = arith.constant 7 : i32
      %add3A_402 = arith.addi %mul3A_400, %add3A_401 : i32
      %mul3A_403 = arith.constant 16 : i32
      %mul3A_404 = arith.muli %add3A_402, %mul3A_403 : i32
      %swap3A_405 = arith.index_cast %mul3A_404 : i32 to index
      %swap3A_406 = tpu.vector_load %arg12[%swap3A_405] {strides = array<i32>} : memref<12288xf32, #tpu.memory_space<vmem>>, vector<16xf32>,
      tpu.vector_store %arg12[%swap3A_405], %broadcast_in_dim3A_23 {strides = array<i32>} : memref<12288xf32, #tpu.memory_space<vmem>>, vector<16xf32>,
    }
    %scan3A_29 = arith.constant 96 : i32
    tpu.wait_dma2 semaphore(%arg14 : memref<!tpu.dma_semaphore, #tpu.memory_space<semaphore_mem>>) src(%arg2 : memref<30000xf32, #tpu.memory_space<hbm>>) dst(%arg8 : memref<30000xf32, #tpu.memory_space<vmem>>)
    %add3A_30 = arith.constant 0 : i32
    %add3A_31 = arith.addi %mul3A_3, %add3A_30 : i32
    %add3A_32 = arith.constant 2000 : i32
    %add3A_33 = arith.addi %add3A_31, %add3A_32 : i32
    %dma_start3A_34 = arith.constant 2000 : i32
    %dma_start3A_35 = tpu.memref_slice %arg10[%dma_start3A_34] : memref<4000xi32, #tpu.memory_space<vmem>> -> memref<2000xi32, #tpu.memory_space<vmem>>
    %dma_start3A_36 = tpu.memref_slice %arg3[%add3A_33] : memref<320000xi32, #tpu.memory_space<hbm>> -> memref<2000xi32, #tpu.memory_space<hbm>>
    %dma_start3A_37 = arith.constant 2000 : i32
    %dma_start3A_38 = tpu.memref_slice %arg10[%dma_start3A_37] : memref<4000xi32, #tpu.memory_space<vmem>> -> memref<2000xi32, #tpu.memory_space<vmem>>
    %dma_start3A_39 = tpu.memref_slice %arg3[%add3A_33] : memref<320000xi32, #tpu.memory_space<hbm>> -> memref<2000xi32, #tpu.memory_space<hbm>>
    tpu.enqueue_dma source(%dma_start3A_39 : memref<2000xi32, #tpu.memory_space<hbm>>) target(%dma_start3A_38 : memref<2000xi32, #tpu.memory_space<vmem>>) target_semaphore(%arg16 : memref<!tpu.dma_semaphore, #tpu.memory_space<semaphore_mem>>)
    %add3A_40 = arith.constant 2000 : i32
    %add3A_41 = arith.addi %add3A_31, %add3A_40 : i32
    %dma_start3A_42 = arith.constant 2000 : i32
    %dma_start3A_43 = tpu.memref_slice %arg11[%dma_start3A_42] : memref<4000xi32, #tpu.memory_space<vmem>> -> memref<2000xi32, #tpu.memory_space<vmem>>
    %dma_start3A_44 = tpu.memref_slice %arg4[%add3A_41] : memref<320000xi32, #tpu.memory_space<hbm>> -> memref<2000xi32, #tpu.memory_space<hbm>>
    %dma_start3A_45 = arith.constant 2000 : i32
    %dma_start3A_46 = tpu.memref_slice %arg11[%dma_start3A_45] : memref<4000xi32, #tpu.memory_space<vmem>> -> memref<2000xi32, #tpu.memory_space<vmem>>
    %dma_start3A_47 = tpu.memref_slice %arg4[%add3A_41] : memref<320000xi32, #tpu.memory_space<hbm>> -> memref<2000xi32, #tpu.memory_space<hbm>>
    tpu.enqueue_dma source(%dma_start3A_47 : memref<2000xi32, #tpu.memory_space<hbm>>) target(%dma_start3A_46 : memref<2000xi32, #tpu.memory_space<vmem>>) target_semaphore(%arg16 : memref<!tpu.dma_semaphore, #tpu.memory_space<semaphore_mem>>)
    %dma_wait3A = arith.constant 0 : i32
    %dma_wait3A_48 = tpu.memref_slice %arg10[%dma_wait3A] : memref<4000xi32, #tpu.memory_space<vmem>> -> memref<2000xi32, #tpu.memory_space<vmem>>
    %dma_wait3A_49 = tpu.memref_slice %arg3[%mul3A_3] : memref<320000xi32, #tpu.memory_space<hbm>> -> memref<2000xi32, #tpu.memory_space<hbm>>
    %dma_wait3A_50 = arith.constant 0 : i32
    %dma_wait3A_51 = tpu.memref_slice %arg10[%dma_wait3A_50] : memref<4000xi32, #tpu.memory_space<vmem>> -> memref<2000xi32, #tpu.memory_space<vmem>>
    %dma_wait3A_52 = tpu.memref_slice %arg3[%mul3A_3] : memref<320000xi32, #tpu.memory_space<hbm>> -> memref<2000xi32, #tpu.memory_space<hbm>>
    tpu.wait_dma2 semaphore(%arg15 : memref<!tpu.dma_semaphore, #tpu.memory_space<semaphore_mem>>) src(%dma_wait3A_52 : memref<2000xi32, #tpu.memory_space<hbm>>) dst(%dma_wait3A_51 : memref<2000xi32, #tpu.memory_space<vmem>>)
    %dma_wait3A_53 = arith.constant 0 : i32
    %dma_wait3A_54 = tpu.memref_slice %arg11[%dma_wait3A_53] : memref<4000xi32, #tpu.memory_space<vmem>> -> memref<2000xi32, #tpu.memory_space<vmem>>
    %dma_wait3A_55 = tpu.memref_slice %arg4[%mul3A_3] : memref<320000xi32, #tpu.memory_space<hbm>> -> memref<2000xi32, #tpu.memory_space<hbm>>
    %dma_wait3A_56 = arith.constant 0 : i32
    %dma_wait3A_57 = tpu.memref_slice %arg11[%dma_wait3A_56] : memref<4000xi32, #tpu.memory_space<vmem>> -> memref<2000xi32, #tpu.memory_space<vmem>>
    %dma_wait3A_58 = tpu.memref_slice %arg4[%mul3A_3] : memref<320000xi32, #tpu.memory_space<hbm>> -> memref<2000xi32, #tpu.memory_space<hbm>>
    tpu.wait_dma2 semaphore(%arg15 : memref<!tpu.dma_semaphore, #tpu.memory_space<semaphore_mem>>) src(%dma_wait3A_58 : memref<2000xi32, #tpu.memory_space<hbm>>) dst(%dma_wait3A_57 : memref<2000xi32, #tpu.memory_space<vmem>>)
    %scan3A_59 = arith.constant 0 : i32
    %scan3A_60 = arith.constant 0 : i32
    %scan3A_61 = arith.constant 125 : i32
    %scan3A_62 = arith.addi %scan3A_60, %scan3A_61 : i32
    %scan3A_63 = arith.constant 1 : i32
    %scan3A_64 = scf.for %scan3A_342 = %scan3A_60 to %scan3A_62 step %scan3A_63 iter_args(%scan3A_343 = %scan3A_59) -> (i32)  : i32 {
      %mul3A_344 = arith.constant 16 : i32
      %mul3A_345 = arith.muli %scan3A_342, %mul3A_344 : i32
      %add3A_346 = arith.constant 0 : i32
      %add3A_347 = arith.addi %add3A_346, %mul3A_345 : i32
      %get3A = arith.index_cast %add3A_347 : i32 to index
      %get3A_348 = tpu.vector_load %arg10[%get3A] {strides = array<i32>} : memref<4000xi32, #tpu.memory_space<vmem>>, vector<16xi32>,
      %add3A_349 = arith.constant 0 : i32
      %add3A_350 = arith.addi %add3A_349, %mul3A_345 : i32
      %get3A_351 = arith.index_cast %add3A_350 : i32 to index
      %get3A_352 = tpu.vector_load %arg11[%get3A_351] {strides = array<i32>} : memref<4000xi32, #tpu.memory_space<vmem>>, vector<16xi32>,
      %mul3A_353 = arith.constant 3 : i32
      %mul3A_354 = vector.broadcast %mul3A_353 : i32 to vector<16xi32>
      %mul3A_355 = arith.muli %get3A_348, %mul3A_354 : vector<16xi32>
      %mul3A_356 = arith.constant 3 : i32
      %mul3A_357 = vector.broadcast %mul3A_356 : i32 to vector<16xi32>
      %mul3A_358 = arith.muli %get3A_352, %mul3A_357 : vector<16xi32>
      %gather3A = tpu.vector_load_idx %arg8[%mul3A_355] : memref<30000xf32, #tpu.memory_space<vmem>>[vector<16xi32>], vector<16xf32>,
      %add3A_359 = arith.constant 1 : i32
      %add3A_360 = vector.broadcast %add3A_359 : i32 to vector<16xi32>
      %add3A_361 = arith.addi %mul3A_355, %add3A_360 : vector<16xi32>
      %gather3A_362 = tpu.vector_load_idx %arg8[%add3A_361] : memref<30000xf32, #tpu.memory_space<vmem>>[vector<16xi32>], vector<16xf32>,
      %add3A_363 = arith.constant 2 : i32
      %add3A_364 = vector.broadcast %add3A_363 : i32 to vector<16xi32>
      %add3A_365 = arith.addi %mul3A_355, %add3A_364 : vector<16xi32>
      %gather3A_366 = tpu.vector_load_idx %arg8[%add3A_365] : memref<30000xf32, #tpu.memory_space<vmem>>[vector<16xi32>], vector<16xf32>,
      %gather3A_367 = tpu.vector_load_idx %arg8[%mul3A_358] : memref<30000xf32, #tpu.memory_space<vmem>>[vector<16xi32>], vector<16xf32>,
      %add3A_368 = arith.constant 1 : i32
      %add3A_369 = vector.broadcast %add3A_368 : i32 to vector<16xi32>
      %add3A_370 = arith.addi %mul3A_358, %add3A_369 : vector<16xi32>
      %gather3A_371 = tpu.vector_load_idx %arg8[%add3A_370] : memref<30000xf32, #tpu.memory_space<vmem>>[vector<16xi32>], vector<16xf32>,
      %add3A_372 = arith.constant 2 : i32
      %add3A_373 = vector.broadcast %add3A_372 : i32 to vector<16xi32>
      %add3A_374 = arith.addi %mul3A_358, %add3A_373 : vector<16xi32>
      %gather3A_375 = tpu.vector_load_idx %arg8[%add3A_374] : memref<30000xf32, #tpu.memory_space<vmem>>[vector<16xi32>], vector<16xf32>,
      %sub3A = arith.subf %gather3A_367, %gather3A : vector<16xf32>
      %sub3A_376 = arith.subf %gather3A_371, %gather3A_362 : vector<16xf32>
      %sub3A_377 = arith.subf %gather3A_375, %gather3A_366 : vector<16xf32>
      %mul3A_378 = arith.mulf %sub3A, %sub3A : vector<16xf32>
      %mul3A_379 = arith.mulf %sub3A_376, %sub3A_376 : vector<16xf32>
      %add3A_380 = arith.addf %mul3A_378, %mul3A_379 : vector<16xf32>
      %mul3A_381 = arith.mulf %sub3A_377, %sub3A_377 : vector<16xf32>
      %add3A_382 = arith.addf %add3A_380, %mul3A_381 : vector<16xf32>
      %add3A_383 = arith.constant 9.99999996E-13 : f32
      %add3A_384 = vector.broadcast %add3A_383 : f32 to vector<16xf32>
      %add3A_385 = arith.addf %add3A_382, %add3A_384 : vector<16xf32>
      %bitcast3A = vector.bitcast %add3A_385 : vector<16xf32> to vector<16xi32>
      %shift_right_logical3A = arith.constant 1 : i32
      %shift_right_logical3A_386 = vector.broadcast %shift_right_logical3A : i32 to vector<16xi32>
      %shift_right_logical3A_387 = arith.shrui %bitcast3A, %shift_right_logical3A_386 : vector<16xi32>
      %sub3A_388 = arith.constant 1597463007 : i32
      %sub3A_389 = vector.broadcast %sub3A_388 : i32 to vector<16xi32>
      %sub3A_390 = arith.subi %sub3A_389, %shift_right_logical3A_387 : vector<16xi32>
      %bitcast3A_391 = vector.bitcast %sub3A_390 : vector<16xi32> to vector<16xf32>
      %mul3A_392 = arith.constant 5.000000e-01 : f32
      %mul3A_393 = vector.broadcast %mul3A_392 : f32 to vector<16xf32>
      %mul3A_394 = arith.mulf %mul3A_393, %add3A_385 : vector<16xf32>
      %mul3A_395 = arith.mulf %mul3A_394, %bitcast3A_391 : vector<16xf32>
      %mul3A_396 = arith.mulf %mul3A_395, %bitcast3A_391 : vector<16xf32>
      %sub3A_397 = arith.constant 1.500000e+00 : f32
      %sub3A_398 = vector.broadcast %sub3A_397 : f32 to vector<16xf32>
      %sub3A_399 = arith.subf %sub3A_398, %mul3A_396 : vector<16xf32>
      %mul3A_400 = arith.mulf %bitcast3A_391, %sub3A_399 : vector<16xf32>
      %mul3A_401 = arith.constant 5.000000e-01 : f32
      %mul3A_402 = vector.broadcast %mul3A_401 : f32 to vector<16xf32>
      %mul3A_403 = arith.mulf %mul3A_402, %add3A_385 : vector<16xf32>
      %mul3A_404 = arith.mulf %mul3A_403, %mul3A_400 : vector<16xf32>
      %mul3A_405 = arith.mulf %mul3A_404, %mul3A_400 : vector<16xf32>
      %sub3A_406 = arith.constant 1.500000e+00 : f32
      %sub3A_407 = vector.broadcast %sub3A_406 : f32 to vector<16xf32>
      %sub3A_408 = arith.subf %sub3A_407, %mul3A_405 : vector<16xf32>
      %mul3A_409 = arith.mulf %mul3A_400, %sub3A_408 : vector<16xf32>
      %mul3A_410 = arith.constant 5.000000e-01 : f32
      %mul3A_411 = vector.broadcast %mul3A_410 : f32 to vector<16xf32>
      %mul3A_412 = arith.mulf %mul3A_411, %add3A_385 : vector<16xf32>
      %mul3A_413 = arith.mulf %mul3A_412, %mul3A_409 : vector<16xf32>
      %mul3A_414 = arith.mulf %mul3A_413, %mul3A_409 : vector<16xf32>
      %sub3A_415 = arith.constant 1.500000e+00 : f32
      %sub3A_416 = vector.broadcast %sub3A_415 : f32 to vector<16xf32>
      %sub3A_417 = arith.subf %sub3A_416, %mul3A_414 : vector<16xf32>
      %mul3A_418 = arith.mulf %mul3A_409, %sub3A_417 : vector<16xf32>
      %mul3A_419 = arith.mulf %add3A_385, %mul3A_418 : vector<16xf32>
      %mul3A_420 = arith.constant 0.52359879 : f32
      %mul3A_421 = vector.broadcast %mul3A_420 : f32 to vector<16xf32>
      %mul3A_422 = arith.mulf %mul3A_419, %mul3A_421 : vector<16xf32>
      %min3A = arith.constant 3.14159274 : f32
      %min3A_423 = vector.broadcast %min3A : f32 to vector<16xf32>
      %min3A_424 = arith.minimumf %mul3A_422, %min3A_423 : vector<16xf32>
      %mul3A_425 = arith.mulf %min3A_424, %min3A_424 : vector<16xf32>
      %broadcast_in_dim3A_426 = arith.constant 1.72949777E-9 : f32
      %broadcast_in_dim3A_427 = vector.broadcast %broadcast_in_dim3A_426 : f32 to vector<16xf32>
      %mul3A_428 = arith.mulf %broadcast_in_dim3A_427, %mul3A_425 : vector<16xf32>
      %add3A_429 = arith.constant -2.70944724E-7 : f32
      %add3A_430 = vector.broadcast %add3A_429 : f32 to vector<16xf32>
      %add3A_431 = arith.addf %mul3A_428, %add3A_430 : vector<16xf32>
      %mul3A_432 = arith.mulf %add3A_431, %mul3A_425 : vector<16xf32>
      %add3A_433 = arith.constant 2.477170e-05 : f32
      %add3A_434 = vector.broadcast %add3A_433 : f32 to vector<16xf32>
      %add3A_435 = arith.addf %mul3A_432, %add3A_434 : vector<16xf32>
      %mul3A_436 = arith.mulf %add3A_435, %mul3A_425 : vector<16xf32>
      %add3A_437 = arith.constant -0.00138879044 : f32
      %add3A_438 = vector.broadcast %add3A_437 : f32 to vector<16xf32>
      %add3A_439 = arith.addf %mul3A_436, %add3A_438 : vector<16xf32>
      %mul3A_440 = arith.mulf %add3A_439, %mul3A_425 : vector<16xf32>
      %add3A_441 = arith.constant 0.0416665152 : f32
      %add3A_442 = vector.broadcast %add3A_441 : f32 to vector<16xf32>
      %add3A_443 = arith.addf %mul3A_440, %add3A_442 : vector<16xf32>
      %mul3A_444 = arith.mulf %add3A_443, %mul3A_425 : vector<16xf32>
      %add3A_445 = arith.constant -0.499999911 : f32
      %add3A_446 = vector.broadcast %add3A_445 : f32 to vector<16xf32>
      %add3A_447 = arith.addf %mul3A_444, %add3A_446 : vector<16xf32>
      %mul3A_448 = arith.mulf %add3A_447, %mul3A_425 : vector<16xf32>
      %add3A_449 = arith.constant 1.000000e+00 : f32
      %add3A_450 = vector.broadcast %add3A_449 : f32 to vector<16xf32>
      %add3A_451 = arith.addf %mul3A_448, %add3A_450 : vector<16xf32>
      %lt3A = arith.constant 6.000000e+00 : f32
      %lt3A_452 = vector.broadcast %lt3A : f32 to vector<16xf32>
      %lt3A_453 = arith.cmpf olt, %mul3A_419, %lt3A_452 : vector<16xf32>
      %add3A_454 = arith.constant 1.000000e+00 : f32
      %add3A_455 = vector.broadcast %add3A_454 : f32 to vector<16xf32>
      %add3A_456 = arith.addf %add3A_451, %add3A_455 : vector<16xf32>
      %mul3A_457 = arith.constant 5.000000e-01 : f32
      %mul3A_458 = vector.broadcast %mul3A_457 : f32 to vector<16xf32>
      %mul3A_459 = arith.mulf %mul3A_458, %add3A_456 : vector<16xf32>
      %jit3A = arith.constant 0.000000e+00 : f32
      %broadcast_in_dim3A_460 = vector.broadcast %jit3A : f32 to vector<16xf32>
      %select_n3A_461 = arith.select %lt3A_453, %mul3A_459, %broadcast_in_dim3A_460 : vector<16xi1>, vector<16xf32>
      %mul3A_462 = arith.constant 8 : i32
      %mul3A_463 = vector.broadcast %mul3A_462 : i32 to vector<16xi32>
      %mul3A_464 = arith.muli %get3A_348, %mul3A_463 : vector<16xi32>
      %sub3A_465 = arith.constant 0.000000e+00 : f32
      %sub3A_466 = vector.broadcast %sub3A_465 : f32 to vector<16xf32>
      %sub3A_467 = arith.subf %mul3A_419, %sub3A_466 : vector<16xf32>
      %mul3A_468 = arith.constant -5.000000e-01 : f32
      %mul3A_469 = vector.broadcast %mul3A_468 : f32 to vector<16xf32>
      %mul3A_470 = arith.mulf %mul3A_469, %sub3A_467 : vector<16xf32>
      %mul3A_471 = arith.mulf %mul3A_470, %sub3A_467 : vector<16xf32>
      %exp3A = math.exp %mul3A_471 : vector<16xf32>
      %mul3A_472 = arith.mulf %exp3A, %select_n3A_461 : vector<16xf32>
      %add3A_473 = arith.constant 0 : i32
      %add3A_474 = vector.broadcast %add3A_473 : i32 to vector<16xi32>
      %add3A_475 = arith.addi %mul3A_464, %add3A_474 : vector<16xi32>
      tpu.vector_store_idx %arg9[%add3A_475], %mul3A_472 masked %lt3A_453 {add = true} : memref<80000xf32, #tpu.memory_space<vmem>>[vector<16xi32>], vector<16xf32>, vector<16xi1>
      %sub3A_476 = arith.constant 0.857142865 : f32
      %sub3A_477 = vector.broadcast %sub3A_476 : f32 to vector<16xf32>
      %sub3A_478 = arith.subf %mul3A_419, %sub3A_477 : vector<16xf32>
      %mul3A_479 = arith.constant -5.000000e-01 : f32
      %mul3A_480 = vector.broadcast %mul3A_479 : f32 to vector<16xf32>
      %mul3A_481 = arith.mulf %mul3A_480, %sub3A_478 : vector<16xf32>
      %mul3A_482 = arith.mulf %mul3A_481, %sub3A_478 : vector<16xf32>
      %exp3A_483 = math.exp %mul3A_482 : vector<16xf32>
      %mul3A_484 = arith.mulf %exp3A_483, %select_n3A_461 : vector<16xf32>
      %add3A_485 = arith.constant 1 : i32
      %add3A_486 = vector.broadcast %add3A_485 : i32 to vector<16xi32>
      %add3A_487 = arith.addi %mul3A_464, %add3A_486 : vector<16xi32>
      tpu.vector_store_idx %arg9[%add3A_487], %mul3A_484 masked %lt3A_453 {add = true} : memref<80000xf32, #tpu.memory_space<vmem>>[vector<16xi32>], vector<16xf32>, vector<16xi1>
      %sub3A_488 = arith.constant 1.71428573 : f32
      %sub3A_489 = vector.broadcast %sub3A_488 : f32 to vector<16xf32>
      %sub3A_490 = arith.subf %mul3A_419, %sub3A_489 : vector<16xf32>
      %mul3A_491 = arith.constant -5.000000e-01 : f32
      %mul3A_492 = vector.broadcast %mul3A_491 : f32 to vector<16xf32>
      %mul3A_493 = arith.mulf %mul3A_492, %sub3A_490 : vector<16xf32>
      %mul3A_494 = arith.mulf %mul3A_493, %sub3A_490 : vector<16xf32>
      %exp3A_495 = math.exp %mul3A_494 : vector<16xf32>
      %mul3A_496 = arith.mulf %exp3A_495, %select_n3A_461 : vector<16xf32>
      %add3A_497 = arith.constant 2 : i32
      %add3A_498 = vector.broadcast %add3A_497 : i32 to vector<16xi32>
      %add3A_499 = arith.addi %mul3A_464, %add3A_498 : vector<16xi32>
      tpu.vector_store_idx %arg9[%add3A_499], %mul3A_496 masked %lt3A_453 {add = true} : memref<80000xf32, #tpu.memory_space<vmem>>[vector<16xi32>], vector<16xf32>, vector<16xi1>
      %sub3A_500 = arith.constant 2.57142854 : f32
      %sub3A_501 = vector.broadcast %sub3A_500 : f32 to vector<16xf32>
      %sub3A_502 = arith.subf %mul3A_419, %sub3A_501 : vector<16xf32>
      %mul3A_503 = arith.constant -5.000000e-01 : f32
      %mul3A_504 = vector.broadcast %mul3A_503 : f32 to vector<16xf32>
      %mul3A_505 = arith.mulf %mul3A_504, %sub3A_502 : vector<16xf32>
      %mul3A_506 = arith.mulf %mul3A_505, %sub3A_502 : vector<16xf32>
      %exp3A_507 = math.exp %mul3A_506 : vector<16xf32>
      %mul3A_508 = arith.mulf %exp3A_507, %select_n3A_461 : vector<16xf32>
      %add3A_509 = arith.constant 3 : i32
      %add3A_510 = vector.broadcast %add3A_509 : i32 to vector<16xi32>
      %add3A_511 = arith.addi %mul3A_464, %add3A_510 : vector<16xi32>
      tpu.vector_store_idx %arg9[%add3A_511], %mul3A_508 masked %lt3A_453 {add = true} : memref<80000xf32, #tpu.memory_space<vmem>>[vector<16xi32>], vector<16xf32>, vector<16xi1>
      %sub3A_512 = arith.constant 3.42857146 : f32
      %sub3A_513 = vector.broadcast %sub3A_512 : f32 to vector<16xf32>
      %sub3A_514 = arith.subf %mul3A_419, %sub3A_513 : vector<16xf32>
      %mul3A_515 = arith.constant -5.000000e-01 : f32
      %mul3A_516 = vector.broadcast %mul3A_515 : f32 to vector<16xf32>
      %mul3A_517 = arith.mulf %mul3A_516, %sub3A_514 : vector<16xf32>
      %mul3A_518 = arith.mulf %mul3A_517, %sub3A_514 : vector<16xf32>
      %exp3A_519 = math.exp %mul3A_518 : vector<16xf32>
      %mul3A_520 = arith.mulf %exp3A_519, %select_n3A_461 : vector<16xf32>
      %add3A_521 = arith.constant 4 : i32
      %add3A_522 = vector.broadcast %add3A_521 : i32 to vector<16xi32>
      %add3A_523 = arith.addi %mul3A_464, %add3A_522 : vector<16xi32>
      tpu.vector_store_idx %arg9[%add3A_523], %mul3A_520 masked %lt3A_453 {add = true} : memref<80000xf32, #tpu.memory_space<vmem>>[vector<16xi32>], vector<16xf32>, vector<16xi1>
      %sub3A_524 = arith.constant 4.28571415 : f32
      %sub3A_525 = vector.broadcast %sub3A_524 : f32 to vector<16xf32>
      %sub3A_526 = arith.subf %mul3A_419, %sub3A_525 : vector<16xf32>
      %mul3A_527 = arith.constant -5.000000e-01 : f32
      %mul3A_528 = vector.broadcast %mul3A_527 : f32 to vector<16xf32>
      %mul3A_529 = arith.mulf %mul3A_528, %sub3A_526 : vector<16xf32>
      %mul3A_530 = arith.mulf %mul3A_529, %sub3A_526 : vector<16xf32>
      %exp3A_531 = math.exp %mul3A_530 : vector<16xf32>
      %mul3A_532 = arith.mulf %exp3A_531, %select_n3A_461 : vector<16xf32>
      %add3A_533 = arith.constant 5 : i32
      %add3A_534 = vector.broadcast %add3A_533 : i32 to vector<16xi32>
      %add3A_535 = arith.addi %mul3A_464, %add3A_534 : vector<16xi32>
      tpu.vector_store_idx %arg9[%add3A_535], %mul3A_532 masked %lt3A_453 {add = true} : memref<80000xf32, #tpu.memory_space<vmem>>[vector<16xi32>], vector<16xf32>, vector<16xi1>
      %sub3A_536 = arith.constant 5.14285707 : f32
      %sub3A_537 = vector.broadcast %sub3A_536 : f32 to vector<16xf32>
      %sub3A_538 = arith.subf %mul3A_419, %sub3A_537 : vector<16xf32>
      %mul3A_539 = arith.constant -5.000000e-01 : f32
      %mul3A_540 = vector.broadcast %mul3A_539 : f32 to vector<16xf32>
      %mul3A_541 = arith.mulf %mul3A_540, %sub3A_538 : vector<16xf32>
      %mul3A_542 = arith.mulf %mul3A_541, %sub3A_538 : vector<16xf32>
      %exp3A_543 = math.exp %mul3A_542 : vector<16xf32>
      %mul3A_544 = arith.mulf %exp3A_543, %select_n3A_461 : vector<16xf32>
      %add3A_545 = arith.constant 6 : i32
      %add3A_546 = vector.broadcast %add3A_545 : i32 to vector<16xi32>
      %add3A_547 = arith.addi %mul3A_464, %add3A_546 : vector<16xi32>
      tpu.vector_store_idx %arg9[%add3A_547], %mul3A_544 masked %lt3A_453 {add = true} : memref<80000xf32, #tpu.memory_space<vmem>>[vector<16xi32>], vector<16xf32>, vector<16xi1>
      %sub3A_548 = arith.constant 6.000000e+00 : f32
      %sub3A_549 = vector.broadcast %sub3A_548 : f32 to vector<16xf32>
      %sub3A_550 = arith.subf %mul3A_419, %sub3A_549 : vector<16xf32>
      %mul3A_551 = arith.constant -5.000000e-01 : f32
      %mul3A_552 = vector.broadcast %mul3A_551 : f32 to vector<16xf32>
      %mul3A_553 = arith.mulf %mul3A_552, %sub3A_550 : vector<16xf32>
      %mul3A_554 = arith.mulf %mul3A_553, %sub3A_550 : vector<16xf32>
      %exp3A_555 = math.exp %mul3A_554 : vector<16xf32>
      %mul3A_556 = arith.mulf %exp3A_555, %select_n3A_461 : vector<16xf32>
      %add3A_557 = arith.constant 7 : i32
      %add3A_558 = vector.broadcast %add3A_557 : i32 to vector<16xi32>
      %add3A_559 = arith.addi %mul3A_464, %add3A_558 : vector<16xi32>
      tpu.vector_store_idx %arg9[%add3A_559], %mul3A_556 masked %lt3A_453 {add = true} : memref<80000xf32, #tpu.memory_space<vmem>>[vector<16xi32>], vector<16xf32>, vector<16xi1>
      %add3A_560 = arith.constant 0 : i32
      %add3A_561 = arith.addi %add3A_560, %scan3A_343 : i32
      %bitcast3A_562 = vector.bitcast %mul3A_464 : vector<16xi32> to vector<16xf32>
      %swap3A_563 = arith.index_cast %add3A_561 : i32 to index
      %swap3A_564 = tpu.vector_load %arg12[%swap3A_563] masked %lt3A_453 {strides = array<i32>} : memref<12288xf32, #tpu.memory_space<vmem>>, vector<16xf32>, vector<16xi1>
      tpu.vector_store %arg12[%swap3A_563], %bitcast3A_562 masked %lt3A_453 {strides = array<i32>} : memref<12288xf32, #tpu.memory_space<vmem>>, vector<16xf32>, vector<16xi1>
      %add3A_565 = arith.constant 1024 : i32
      %add3A_566 = arith.addi %add3A_565, %scan3A_343 : i32
      %bitcast3A_567 = vector.bitcast %get3A_352 : vector<16xi32> to vector<16xf32>
      %swap3A_568 = arith.index_cast %add3A_566 : i32 to index
      %swap3A_569 = tpu.vector_load %arg12[%swap3A_568] masked %lt3A_453 {strides = array<i32>} : memref<12288xf32, #tpu.memory_space<vmem>>, vector<16xf32>, vector<16xi1>
      tpu.vector_store %arg12[%swap3A_568], %bitcast3A_567 masked %lt3A_453 {strides = array<i32>} : memref<12288xf32, #tpu.memory_space<vmem>>, vector<16xf32>, vector<16xi1>
      %add3A_570 = arith.constant 2048 : i32
      %add3A_571 = arith.addi %add3A_570, %scan3A_343 : i32
      %swap3A_572 = arith.index_cast %add3A_571 : i32 to index
      %swap3A_573 = tpu.vector_load %arg12[%swap3A_572] masked %lt3A_453 {strides = array<i32>} : memref<12288xf32, #tpu.memory_space<vmem>>, vector<16xf32>, vector<16xi1>
      tpu.vector_store %arg12[%swap3A_572], %mul3A_419 masked %lt3A_453 {strides = array<i32>} : memref<12288xf32, #tpu.memory_space<vmem>>, vector<16xf32>, vector<16xi1>
      %add3A_574 = arith.constant 3072 : i32
      %add3A_575 = arith.addi %add3A_574, %scan3A_343 : i32
      %mul3A_576 = arith.mulf %sub3A, %mul3A_418 : vector<16xf32>
      %swap3A_577 = arith.index_cast %add3A_575 : i32 to index
      %swap3A_578 = tpu.vector_load %arg12[%swap3A_577] masked %lt3A_453 {strides = array<i32>} : memref<12288xf32, #tpu.memory_space<vmem>>, vector<16xf32>, vector<16xi1>
      tpu.vector_store %arg12[%swap3A_577], %mul3A_576 masked %lt3A_453 {strides = array<i32>} : memref<12288xf32, #tpu.memory_space<vmem>>, vector<16xf32>, vector<16xi1>
      %add3A_579 = arith.constant 4096 : i32
      %add3A_580 = arith.addi %add3A_579, %scan3A_343 : i32
      %mul3A_581 = arith.mulf %sub3A_376, %mul3A_418 : vector<16xf32>
      %swap3A_582 = arith.index_cast %add3A_580 : i32 to index
      %swap3A_583 = tpu.vector_load %arg12[%swap3A_582] masked %lt3A_453 {strides = array<i32>} : memref<12288xf32, #tpu.memory_space<vmem>>, vector<16xf32>, vector<16xi1>
      tpu.vector_store %arg12[%swap3A_582], %mul3A_581 masked %lt3A_453 {strides = array<i32>} : memref<12288xf32, #tpu.memory_space<vmem>>, vector<16xf32>, vector<16xi1>
      %add3A_584 = arith.constant 5120 : i32
      %add3A_585 = arith.addi %add3A_584, %scan3A_343 : i32
      %mul3A_586 = arith.mulf %sub3A_377, %mul3A_418 : vector<16xf32>
      %swap3A_587 = arith.index_cast %add3A_585 : i32 to index
      %swap3A_588 = tpu.vector_load %arg12[%swap3A_587] masked %lt3A_453 {strides = array<i32>} : memref<12288xf32, #tpu.memory_space<vmem>>, vector<16xf32>, vector<16xi1>
      tpu.vector_store %arg12[%swap3A_587], %mul3A_586 masked %lt3A_453 {strides = array<i32>} : memref<12288xf32, #tpu.memory_space<vmem>>, vector<16xf32>, vector<16xi1>
      %all_reduce_population_count3A = tpu.all_reduce %lt3A_453 {dim = 0 : i64, kind = #tpu.reduction_kind<sum>} : vector<16xi1> -> vector<16xi32>
      %slice3A = vector.extract_strided_slice %all_reduce_population_count3A {offsets = [0], sizes = [1], strides = [1]} : vector<16xi32> to vector<1xi32>
      %squeeze3A = vector.extract %slice3A[0] : i32 from vector<1xi32>
      %add3A_589 = arith.addi %scan3A_343, %squeeze3A : i32
      %min3A_590 = arith.constant 1008 : i32
      %min3A_591 = arith.minsi %add3A_589, %min3A_590 : i32
      scf.yield %min3A_591 : i32
    }
    %scan3A_65 = arith.constant 125 : i32
    %eq3A = arith.constant 0 : i32
    %eq3A_66 = vector.broadcast %eq3A : i32 to vector<16xi32>
    %eq3A_67 = arith.cmpi eq, %iota3A, %eq3A_66 : vector<16xi32>
    %broadcast_in_dim3A_68 = vector.broadcast %scan3A_64 : i32 to vector<16xi32>
    %select_n3A = arith.select %eq3A_67, %broadcast_in_dim3A_68, %broadcast_in_dim3A_1 : vector<16xi1>, vector<16xi32>
    %mul3A_69 = arith.constant 5 : i32
    %mul3A_70 = arith.muli %add3A, %mul3A_69 : i32
    %add3A_71 = arith.constant 0 : i32
    %add3A_72 = arith.addi %mul3A_70, %add3A_71 : i32
    %dma_start3A_73 = arith.constant 0 : i32
    %dma_start3A_74 = tpu.memref_slice %arg12[%dma_start3A_73] : memref<12288xf32, #tpu.memory_space<vmem>> -> memref<6144xf32, #tpu.memory_space<vmem>>
    %dma_start3A_75 = arith.constant 0 : i32
    %dma_start3A_76 = tpu.memref_slice %arg6[%add3A_72, %dma_start3A_75] : memref<160x6144xf32, #tpu.memory_space<hbm>> -> memref<1x6144xf32, #tpu.memory_space<hbm>>
    %dma_start3A_77 = tpu.memref_squeeze %dma_start3A_76 : memref<1x6144xf32, #tpu.memory_space<hbm>> -> memref<6144xf32, #tpu.memory_space<hbm>>
    %dma_start3A_78 = arith.constant 0 : i32
    %dma_start3A_79 = tpu.memref_slice %arg6[%add3A_72, %dma_start3A_78] : memref<160x6144xf32, #tpu.memory_space<hbm>> -> memref<1x6144xf32, #tpu.memory_space<hbm>>
    %dma_start3A_80 = tpu.memref_squeeze %dma_start3A_79 : memref<1x6144xf32, #tpu.memory_space<hbm>> -> memref<6144xf32, #tpu.memory_space<hbm>>
    %dma_start3A_81 = arith.constant 0 : i32
    %dma_start3A_82 = tpu.memref_slice %arg12[%dma_start3A_81] : memref<12288xf32, #tpu.memory_space<vmem>> -> memref<6144xf32, #tpu.memory_space<vmem>>
    tpu.enqueue_dma source(%dma_start3A_82 : memref<6144xf32, #tpu.memory_space<vmem>>) target(%dma_start3A_80 : memref<6144xf32, #tpu.memory_space<hbm>>) target_semaphore(%arg17 : memref<!tpu.dma_semaphore, #tpu.memory_space<semaphore_mem>>)
    %add3A_83 = arith.constant 2000 : i32
    %add3A_84 = arith.addi %mul3A_3, %add3A_83 : i32
    %add3A_85 = arith.constant 2000 : i32
    %add3A_86 = arith.addi %add3A_84, %add3A_85 : i32
    %dma_start3A_87 = arith.constant 0 : i32
    %dma_start3A_88 = tpu.memref_slice %arg10[%dma_start3A_87] : memref<4000xi32, #tpu.memory_space<vmem>> -> memref<2000xi32, #tpu.memory_space<vmem>>
    %dma_start3A_89 = tpu.memref_slice %arg3[%add3A_86] : memref<320000xi32, #tpu.memory_space<hbm>> -> memref<2000xi32, #tpu.memory_space<hbm>>
    %dma_start3A_90 = arith.constant 0 : i32
    %dma_start3A_91 = tpu.memref_slice %arg10[%dma_start3A_90] : memref<4000xi32, #tpu.memory_space<vmem>> -> memref<2000xi32, #tpu.memory_space<vmem>>
    %dma_start3A_92 = tpu.memref_slice %arg3[%add3A_86] : memref<320000xi32, #tpu.memory_space<hbm>> -> memref<2000xi32, #tpu.memory_space<hbm>>
    tpu.enqueue_dma source(%dma_start3A_92 : memref<2000xi32, #tpu.memory_space<hbm>>) target(%dma_start3A_91 : memref<2000xi32, #tpu.memory_space<vmem>>) target_semaphore(%arg15 : memref<!tpu.dma_semaphore, #tpu.memory_space<semaphore_mem>>)
    %add3A_93 = arith.constant 2000 : i32
    %add3A_94 = arith.addi %add3A_84, %add3A_93 : i32
    %dma_start3A_95 = arith.constant 0 : i32
    %dma_start3A_96 = tpu.memref_slice %arg11[%dma_start3A_95] : memref<4000xi32, #tpu.memory_space<vmem>> -> memref<2000xi32, #tpu.memory_space<vmem>>
    %dma_start3A_97 = tpu.memref_slice %arg4[%add3A_94] : memref<320000xi32, #tpu.memory_space<hbm>> -> memref<2000xi32, #tpu.memory_space<hbm>>
    %dma_start3A_98 = arith.constant 0 : i32
    %dma_start3A_99 = tpu.memref_slice %arg11[%dma_start3A_98] : memref<4000xi32, #tpu.memory_space<vmem>> -> memref<2000xi32, #tpu.memory_space<vmem>>
    %dma_start3A_100 = tpu.memref_slice %arg4[%add3A_94] : memref<320000xi32, #tpu.memory_space<hbm>> -> memref<2000xi32, #tpu.memory_space<hbm>>
    tpu.enqueue_dma source(%dma_start3A_100 : memref<2000xi32, #tpu.memory_space<hbm>>) target(%dma_start3A_99 : memref<2000xi32, #tpu.memory_space<vmem>>) target_semaphore(%arg15 : memref<!tpu.dma_semaphore, #tpu.memory_space<semaphore_mem>>)
    %dma_wait3A_101 = arith.constant 2000 : i32
    %dma_wait3A_102 = tpu.memref_slice %arg10[%dma_wait3A_101] : memref<4000xi32, #tpu.memory_space<vmem>> -> memref<2000xi32, #tpu.memory_space<vmem>>
    %dma_wait3A_103 = tpu.memref_slice %arg3[%add3A_33] : memref<320000xi32, #tpu.memory_space<hbm>> -> memref<2000xi32, #tpu.memory_space<hbm>>
    %dma_wait3A_104 = arith.constant 2000 : i32
    %dma_wait3A_105 = tpu.memref_slice %arg10[%dma_wait3A_104] : memref<4000xi32, #tpu.memory_space<vmem>> -> memref<2000xi32, #tpu.memory_space<vmem>>
    %dma_wait3A_106 = tpu.memref_slice %arg3[%add3A_33] : memref<320000xi32, #tpu.memory_space<hbm>> -> memref<2000xi32, #tpu.memory_space<hbm>>
    tpu.wait_dma2 semaphore(%arg16 : memref<!tpu.dma_semaphore, #tpu.memory_space<semaphore_mem>>) src(%dma_wait3A_106 : memref<2000xi32, #tpu.memory_space<hbm>>) dst(%dma_wait3A_105 : memref<2000xi32, #tpu.memory_space<vmem>>)
    %dma_wait3A_107 = arith.constant 2000 : i32
    %dma_wait3A_108 = tpu.memref_slice %arg11[%dma_wait3A_107] : memref<4000xi32, #tpu.memory_space<vmem>> -> memref<2000xi32, #tpu.memory_space<vmem>>
    %dma_wait3A_109 = tpu.memref_slice %arg4[%add3A_41] : memref<320000xi32, #tpu.memory_space<hbm>> -> memref<2000xi32, #tpu.memory_space<hbm>>
    %dma_wait3A_110 = arith.constant 2000 : i32
    %dma_wait3A_111 = tpu.memref_slice %arg11[%dma_wait3A_110] : memref<4000xi32, #tpu.memory_space<vmem>> -> memref<2000xi32, #tpu.memory_space<vmem>>
    %dma_wait3A_112 = tpu.memref_slice %arg4[%add3A_41] : memref<320000xi32, #tpu.memory_space<hbm>> -> memref<2000xi32, #tpu.memory_space<hbm>>
    tpu.wait_dma2 semaphore(%arg16 : memref<!tpu.dma_semaphore, #tpu.memory_space<semaphore_mem>>) src(%dma_wait3A_112 : memref<2000xi32, #tpu.memory_space<hbm>>) dst(%dma_wait3A_111 : memref<2000xi32, #tpu.memory_space<vmem>>)
    %scan3A_113 = arith.constant 0 : i32
    %scan3A_114 = arith.constant 0 : i32
    %scan3A_115 = arith.constant 125 : i32
    %scan3A_116 = arith.addi %scan3A_114, %scan3A_115 : i32
    %scan3A_117 = arith.constant 1 : i32
    %scan3A_118 = scf.for %scan3A_342 = %scan3A_114 to %scan3A_116 step %scan3A_117 iter_args(%scan3A_343 = %scan3A_113) -> (i32)  : i32 {
      %mul3A_344 = arith.constant 16 : i32
      %mul3A_345 = arith.muli %scan3A_342, %mul3A_344 : i32
      %add3A_346 = arith.constant 2000 : i32
      %add3A_347 = arith.addi %add3A_346, %mul3A_345 : i32
      %get3A = arith.index_cast %add3A_347 : i32 to index
      %get3A_348 = tpu.vector_load %arg10[%get3A] {strides = array<i32>} : memref<4000xi32, #tpu.memory_space<vmem>>, vector<16xi32>,
      %add3A_349 = arith.constant 2000 : i32
      %add3A_350 = arith.addi %add3A_349, %mul3A_345 : i32
      %get3A_351 = arith.index_cast %add3A_350 : i32 to index
      %get3A_352 = tpu.vector_load %arg11[%get3A_351] {strides = array<i32>} : memref<4000xi32, #tpu.memory_space<vmem>>, vector<16xi32>,
      %mul3A_353 = arith.constant 3 : i32
      %mul3A_354 = vector.broadcast %mul3A_353 : i32 to vector<16xi32>
      %mul3A_355 = arith.muli %get3A_348, %mul3A_354 : vector<16xi32>
      %mul3A_356 = arith.constant 3 : i32
      %mul3A_357 = vector.broadcast %mul3A_356 : i32 to vector<16xi32>
      %mul3A_358 = arith.muli %get3A_352, %mul3A_357 : vector<16xi32>
      %gather3A = tpu.vector_load_idx %arg8[%mul3A_355] : memref<30000xf32, #tpu.memory_space<vmem>>[vector<16xi32>], vector<16xf32>,
      %add3A_359 = arith.constant 1 : i32
      %add3A_360 = vector.broadcast %add3A_359 : i32 to vector<16xi32>
      %add3A_361 = arith.addi %mul3A_355, %add3A_360 : vector<16xi32>
      %gather3A_362 = tpu.vector_load_idx %arg8[%add3A_361] : memref<30000xf32, #tpu.memory_space<vmem>>[vector<16xi32>], vector<16xf32>,
      %add3A_363 = arith.constant 2 : i32
      %add3A_364 = vector.broadcast %add3A_363 : i32 to vector<16xi32>
      %add3A_365 = arith.addi %mul3A_355, %add3A_364 : vector<16xi32>
      %gather3A_366 = tpu.vector_load_idx %arg8[%add3A_365] : memref<30000xf32, #tpu.memory_space<vmem>>[vector<16xi32>], vector<16xf32>,
      %gather3A_367 = tpu.vector_load_idx %arg8[%mul3A_358] : memref<30000xf32, #tpu.memory_space<vmem>>[vector<16xi32>], vector<16xf32>,
      %add3A_368 = arith.constant 1 : i32
      %add3A_369 = vector.broadcast %add3A_368 : i32 to vector<16xi32>
      %add3A_370 = arith.addi %mul3A_358, %add3A_369 : vector<16xi32>
      %gather3A_371 = tpu.vector_load_idx %arg8[%add3A_370] : memref<30000xf32, #tpu.memory_space<vmem>>[vector<16xi32>], vector<16xf32>,
      %add3A_372 = arith.constant 2 : i32
      %add3A_373 = vector.broadcast %add3A_372 : i32 to vector<16xi32>
      %add3A_374 = arith.addi %mul3A_358, %add3A_373 : vector<16xi32>
      %gather3A_375 = tpu.vector_load_idx %arg8[%add3A_374] : memref<30000xf32, #tpu.memory_space<vmem>>[vector<16xi32>], vector<16xf32>,
      %sub3A = arith.subf %gather3A_367, %gather3A : vector<16xf32>
      %sub3A_376 = arith.subf %gather3A_371, %gather3A_362 : vector<16xf32>
      %sub3A_377 = arith.subf %gather3A_375, %gather3A_366 : vector<16xf32>
      %mul3A_378 = arith.mulf %sub3A, %sub3A : vector<16xf32>
      %mul3A_379 = arith.mulf %sub3A_376, %sub3A_376 : vector<16xf32>
      %add3A_380 = arith.addf %mul3A_378, %mul3A_379 : vector<16xf32>
      %mul3A_381 = arith.mulf %sub3A_377, %sub3A_377 : vector<16xf32>
      %add3A_382 = arith.addf %add3A_380, %mul3A_381 : vector<16xf32>
      %add3A_383 = arith.constant 9.99999996E-13 : f32
      %add3A_384 = vector.broadcast %add3A_383 : f32 to vector<16xf32>
      %add3A_385 = arith.addf %add3A_382, %add3A_384 : vector<16xf32>
      %bitcast3A = vector.bitcast %add3A_385 : vector<16xf32> to vector<16xi32>
      %shift_right_logical3A = arith.constant 1 : i32
      %shift_right_logical3A_386 = vector.broadcast %shift_right_logical3A : i32 to vector<16xi32>
      %shift_right_logical3A_387 = arith.shrui %bitcast3A, %shift_right_logical3A_386 : vector<16xi32>
      %sub3A_388 = arith.constant 1597463007 : i32
      %sub3A_389 = vector.broadcast %sub3A_388 : i32 to vector<16xi32>
      %sub3A_390 = arith.subi %sub3A_389, %shift_right_logical3A_387 : vector<16xi32>
      %bitcast3A_391 = vector.bitcast %sub3A_390 : vector<16xi32> to vector<16xf32>
      %mul3A_392 = arith.constant 5.000000e-01 : f32
      %mul3A_393 = vector.broadcast %mul3A_392 : f32 to vector<16xf32>
      %mul3A_394 = arith.mulf %mul3A_393, %add3A_385 : vector<16xf32>
      %mul3A_395 = arith.mulf %mul3A_394, %bitcast3A_391 : vector<16xf32>
      %mul3A_396 = arith.mulf %mul3A_395, %bitcast3A_391 : vector<16xf32>
      %sub3A_397 = arith.constant 1.500000e+00 : f32
      %sub3A_398 = vector.broadcast %sub3A_397 : f32 to vector<16xf32>
      %sub3A_399 = arith.subf %sub3A_398, %mul3A_396 : vector<16xf32>
      %mul3A_400 = arith.mulf %bitcast3A_391, %sub3A_399 : vector<16xf32>
      %mul3A_401 = arith.constant 5.000000e-01 : f32
      %mul3A_402 = vector.broadcast %mul3A_401 : f32 to vector<16xf32>
      %mul3A_403 = arith.mulf %mul3A_402, %add3A_385 : vector<16xf32>
      %mul3A_404 = arith.mulf %mul3A_403, %mul3A_400 : vector<16xf32>
      %mul3A_405 = arith.mulf %mul3A_404, %mul3A_400 : vector<16xf32>
      %sub3A_406 = arith.constant 1.500000e+00 : f32
      %sub3A_407 = vector.broadcast %sub3A_406 : f32 to vector<16xf32>
      %sub3A_408 = arith.subf %sub3A_407, %mul3A_405 : vector<16xf32>
      %mul3A_409 = arith.mulf %mul3A_400, %sub3A_408 : vector<16xf32>
      %mul3A_410 = arith.constant 5.000000e-01 : f32
      %mul3A_411 = vector.broadcast %mul3A_410 : f32 to vector<16xf32>
      %mul3A_412 = arith.mulf %mul3A_411, %add3A_385 : vector<16xf32>
      %mul3A_413 = arith.mulf %mul3A_412, %mul3A_409 : vector<16xf32>
      %mul3A_414 = arith.mulf %mul3A_413, %mul3A_409 : vector<16xf32>
      %sub3A_415 = arith.constant 1.500000e+00 : f32
      %sub3A_416 = vector.broadcast %sub3A_415 : f32 to vector<16xf32>
      %sub3A_417 = arith.subf %sub3A_416, %mul3A_414 : vector<16xf32>
      %mul3A_418 = arith.mulf %mul3A_409, %sub3A_417 : vector<16xf32>
      %mul3A_419 = arith.mulf %add3A_385, %mul3A_418 : vector<16xf32>
      %mul3A_420 = arith.constant 0.52359879 : f32
      %mul3A_421 = vector.broadcast %mul3A_420 : f32 to vector<16xf32>
      %mul3A_422 = arith.mulf %mul3A_419, %mul3A_421 : vector<16xf32>
      %min3A = arith.constant 3.14159274 : f32
      %min3A_423 = vector.broadcast %min3A : f32 to vector<16xf32>
      %min3A_424 = arith.minimumf %mul3A_422, %min3A_423 : vector<16xf32>
      %mul3A_425 = arith.mulf %min3A_424, %min3A_424 : vector<16xf32>
      %broadcast_in_dim3A_426 = arith.constant 1.72949777E-9 : f32
      %broadcast_in_dim3A_427 = vector.broadcast %broadcast_in_dim3A_426 : f32 to vector<16xf32>
      %mul3A_428 = arith.mulf %broadcast_in_dim3A_427, %mul3A_425 : vector<16xf32>
      %add3A_429 = arith.constant -2.70944724E-7 : f32
      %add3A_430 = vector.broadcast %add3A_429 : f32 to vector<16xf32>
      %add3A_431 = arith.addf %mul3A_428, %add3A_430 : vector<16xf32>
      %mul3A_432 = arith.mulf %add3A_431, %mul3A_425 : vector<16xf32>
      %add3A_433 = arith.constant 2.477170e-05 : f32
      %add3A_434 = vector.broadcast %add3A_433 : f32 to vector<16xf32>
      %add3A_435 = arith.addf %mul3A_432, %add3A_434 : vector<16xf32>
      %mul3A_436 = arith.mulf %add3A_435, %mul3A_425 : vector<16xf32>
      %add3A_437 = arith.constant -0.00138879044 : f32
      %add3A_438 = vector.broadcast %add3A_437 : f32 to vector<16xf32>
      %add3A_439 = arith.addf %mul3A_436, %add3A_438 : vector<16xf32>
      %mul3A_440 = arith.mulf %add3A_439, %mul3A_425 : vector<16xf32>
      %add3A_441 = arith.constant 0.0416665152 : f32
      %add3A_442 = vector.broadcast %add3A_441 : f32 to vector<16xf32>
      %add3A_443 = arith.addf %mul3A_440, %add3A_442 : vector<16xf32>
      %mul3A_444 = arith.mulf %add3A_443, %mul3A_425 : vector<16xf32>
      %add3A_445 = arith.constant -0.499999911 : f32
      %add3A_446 = vector.broadcast %add3A_445 : f32 to vector<16xf32>
      %add3A_447 = arith.addf %mul3A_444, %add3A_446 : vector<16xf32>
      %mul3A_448 = arith.mulf %add3A_447, %mul3A_425 : vector<16xf32>
      %add3A_449 = arith.constant 1.000000e+00 : f32
      %add3A_450 = vector.broadcast %add3A_449 : f32 to vector<16xf32>
      %add3A_451 = arith.addf %mul3A_448, %add3A_450 : vector<16xf32>
      %lt3A = arith.constant 6.000000e+00 : f32
      %lt3A_452 = vector.broadcast %lt3A : f32 to vector<16xf32>
      %lt3A_453 = arith.cmpf olt, %mul3A_419, %lt3A_452 : vector<16xf32>
      %add3A_454 = arith.constant 1.000000e+00 : f32
      %add3A_455 = vector.broadcast %add3A_454 : f32 to vector<16xf32>
      %add3A_456 = arith.addf %add3A_451, %add3A_455 : vector<16xf32>
      %mul3A_457 = arith.constant 5.000000e-01 : f32
      %mul3A_458 = vector.broadcast %mul3A_457 : f32 to vector<16xf32>
      %mul3A_459 = arith.mulf %mul3A_458, %add3A_456 : vector<16xf32>
      %jit3A = arith.constant 0.000000e+00 : f32
      %broadcast_in_dim3A_460 = vector.broadcast %jit3A : f32 to vector<16xf32>
      %select_n3A_461 = arith.select %lt3A_453, %mul3A_459, %broadcast_in_dim3A_460 : vector<16xi1>, vector<16xf32>
      %mul3A_462 = arith.constant 8 : i32
      %mul3A_463 = vector.broadcast %mul3A_462 : i32 to vector<16xi32>
      %mul3A_464 = arith.muli %get3A_348, %mul3A_463 : vector<16xi32>
      %sub3A_465 = arith.constant 0.000000e+00 : f32
      %sub3A_466 = vector.broadcast %sub3A_465 : f32 to vector<16xf32>
      %sub3A_467 = arith.subf %mul3A_419, %sub3A_466 : vector<16xf32>
      %mul3A_468 = arith.constant -5.000000e-01 : f32
      %mul3A_469 = vector.broadcast %mul3A_468 : f32 to vector<16xf32>
      %mul3A_470 = arith.mulf %mul3A_469, %sub3A_467 : vector<16xf32>
      %mul3A_471 = arith.mulf %mul3A_470, %sub3A_467 : vector<16xf32>
      %exp3A = math.exp %mul3A_471 : vector<16xf32>
      %mul3A_472 = arith.mulf %exp3A, %select_n3A_461 : vector<16xf32>
      %add3A_473 = arith.constant 0 : i32
      %add3A_474 = vector.broadcast %add3A_473 : i32 to vector<16xi32>
      %add3A_475 = arith.addi %mul3A_464, %add3A_474 : vector<16xi32>
      tpu.vector_store_idx %arg9[%add3A_475], %mul3A_472 masked %lt3A_453 {add = true} : memref<80000xf32, #tpu.memory_space<vmem>>[vector<16xi32>], vector<16xf32>, vector<16xi1>
      %sub3A_476 = arith.constant 0.857142865 : f32
      %sub3A_477 = vector.broadcast %sub3A_476 : f32 to vector<16xf32>
      %sub3A_478 = arith.subf %mul3A_419, %sub3A_477 : vector<16xf32>
      %mul3A_479 = arith.constant -5.000000e-01 : f32
      %mul3A_480 = vector.broadcast %mul3A_479 : f32 to vector<16xf32>
      %mul3A_481 = arith.mulf %mul3A_480, %sub3A_478 : vector<16xf32>
      %mul3A_482 = arith.mulf %mul3A_481, %sub3A_478 : vector<16xf32>
      %exp3A_483 = math.exp %mul3A_482 : vector<16xf32>
      %mul3A_484 = arith.mulf %exp3A_483, %select_n3A_461 : vector<16xf32>
      %add3A_485 = arith.constant 1 : i32
      %add3A_486 = vector.broadcast %add3A_485 : i32 to vector<16xi32>
      %add3A_487 = arith.addi %mul3A_464, %add3A_486 : vector<16xi32>
      tpu.vector_store_idx %arg9[%add3A_487], %mul3A_484 masked %lt3A_453 {add = true} : memref<80000xf32, #tpu.memory_space<vmem>>[vector<16xi32>], vector<16xf32>, vector<16xi1>
      %sub3A_488 = arith.constant 1.71428573 : f32
      %sub3A_489 = vector.broadcast %sub3A_488 : f32 to vector<16xf32>
      %sub3A_490 = arith.subf %mul3A_419, %sub3A_489 : vector<16xf32>
      %mul3A_491 = arith.constant -5.000000e-01 : f32
      %mul3A_492 = vector.broadcast %mul3A_491 : f32 to vector<16xf32>
      %mul3A_493 = arith.mulf %mul3A_492, %sub3A_490 : vector<16xf32>
      %mul3A_494 = arith.mulf %mul3A_493, %sub3A_490 : vector<16xf32>
      %exp3A_495 = math.exp %mul3A_494 : vector<16xf32>
      %mul3A_496 = arith.mulf %exp3A_495, %select_n3A_461 : vector<16xf32>
      %add3A_497 = arith.constant 2 : i32
      %add3A_498 = vector.broadcast %add3A_497 : i32 to vector<16xi32>
      %add3A_499 = arith.addi %mul3A_464, %add3A_498 : vector<16xi32>
      tpu.vector_store_idx %arg9[%add3A_499], %mul3A_496 masked %lt3A_453 {add = true} : memref<80000xf32, #tpu.memory_space<vmem>>[vector<16xi32>], vector<16xf32>, vector<16xi1>
      %sub3A_500 = arith.constant 2.57142854 : f32
      %sub3A_501 = vector.broadcast %sub3A_500 : f32 to vector<16xf32>
      %sub3A_502 = arith.subf %mul3A_419, %sub3A_501 : vector<16xf32>
      %mul3A_503 = arith.constant -5.000000e-01 : f32
      %mul3A_504 = vector.broadcast %mul3A_503 : f32 to vector<16xf32>
      %mul3A_505 = arith.mulf %mul3A_504, %sub3A_502 : vector<16xf32>
      %mul3A_506 = arith.mulf %mul3A_505, %sub3A_502 : vector<16xf32>
      %exp3A_507 = math.exp %mul3A_506 : vector<16xf32>
      %mul3A_508 = arith.mulf %exp3A_507, %select_n3A_461 : vector<16xf32>
      %add3A_509 = arith.constant 3 : i32
      %add3A_510 = vector.broadcast %add3A_509 : i32 to vector<16xi32>
      %add3A_511 = arith.addi %mul3A_464, %add3A_510 : vector<16xi32>
      tpu.vector_store_idx %arg9[%add3A_511], %mul3A_508 masked %lt3A_453 {add = true} : memref<80000xf32, #tpu.memory_space<vmem>>[vector<16xi32>], vector<16xf32>, vector<16xi1>
      %sub3A_512 = arith.constant 3.42857146 : f32
      %sub3A_513 = vector.broadcast %sub3A_512 : f32 to vector<16xf32>
      %sub3A_514 = arith.subf %mul3A_419, %sub3A_513 : vector<16xf32>
      %mul3A_515 = arith.constant -5.000000e-01 : f32
      %mul3A_516 = vector.broadcast %mul3A_515 : f32 to vector<16xf32>
      %mul3A_517 = arith.mulf %mul3A_516, %sub3A_514 : vector<16xf32>
      %mul3A_518 = arith.mulf %mul3A_517, %sub3A_514 : vector<16xf32>
      %exp3A_519 = math.exp %mul3A_518 : vector<16xf32>
      %mul3A_520 = arith.mulf %exp3A_519, %select_n3A_461 : vector<16xf32>
      %add3A_521 = arith.constant 4 : i32
      %add3A_522 = vector.broadcast %add3A_521 : i32 to vector<16xi32>
      %add3A_523 = arith.addi %mul3A_464, %add3A_522 : vector<16xi32>
      tpu.vector_store_idx %arg9[%add3A_523], %mul3A_520 masked %lt3A_453 {add = true} : memref<80000xf32, #tpu.memory_space<vmem>>[vector<16xi32>], vector<16xf32>, vector<16xi1>
      %sub3A_524 = arith.constant 4.28571415 : f32
      %sub3A_525 = vector.broadcast %sub3A_524 : f32 to vector<16xf32>
      %sub3A_526 = arith.subf %mul3A_419, %sub3A_525 : vector<16xf32>
      %mul3A_527 = arith.constant -5.000000e-01 : f32
      %mul3A_528 = vector.broadcast %mul3A_527 : f32 to vector<16xf32>
      %mul3A_529 = arith.mulf %mul3A_528, %sub3A_526 : vector<16xf32>
      %mul3A_530 = arith.mulf %mul3A_529, %sub3A_526 : vector<16xf32>
      %exp3A_531 = math.exp %mul3A_530 : vector<16xf32>
      %mul3A_532 = arith.mulf %exp3A_531, %select_n3A_461 : vector<16xf32>
      %add3A_533 = arith.constant 5 : i32
      %add3A_534 = vector.broadcast %add3A_533 : i32 to vector<16xi32>
      %add3A_535 = arith.addi %mul3A_464, %add3A_534 : vector<16xi32>
      tpu.vector_store_idx %arg9[%add3A_535], %mul3A_532 masked %lt3A_453 {add = true} : memref<80000xf32, #tpu.memory_space<vmem>>[vector<16xi32>], vector<16xf32>, vector<16xi1>
      %sub3A_536 = arith.constant 5.14285707 : f32
      %sub3A_537 = vector.broadcast %sub3A_536 : f32 to vector<16xf32>
      %sub3A_538 = arith.subf %mul3A_419, %sub3A_537 : vector<16xf32>
      %mul3A_539 = arith.constant -5.000000e-01 : f32
      %mul3A_540 = vector.broadcast %mul3A_539 : f32 to vector<16xf32>
      %mul3A_541 = arith.mulf %mul3A_540, %sub3A_538 : vector<16xf32>
      %mul3A_542 = arith.mulf %mul3A_541, %sub3A_538 : vector<16xf32>
      %exp3A_543 = math.exp %mul3A_542 : vector<16xf32>
      %mul3A_544 = arith.mulf %exp3A_543, %select_n3A_461 : vector<16xf32>
      %add3A_545 = arith.constant 6 : i32
      %add3A_546 = vector.broadcast %add3A_545 : i32 to vector<16xi32>
      %add3A_547 = arith.addi %mul3A_464, %add3A_546 : vector<16xi32>
      tpu.vector_store_idx %arg9[%add3A_547], %mul3A_544 masked %lt3A_453 {add = true} : memref<80000xf32, #tpu.memory_space<vmem>>[vector<16xi32>], vector<16xf32>, vector<16xi1>
      %sub3A_548 = arith.constant 6.000000e+00 : f32
      %sub3A_549 = vector.broadcast %sub3A_548 : f32 to vector<16xf32>
      %sub3A_550 = arith.subf %mul3A_419, %sub3A_549 : vector<16xf32>
      %mul3A_551 = arith.constant -5.000000e-01 : f32
      %mul3A_552 = vector.broadcast %mul3A_551 : f32 to vector<16xf32>
      %mul3A_553 = arith.mulf %mul3A_552, %sub3A_550 : vector<16xf32>
      %mul3A_554 = arith.mulf %mul3A_553, %sub3A_550 : vector<16xf32>
      %exp3A_555 = math.exp %mul3A_554 : vector<16xf32>
      %mul3A_556 = arith.mulf %exp3A_555, %select_n3A_461 : vector<16xf32>
      %add3A_557 = arith.constant 7 : i32
      %add3A_558 = vector.broadcast %add3A_557 : i32 to vector<16xi32>
      %add3A_559 = arith.addi %mul3A_464, %add3A_558 : vector<16xi32>
      tpu.vector_store_idx %arg9[%add3A_559], %mul3A_556 masked %lt3A_453 {add = true} : memref<80000xf32, #tpu.memory_space<vmem>>[vector<16xi32>], vector<16xf32>, vector<16xi1>
      %add3A_560 = arith.constant 6144 : i32
      %add3A_561 = arith.addi %add3A_560, %scan3A_343 : i32
      %bitcast3A_562 = vector.bitcast %mul3A_464 : vector<16xi32> to vector<16xf32>
      %swap3A_563 = arith.index_cast %add3A_561 : i32 to index
      %swap3A_564 = tpu.vector_load %arg12[%swap3A_563] masked %lt3A_453 {strides = array<i32>} : memref<12288xf32, #tpu.memory_space<vmem>>, vector<16xf32>, vector<16xi1>
      tpu.vector_store %arg12[%swap3A_563], %bitcast3A_562 masked %lt3A_453 {strides = array<i32>} : memref<12288xf32, #tpu.memory_space<vmem>>, vector<16xf32>, vector<16xi1>
      %add3A_565 = arith.constant 7168 : i32
      %add3A_566 = arith.addi %add3A_565, %scan3A_343 : i32
      %bitcast3A_567 = vector.bitcast %get3A_352 : vector<16xi32> to vector<16xf32>
      %swap3A_568 = arith.index_cast %add3A_566 : i32 to index
      %swap3A_569 = tpu.vector_load %arg12[%swap3A_568] masked %lt3A_453 {strides = array<i32>} : memref<12288xf32, #tpu.memory_space<vmem>>, vector<16xf32>, vector<16xi1>
      tpu.vector_store %arg12[%swap3A_568], %bitcast3A_567 masked %lt3A_453 {strides = array<i32>} : memref<12288xf32, #tpu.memory_space<vmem>>, vector<16xf32>, vector<16xi1>
      %add3A_570 = arith.constant 8192 : i32
      %add3A_571 = arith.addi %add3A_570, %scan3A_343 : i32
      %swap3A_572 = arith.index_cast %add3A_571 : i32 to index
      %swap3A_573 = tpu.vector_load %arg12[%swap3A_572] masked %lt3A_453 {strides = array<i32>} : memref<12288xf32, #tpu.memory_space<vmem>>, vector<16xf32>, vector<16xi1>
      tpu.vector_store %arg12[%swap3A_572], %mul3A_419 masked %lt3A_453 {strides = array<i32>} : memref<12288xf32, #tpu.memory_space<vmem>>, vector<16xf32>, vector<16xi1>
      %add3A_574 = arith.constant 9216 : i32
      %add3A_575 = arith.addi %add3A_574, %scan3A_343 : i32
      %mul3A_576 = arith.mulf %sub3A, %mul3A_418 : vector<16xf32>
      %swap3A_577 = arith.index_cast %add3A_575 : i32 to index
      %swap3A_578 = tpu.vector_load %arg12[%swap3A_577] masked %lt3A_453 {strides = array<i32>} : memref<12288xf32, #tpu.memory_space<vmem>>, vector<16xf32>, vector<16xi1>
      tpu.vector_store %arg12[%swap3A_577], %mul3A_576 masked %lt3A_453 {strides = array<i32>} : memref<12288xf32, #tpu.memory_space<vmem>>, vector<16xf32>, vector<16xi1>
      %add3A_579 = arith.constant 10240 : i32
      %add3A_580 = arith.addi %add3A_579, %scan3A_343 : i32
      %mul3A_581 = arith.mulf %sub3A_376, %mul3A_418 : vector<16xf32>
      %swap3A_582 = arith.index_cast %add3A_580 : i32 to index
      %swap3A_583 = tpu.vector_load %arg12[%swap3A_582] masked %lt3A_453 {strides = array<i32>} : memref<12288xf32, #tpu.memory_space<vmem>>, vector<16xf32>, vector<16xi1>
      tpu.vector_store %arg12[%swap3A_582], %mul3A_581 masked %lt3A_453 {strides = array<i32>} : memref<12288xf32, #tpu.memory_space<vmem>>, vector<16xf32>, vector<16xi1>
      %add3A_584 = arith.constant 11264 : i32
      %add3A_585 = arith.addi %add3A_584, %scan3A_343 : i32
      %mul3A_586 = arith.mulf %sub3A_377, %mul3A_418 : vector<16xf32>
      %swap3A_587 = arith.index_cast %add3A_585 : i32 to index
      %swap3A_588 = tpu.vector_load %arg12[%swap3A_587] masked %lt3A_453 {strides = array<i32>} : memref<12288xf32, #tpu.memory_space<vmem>>, vector<16xf32>, vector<16xi1>
      tpu.vector_store %arg12[%swap3A_587], %mul3A_586 masked %lt3A_453 {strides = array<i32>} : memref<12288xf32, #tpu.memory_space<vmem>>, vector<16xf32>, vector<16xi1>
      %all_reduce_population_count3A = tpu.all_reduce %lt3A_453 {dim = 0 : i64, kind = #tpu.reduction_kind<sum>} : vector<16xi1> -> vector<16xi32>
      %slice3A = vector.extract_strided_slice %all_reduce_population_count3A {offsets = [0], sizes = [1], strides = [1]} : vector<16xi32> to vector<1xi32>
      %squeeze3A = vector.extract %slice3A[0] : i32 from vector<1xi32>
      %add3A_589 = arith.addi %scan3A_343, %squeeze3A : i32
      %min3A_590 = arith.constant 1008 : i32
      %min3A_591 = arith.minsi %add3A_589, %min3A_590 : i32
      scf.yield %min3A_591 : i32
    }
    %scan3A_119 = arith.constant 125 : i32
    %eq3A_120 = arith.constant 1 : i32
    %eq3A_121 = vector.broadcast %eq3A_120 : i32 to vector<16xi32>
    %eq3A_122 = arith.cmpi eq, %iota3A, %eq3A_121 : vector<16xi32>
    %broadcast_in_dim3A_123 = vector.broadcast %scan3A_118 : i32 to vector<16xi32>
    %select_n3A_124 = arith.select %eq3A_122, %broadcast_in_dim3A_123, %select_n3A : vector<16xi1>, vector<16xi32>
    %mul3A_125 = arith.constant 5 : i32
    %mul3A_126 = arith.muli %add3A, %mul3A_125 : i32
    %add3A_127 = arith.constant 1 : i32
    %add3A_128 = arith.addi %mul3A_126, %add3A_127 : i32
    %dma_start3A_129 = arith.constant 6144 : i32
    %dma_start3A_130 = tpu.memref_slice %arg12[%dma_start3A_129] : memref<12288xf32, #tpu.memory_space<vmem>> -> memref<6144xf32, #tpu.memory_space<vmem>>
    %dma_start3A_131 = arith.constant 0 : i32
    %dma_start3A_132 = tpu.memref_slice %arg6[%add3A_128, %dma_start3A_131] : memref<160x6144xf32, #tpu.memory_space<hbm>> -> memref<1x6144xf32, #tpu.memory_space<hbm>>
    %dma_start3A_133 = tpu.memref_squeeze %dma_start3A_132 : memref<1x6144xf32, #tpu.memory_space<hbm>> -> memref<6144xf32, #tpu.memory_space<hbm>>
    %dma_start3A_134 = arith.constant 0 : i32
    %dma_start3A_135 = tpu.memref_slice %arg6[%add3A_128, %dma_start3A_134] : memref<160x6144xf32, #tpu.memory_space<hbm>> -> memref<1x6144xf32, #tpu.memory_space<hbm>>
    %dma_start3A_136 = tpu.memref_squeeze %dma_start3A_135 : memref<1x6144xf32, #tpu.memory_space<hbm>> -> memref<6144xf32, #tpu.memory_space<hbm>>
    %dma_start3A_137 = arith.constant 6144 : i32
    %dma_start3A_138 = tpu.memref_slice %arg12[%dma_start3A_137] : memref<12288xf32, #tpu.memory_space<vmem>> -> memref<6144xf32, #tpu.memory_space<vmem>>
    tpu.enqueue_dma source(%dma_start3A_138 : memref<6144xf32, #tpu.memory_space<vmem>>) target(%dma_start3A_136 : memref<6144xf32, #tpu.memory_space<hbm>>) target_semaphore(%arg18 : memref<!tpu.dma_semaphore, #tpu.memory_space<semaphore_mem>>)
    %add3A_139 = arith.constant 4000 : i32
    %add3A_140 = arith.addi %mul3A_3, %add3A_139 : i32
    %add3A_141 = arith.constant 2000 : i32
    %add3A_142 = arith.addi %add3A_140, %add3A_141 : i32
    %dma_start3A_143 = arith.constant 2000 : i32
    %dma_start3A_144 = tpu.memref_slice %arg10[%dma_start3A_143] : memref<4000xi32, #tpu.memory_space<vmem>> -> memref<2000xi32, #tpu.memory_space<vmem>>
    %dma_start3A_145 = tpu.memref_slice %arg3[%add3A_142] : memref<320000xi32, #tpu.memory_space<hbm>> -> memref<2000xi32, #tpu.memory_space<hbm>>
    %dma_start3A_146 = arith.constant 2000 : i32
    %dma_start3A_147 = tpu.memref_slice %arg10[%dma_start3A_146] : memref<4000xi32, #tpu.memory_space<vmem>> -> memref<2000xi32, #tpu.memory_space<vmem>>
    %dma_start3A_148 = tpu.memref_slice %arg3[%add3A_142] : memref<320000xi32, #tpu.memory_space<hbm>> -> memref<2000xi32, #tpu.memory_space<hbm>>
    tpu.enqueue_dma source(%dma_start3A_148 : memref<2000xi32, #tpu.memory_space<hbm>>) target(%dma_start3A_147 : memref<2000xi32, #tpu.memory_space<vmem>>) target_semaphore(%arg16 : memref<!tpu.dma_semaphore, #tpu.memory_space<semaphore_mem>>)
    %add3A_149 = arith.constant 2000 : i32
    %add3A_150 = arith.addi %add3A_140, %add3A_149 : i32
    %dma_start3A_151 = arith.constant 2000 : i32
    %dma_start3A_152 = tpu.memref_slice %arg11[%dma_start3A_151] : memref<4000xi32, #tpu.memory_space<vmem>> -> memref<2000xi32, #tpu.memory_space<vmem>>
    %dma_start3A_153 = tpu.memref_slice %arg4[%add3A_150] : memref<320000xi32, #tpu.memory_space<hbm>> -> memref<2000xi32, #tpu.memory_space<hbm>>
    %dma_start3A_154 = arith.constant 2000 : i32
    %dma_start3A_155 = tpu.memref_slice %arg11[%dma_start3A_154] : memref<4000xi32, #tpu.memory_space<vmem>> -> memref<2000xi32, #tpu.memory_space<vmem>>
    %dma_start3A_156 = tpu.memref_slice %arg4[%add3A_150] : memref<320000xi32, #tpu.memory_space<hbm>> -> memref<2000xi32, #tpu.memory_space<hbm>>
    tpu.enqueue_dma source(%dma_start3A_156 : memref<2000xi32, #tpu.memory_space<hbm>>) target(%dma_start3A_155 : memref<2000xi32, #tpu.memory_space<vmem>>) target_semaphore(%arg16 : memref<!tpu.dma_semaphore, #tpu.memory_space<semaphore_mem>>)
    %dma_wait3A_157 = arith.constant 0 : i32
    %dma_wait3A_158 = tpu.memref_slice %arg10[%dma_wait3A_157] : memref<4000xi32, #tpu.memory_space<vmem>> -> memref<2000xi32, #tpu.memory_space<vmem>>
    %dma_wait3A_159 = tpu.memref_slice %arg3[%add3A_86] : memref<320000xi32, #tpu.memory_space<hbm>> -> memref<2000xi32, #tpu.memory_space<hbm>>
    %dma_wait3A_160 = arith.constant 0 : i32
    %dma_wait3A_161 = tpu.memref_slice %arg10[%dma_wait3A_160] : memref<4000xi32, #tpu.memory_space<vmem>> -> memref<2000xi32, #tpu.memory_space<vmem>>
    %dma_wait3A_162 = tpu.memref_slice %arg3[%add3A_86] : memref<320000xi32, #tpu.memory_space<hbm>> -> memref<2000xi32, #tpu.memory_space<hbm>>
    tpu.wait_dma2 semaphore(%arg15 : memref<!tpu.dma_semaphore, #tpu.memory_space<semaphore_mem>>) src(%dma_wait3A_162 : memref<2000xi32, #tpu.memory_space<hbm>>) dst(%dma_wait3A_161 : memref<2000xi32, #tpu.memory_space<vmem>>)
    %dma_wait3A_163 = arith.constant 0 : i32
    %dma_wait3A_164 = tpu.memref_slice %arg11[%dma_wait3A_163] : memref<4000xi32, #tpu.memory_space<vmem>> -> memref<2000xi32, #tpu.memory_space<vmem>>
    %dma_wait3A_165 = tpu.memref_slice %arg4[%add3A_94] : memref<320000xi32, #tpu.memory_space<hbm>> -> memref<2000xi32, #tpu.memory_space<hbm>>
    %dma_wait3A_166 = arith.constant 0 : i32
    %dma_wait3A_167 = tpu.memref_slice %arg11[%dma_wait3A_166] : memref<4000xi32, #tpu.memory_space<vmem>> -> memref<2000xi32, #tpu.memory_space<vmem>>
    %dma_wait3A_168 = tpu.memref_slice %arg4[%add3A_94] : memref<320000xi32, #tpu.memory_space<hbm>> -> memref<2000xi32, #tpu.memory_space<hbm>>
    tpu.wait_dma2 semaphore(%arg15 : memref<!tpu.dma_semaphore, #tpu.memory_space<semaphore_mem>>) src(%dma_wait3A_168 : memref<2000xi32, #tpu.memory_space<hbm>>) dst(%dma_wait3A_167 : memref<2000xi32, #tpu.memory_space<vmem>>)
    %dma_wait3A_169 = arith.constant 0 : i32
    %dma_wait3A_170 = tpu.memref_slice %arg12[%dma_wait3A_169] : memref<12288xf32, #tpu.memory_space<vmem>> -> memref<6144xf32, #tpu.memory_space<vmem>>
    %dma_wait3A_171 = arith.constant 0 : i32
    %dma_wait3A_172 = tpu.memref_slice %arg6[%add3A_72, %dma_wait3A_171] : memref<160x6144xf32, #tpu.memory_space<hbm>> -> memref<1x6144xf32, #tpu.memory_space<hbm>>
    %dma_wait3A_173 = tpu.memref_squeeze %dma_wait3A_172 : memref<1x6144xf32, #tpu.memory_space<hbm>> -> memref<6144xf32, #tpu.memory_space<hbm>>
    %dma_wait3A_174 = arith.constant 0 : i32
    %dma_wait3A_175 = tpu.memref_slice %arg6[%add3A_72, %dma_wait3A_174] : memref<160x6144xf32, #tpu.memory_space<hbm>> -> memref<1x6144xf32, #tpu.memory_space<hbm>>
    %dma_wait3A_176 = tpu.memref_squeeze %dma_wait3A_175 : memref<1x6144xf32, #tpu.memory_space<hbm>> -> memref<6144xf32, #tpu.memory_space<hbm>>
    %dma_wait3A_177 = arith.constant 0 : i32
    %dma_wait3A_178 = tpu.memref_slice %arg12[%dma_wait3A_177] : memref<12288xf32, #tpu.memory_space<vmem>> -> memref<6144xf32, #tpu.memory_space<vmem>>
    tpu.wait_dma2 semaphore(%arg17 : memref<!tpu.dma_semaphore, #tpu.memory_space<semaphore_mem>>) src(%dma_wait3A_178 : memref<6144xf32, #tpu.memory_space<vmem>>) dst(%dma_wait3A_176 : memref<6144xf32, #tpu.memory_space<hbm>>)
    %scan3A_179 = arith.constant 0 : i32
    %scan3A_180 = arith.constant 0 : i32
    %scan3A_181 = arith.constant 125 : i32
    %scan3A_182 = arith.addi %scan3A_180, %scan3A_181 : i32
    %scan3A_183 = arith.constant 1 : i32
    %scan3A_184 = scf.for %scan3A_342 = %scan3A_180 to %scan3A_182 step %scan3A_183 iter_args(%scan3A_343 = %scan3A_179) -> (i32)  : i32 {
      %mul3A_344 = arith.constant 16 : i32
      %mul3A_345 = arith.muli %scan3A_342, %mul3A_344 : i32
      %add3A_346 = arith.constant 0 : i32
      %add3A_347 = arith.addi %add3A_346, %mul3A_345 : i32
      %get3A = arith.index_cast %add3A_347 : i32 to index
      %get3A_348 = tpu.vector_load %arg10[%get3A] {strides = array<i32>} : memref<4000xi32, #tpu.memory_space<vmem>>, vector<16xi32>,
      %add3A_349 = arith.constant 0 : i32
      %add3A_350 = arith.addi %add3A_349, %mul3A_345 : i32
      %get3A_351 = arith.index_cast %add3A_350 : i32 to index
      %get3A_352 = tpu.vector_load %arg11[%get3A_351] {strides = array<i32>} : memref<4000xi32, #tpu.memory_space<vmem>>, vector<16xi32>,
      %mul3A_353 = arith.constant 3 : i32
      %mul3A_354 = vector.broadcast %mul3A_353 : i32 to vector<16xi32>
      %mul3A_355 = arith.muli %get3A_348, %mul3A_354 : vector<16xi32>
      %mul3A_356 = arith.constant 3 : i32
      %mul3A_357 = vector.broadcast %mul3A_356 : i32 to vector<16xi32>
      %mul3A_358 = arith.muli %get3A_352, %mul3A_357 : vector<16xi32>
      %gather3A = tpu.vector_load_idx %arg8[%mul3A_355] : memref<30000xf32, #tpu.memory_space<vmem>>[vector<16xi32>], vector<16xf32>,
      %add3A_359 = arith.constant 1 : i32
      %add3A_360 = vector.broadcast %add3A_359 : i32 to vector<16xi32>
      %add3A_361 = arith.addi %mul3A_355, %add3A_360 : vector<16xi32>
      %gather3A_362 = tpu.vector_load_idx %arg8[%add3A_361] : memref<30000xf32, #tpu.memory_space<vmem>>[vector<16xi32>], vector<16xf32>,
      %add3A_363 = arith.constant 2 : i32
      %add3A_364 = vector.broadcast %add3A_363 : i32 to vector<16xi32>
      %add3A_365 = arith.addi %mul3A_355, %add3A_364 : vector<16xi32>
      %gather3A_366 = tpu.vector_load_idx %arg8[%add3A_365] : memref<30000xf32, #tpu.memory_space<vmem>>[vector<16xi32>], vector<16xf32>,
      %gather3A_367 = tpu.vector_load_idx %arg8[%mul3A_358] : memref<30000xf32, #tpu.memory_space<vmem>>[vector<16xi32>], vector<16xf32>,
      %add3A_368 = arith.constant 1 : i32
      %add3A_369 = vector.broadcast %add3A_368 : i32 to vector<16xi32>
      %add3A_370 = arith.addi %mul3A_358, %add3A_369 : vector<16xi32>
      %gather3A_371 = tpu.vector_load_idx %arg8[%add3A_370] : memref<30000xf32, #tpu.memory_space<vmem>>[vector<16xi32>], vector<16xf32>,
      %add3A_372 = arith.constant 2 : i32
      %add3A_373 = vector.broadcast %add3A_372 : i32 to vector<16xi32>
      %add3A_374 = arith.addi %mul3A_358, %add3A_373 : vector<16xi32>
      %gather3A_375 = tpu.vector_load_idx %arg8[%add3A_374] : memref<30000xf32, #tpu.memory_space<vmem>>[vector<16xi32>], vector<16xf32>,
      %sub3A = arith.subf %gather3A_367, %gather3A : vector<16xf32>
      %sub3A_376 = arith.subf %gather3A_371, %gather3A_362 : vector<16xf32>
      %sub3A_377 = arith.subf %gather3A_375, %gather3A_366 : vector<16xf32>
      %mul3A_378 = arith.mulf %sub3A, %sub3A : vector<16xf32>
      %mul3A_379 = arith.mulf %sub3A_376, %sub3A_376 : vector<16xf32>
      %add3A_380 = arith.addf %mul3A_378, %mul3A_379 : vector<16xf32>
      %mul3A_381 = arith.mulf %sub3A_377, %sub3A_377 : vector<16xf32>
      %add3A_382 = arith.addf %add3A_380, %mul3A_381 : vector<16xf32>
      %add3A_383 = arith.constant 9.99999996E-13 : f32
      %add3A_384 = vector.broadcast %add3A_383 : f32 to vector<16xf32>
      %add3A_385 = arith.addf %add3A_382, %add3A_384 : vector<16xf32>
      %bitcast3A = vector.bitcast %add3A_385 : vector<16xf32> to vector<16xi32>
      %shift_right_logical3A = arith.constant 1 : i32
      %shift_right_logical3A_386 = vector.broadcast %shift_right_logical3A : i32 to vector<16xi32>
      %shift_right_logical3A_387 = arith.shrui %bitcast3A, %shift_right_logical3A_386 : vector<16xi32>
      %sub3A_388 = arith.constant 1597463007 : i32
      %sub3A_389 = vector.broadcast %sub3A_388 : i32 to vector<16xi32>
      %sub3A_390 = arith.subi %sub3A_389, %shift_right_logical3A_387 : vector<16xi32>
      %bitcast3A_391 = vector.bitcast %sub3A_390 : vector<16xi32> to vector<16xf32>
      %mul3A_392 = arith.constant 5.000000e-01 : f32
      %mul3A_393 = vector.broadcast %mul3A_392 : f32 to vector<16xf32>
      %mul3A_394 = arith.mulf %mul3A_393, %add3A_385 : vector<16xf32>
      %mul3A_395 = arith.mulf %mul3A_394, %bitcast3A_391 : vector<16xf32>
      %mul3A_396 = arith.mulf %mul3A_395, %bitcast3A_391 : vector<16xf32>
      %sub3A_397 = arith.constant 1.500000e+00 : f32
      %sub3A_398 = vector.broadcast %sub3A_397 : f32 to vector<16xf32>
      %sub3A_399 = arith.subf %sub3A_398, %mul3A_396 : vector<16xf32>
      %mul3A_400 = arith.mulf %bitcast3A_391, %sub3A_399 : vector<16xf32>
      %mul3A_401 = arith.constant 5.000000e-01 : f32
      %mul3A_402 = vector.broadcast %mul3A_401 : f32 to vector<16xf32>
      %mul3A_403 = arith.mulf %mul3A_402, %add3A_385 : vector<16xf32>
      %mul3A_404 = arith.mulf %mul3A_403, %mul3A_400 : vector<16xf32>
      %mul3A_405 = arith.mulf %mul3A_404, %mul3A_400 : vector<16xf32>
      %sub3A_406 = arith.constant 1.500000e+00 : f32
      %sub3A_407 = vector.broadcast %sub3A_406 : f32 to vector<16xf32>
      %sub3A_408 = arith.subf %sub3A_407, %mul3A_405 : vector<16xf32>
      %mul3A_409 = arith.mulf %mul3A_400, %sub3A_408 : vector<16xf32>
      %mul3A_410 = arith.constant 5.000000e-01 : f32
      %mul3A_411 = vector.broadcast %mul3A_410 : f32 to vector<16xf32>
      %mul3A_412 = arith.mulf %mul3A_411, %add3A_385 : vector<16xf32>
      %mul3A_413 = arith.mulf %mul3A_412, %mul3A_409 : vector<16xf32>
      %mul3A_414 = arith.mulf %mul3A_413, %mul3A_409 : vector<16xf32>
      %sub3A_415 = arith.constant 1.500000e+00 : f32
      %sub3A_416 = vector.broadcast %sub3A_415 : f32 to vector<16xf32>
      %sub3A_417 = arith.subf %sub3A_416, %mul3A_414 : vector<16xf32>
      %mul3A_418 = arith.mulf %mul3A_409, %sub3A_417 : vector<16xf32>
      %mul3A_419 = arith.mulf %add3A_385, %mul3A_418 : vector<16xf32>
      %mul3A_420 = arith.constant 0.52359879 : f32
      %mul3A_421 = vector.broadcast %mul3A_420 : f32 to vector<16xf32>
      %mul3A_422 = arith.mulf %mul3A_419, %mul3A_421 : vector<16xf32>
      %min3A = arith.constant 3.14159274 : f32
      %min3A_423 = vector.broadcast %min3A : f32 to vector<16xf32>
      %min3A_424 = arith.minimumf %mul3A_422, %min3A_423 : vector<16xf32>
      %mul3A_425 = arith.mulf %min3A_424, %min3A_424 : vector<16xf32>
      %broadcast_in_dim3A_426 = arith.constant 1.72949777E-9 : f32
      %broadcast_in_dim3A_427 = vector.broadcast %broadcast_in_dim3A_426 : f32 to vector<16xf32>
      %mul3A_428 = arith.mulf %broadcast_in_dim3A_427, %mul3A_425 : vector<16xf32>
      %add3A_429 = arith.constant -2.70944724E-7 : f32
      %add3A_430 = vector.broadcast %add3A_429 : f32 to vector<16xf32>
      %add3A_431 = arith.addf %mul3A_428, %add3A_430 : vector<16xf32>
      %mul3A_432 = arith.mulf %add3A_431, %mul3A_425 : vector<16xf32>
      %add3A_433 = arith.constant 2.477170e-05 : f32
      %add3A_434 = vector.broadcast %add3A_433 : f32 to vector<16xf32>
      %add3A_435 = arith.addf %mul3A_432, %add3A_434 : vector<16xf32>
      %mul3A_436 = arith.mulf %add3A_435, %mul3A_425 : vector<16xf32>
      %add3A_437 = arith.constant -0.00138879044 : f32
      %add3A_438 = vector.broadcast %add3A_437 : f32 to vector<16xf32>
      %add3A_439 = arith.addf %mul3A_436, %add3A_438 : vector<16xf32>
      %mul3A_440 = arith.mulf %add3A_439, %mul3A_425 : vector<16xf32>
      %add3A_441 = arith.constant 0.0416665152 : f32
      %add3A_442 = vector.broadcast %add3A_441 : f32 to vector<16xf32>
      %add3A_443 = arith.addf %mul3A_440, %add3A_442 : vector<16xf32>
      %mul3A_444 = arith.mulf %add3A_443, %mul3A_425 : vector<16xf32>
      %add3A_445 = arith.constant -0.499999911 : f32
      %add3A_446 = vector.broadcast %add3A_445 : f32 to vector<16xf32>
      %add3A_447 = arith.addf %mul3A_444, %add3A_446 : vector<16xf32>
      %mul3A_448 = arith.mulf %add3A_447, %mul3A_425 : vector<16xf32>
      %add3A_449 = arith.constant 1.000000e+00 : f32
      %add3A_450 = vector.broadcast %add3A_449 : f32 to vector<16xf32>
      %add3A_451 = arith.addf %mul3A_448, %add3A_450 : vector<16xf32>
      %lt3A = arith.constant 6.000000e+00 : f32
      %lt3A_452 = vector.broadcast %lt3A : f32 to vector<16xf32>
      %lt3A_453 = arith.cmpf olt, %mul3A_419, %lt3A_452 : vector<16xf32>
      %add3A_454 = arith.constant 1.000000e+00 : f32
      %add3A_455 = vector.broadcast %add3A_454 : f32 to vector<16xf32>
      %add3A_456 = arith.addf %add3A_451, %add3A_455 : vector<16xf32>
      %mul3A_457 = arith.constant 5.000000e-01 : f32
      %mul3A_458 = vector.broadcast %mul3A_457 : f32 to vector<16xf32>
      %mul3A_459 = arith.mulf %mul3A_458, %add3A_456 : vector<16xf32>
      %jit3A = arith.constant 0.000000e+00 : f32
      %broadcast_in_dim3A_460 = vector.broadcast %jit3A : f32 to vector<16xf32>
      %select_n3A_461 = arith.select %lt3A_453, %mul3A_459, %broadcast_in_dim3A_460 : vector<16xi1>, vector<16xf32>
      %mul3A_462 = arith.constant 8 : i32
      %mul3A_463 = vector.broadcast %mul3A_462 : i32 to vector<16xi32>
      %mul3A_464 = arith.muli %get3A_348, %mul3A_463 : vector<16xi32>
      %sub3A_465 = arith.constant 0.000000e+00 : f32
      %sub3A_466 = vector.broadcast %sub3A_465 : f32 to vector<16xf32>
      %sub3A_467 = arith.subf %mul3A_419, %sub3A_466 : vector<16xf32>
      %mul3A_468 = arith.constant -5.000000e-01 : f32
      %mul3A_469 = vector.broadcast %mul3A_468 : f32 to vector<16xf32>
      %mul3A_470 = arith.mulf %mul3A_469, %sub3A_467 : vector<16xf32>
      %mul3A_471 = arith.mulf %mul3A_470, %sub3A_467 : vector<16xf32>
      %exp3A = math.exp %mul3A_471 : vector<16xf32>
      %mul3A_472 = arith.mulf %exp3A, %select_n3A_461 : vector<16xf32>
      %add3A_473 = arith.constant 0 : i32
      %add3A_474 = vector.broadcast %add3A_473 : i32 to vector<16xi32>
      %add3A_475 = arith.addi %mul3A_464, %add3A_474 : vector<16xi32>
      tpu.vector_store_idx %arg9[%add3A_475], %mul3A_472 masked %lt3A_453 {add = true} : memref<80000xf32, #tpu.memory_space<vmem>>[vector<16xi32>], vector<16xf32>, vector<16xi1>
      %sub3A_476 = arith.constant 0.857142865 : f32
      %sub3A_477 = vector.broadcast %sub3A_476 : f32 to vector<16xf32>
      %sub3A_478 = arith.subf %mul3A_419, %sub3A_477 : vector<16xf32>
      %mul3A_479 = arith.constant -5.000000e-01 : f32
      %mul3A_480 = vector.broadcast %mul3A_479 : f32 to vector<16xf32>
      %mul3A_481 = arith.mulf %mul3A_480, %sub3A_478 : vector<16xf32>
      %mul3A_482 = arith.mulf %mul3A_481, %sub3A_478 : vector<16xf32>
      %exp3A_483 = math.exp %mul3A_482 : vector<16xf32>
      %mul3A_484 = arith.mulf %exp3A_483, %select_n3A_461 : vector<16xf32>
      %add3A_485 = arith.constant 1 : i32
      %add3A_486 = vector.broadcast %add3A_485 : i32 to vector<16xi32>
      %add3A_487 = arith.addi %mul3A_464, %add3A_486 : vector<16xi32>
      tpu.vector_store_idx %arg9[%add3A_487], %mul3A_484 masked %lt3A_453 {add = true} : memref<80000xf32, #tpu.memory_space<vmem>>[vector<16xi32>], vector<16xf32>, vector<16xi1>
      %sub3A_488 = arith.constant 1.71428573 : f32
      %sub3A_489 = vector.broadcast %sub3A_488 : f32 to vector<16xf32>
      %sub3A_490 = arith.subf %mul3A_419, %sub3A_489 : vector<16xf32>
      %mul3A_491 = arith.constant -5.000000e-01 : f32
      %mul3A_492 = vector.broadcast %mul3A_491 : f32 to vector<16xf32>
      %mul3A_493 = arith.mulf %mul3A_492, %sub3A_490 : vector<16xf32>
      %mul3A_494 = arith.mulf %mul3A_493, %sub3A_490 : vector<16xf32>
      %exp3A_495 = math.exp %mul3A_494 : vector<16xf32>
      %mul3A_496 = arith.mulf %exp3A_495, %select_n3A_461 : vector<16xf32>
      %add3A_497 = arith.constant 2 : i32
      %add3A_498 = vector.broadcast %add3A_497 : i32 to vector<16xi32>
      %add3A_499 = arith.addi %mul3A_464, %add3A_498 : vector<16xi32>
      tpu.vector_store_idx %arg9[%add3A_499], %mul3A_496 masked %lt3A_453 {add = true} : memref<80000xf32, #tpu.memory_space<vmem>>[vector<16xi32>], vector<16xf32>, vector<16xi1>
      %sub3A_500 = arith.constant 2.57142854 : f32
      %sub3A_501 = vector.broadcast %sub3A_500 : f32 to vector<16xf32>
      %sub3A_502 = arith.subf %mul3A_419, %sub3A_501 : vector<16xf32>
      %mul3A_503 = arith.constant -5.000000e-01 : f32
      %mul3A_504 = vector.broadcast %mul3A_503 : f32 to vector<16xf32>
      %mul3A_505 = arith.mulf %mul3A_504, %sub3A_502 : vector<16xf32>
      %mul3A_506 = arith.mulf %mul3A_505, %sub3A_502 : vector<16xf32>
      %exp3A_507 = math.exp %mul3A_506 : vector<16xf32>
      %mul3A_508 = arith.mulf %exp3A_507, %select_n3A_461 : vector<16xf32>
      %add3A_509 = arith.constant 3 : i32
      %add3A_510 = vector.broadcast %add3A_509 : i32 to vector<16xi32>
      %add3A_511 = arith.addi %mul3A_464, %add3A_510 : vector<16xi32>
      tpu.vector_store_idx %arg9[%add3A_511], %mul3A_508 masked %lt3A_453 {add = true} : memref<80000xf32, #tpu.memory_space<vmem>>[vector<16xi32>], vector<16xf32>, vector<16xi1>
      %sub3A_512 = arith.constant 3.42857146 : f32
      %sub3A_513 = vector.broadcast %sub3A_512 : f32 to vector<16xf32>
      %sub3A_514 = arith.subf %mul3A_419, %sub3A_513 : vector<16xf32>
      %mul3A_515 = arith.constant -5.000000e-01 : f32
      %mul3A_516 = vector.broadcast %mul3A_515 : f32 to vector<16xf32>
      %mul3A_517 = arith.mulf %mul3A_516, %sub3A_514 : vector<16xf32>
      %mul3A_518 = arith.mulf %mul3A_517, %sub3A_514 : vector<16xf32>
      %exp3A_519 = math.exp %mul3A_518 : vector<16xf32>
      %mul3A_520 = arith.mulf %exp3A_519, %select_n3A_461 : vector<16xf32>
      %add3A_521 = arith.constant 4 : i32
      %add3A_522 = vector.broadcast %add3A_521 : i32 to vector<16xi32>
      %add3A_523 = arith.addi %mul3A_464, %add3A_522 : vector<16xi32>
      tpu.vector_store_idx %arg9[%add3A_523], %mul3A_520 masked %lt3A_453 {add = true} : memref<80000xf32, #tpu.memory_space<vmem>>[vector<16xi32>], vector<16xf32>, vector<16xi1>
      %sub3A_524 = arith.constant 4.28571415 : f32
      %sub3A_525 = vector.broadcast %sub3A_524 : f32 to vector<16xf32>
      %sub3A_526 = arith.subf %mul3A_419, %sub3A_525 : vector<16xf32>
      %mul3A_527 = arith.constant -5.000000e-01 : f32
      %mul3A_528 = vector.broadcast %mul3A_527 : f32 to vector<16xf32>
      %mul3A_529 = arith.mulf %mul3A_528, %sub3A_526 : vector<16xf32>
      %mul3A_530 = arith.mulf %mul3A_529, %sub3A_526 : vector<16xf32>
      %exp3A_531 = math.exp %mul3A_530 : vector<16xf32>
      %mul3A_532 = arith.mulf %exp3A_531, %select_n3A_461 : vector<16xf32>
      %add3A_533 = arith.constant 5 : i32
      %add3A_534 = vector.broadcast %add3A_533 : i32 to vector<16xi32>
      %add3A_535 = arith.addi %mul3A_464, %add3A_534 : vector<16xi32>
      tpu.vector_store_idx %arg9[%add3A_535], %mul3A_532 masked %lt3A_453 {add = true} : memref<80000xf32, #tpu.memory_space<vmem>>[vector<16xi32>], vector<16xf32>, vector<16xi1>
      %sub3A_536 = arith.constant 5.14285707 : f32
      %sub3A_537 = vector.broadcast %sub3A_536 : f32 to vector<16xf32>
      %sub3A_538 = arith.subf %mul3A_419, %sub3A_537 : vector<16xf32>
      %mul3A_539 = arith.constant -5.000000e-01 : f32
      %mul3A_540 = vector.broadcast %mul3A_539 : f32 to vector<16xf32>
      %mul3A_541 = arith.mulf %mul3A_540, %sub3A_538 : vector<16xf32>
      %mul3A_542 = arith.mulf %mul3A_541, %sub3A_538 : vector<16xf32>
      %exp3A_543 = math.exp %mul3A_542 : vector<16xf32>
      %mul3A_544 = arith.mulf %exp3A_543, %select_n3A_461 : vector<16xf32>
      %add3A_545 = arith.constant 6 : i32
      %add3A_546 = vector.broadcast %add3A_545 : i32 to vector<16xi32>
      %add3A_547 = arith.addi %mul3A_464, %add3A_546 : vector<16xi32>
      tpu.vector_store_idx %arg9[%add3A_547], %mul3A_544 masked %lt3A_453 {add = true} : memref<80000xf32, #tpu.memory_space<vmem>>[vector<16xi32>], vector<16xf32>, vector<16xi1>
      %sub3A_548 = arith.constant 6.000000e+00 : f32
      %sub3A_549 = vector.broadcast %sub3A_548 : f32 to vector<16xf32>
      %sub3A_550 = arith.subf %mul3A_419, %sub3A_549 : vector<16xf32>
      %mul3A_551 = arith.constant -5.000000e-01 : f32
      %mul3A_552 = vector.broadcast %mul3A_551 : f32 to vector<16xf32>
      %mul3A_553 = arith.mulf %mul3A_552, %sub3A_550 : vector<16xf32>
      %mul3A_554 = arith.mulf %mul3A_553, %sub3A_550 : vector<16xf32>
      %exp3A_555 = math.exp %mul3A_554 : vector<16xf32>
      %mul3A_556 = arith.mulf %exp3A_555, %select_n3A_461 : vector<16xf32>
      %add3A_557 = arith.constant 7 : i32
      %add3A_558 = vector.broadcast %add3A_557 : i32 to vector<16xi32>
      %add3A_559 = arith.addi %mul3A_464, %add3A_558 : vector<16xi32>
      tpu.vector_store_idx %arg9[%add3A_559], %mul3A_556 masked %lt3A_453 {add = true} : memref<80000xf32, #tpu.memory_space<vmem>>[vector<16xi32>], vector<16xf32>, vector<16xi1>
      %add3A_560 = arith.constant 0 : i32
      %add3A_561 = arith.addi %add3A_560, %scan3A_343 : i32
      %bitcast3A_562 = vector.bitcast %mul3A_464 : vector<16xi32> to vector<16xf32>
      %swap3A_563 = arith.index_cast %add3A_561 : i32 to index
      %swap3A_564 = tpu.vector_load %arg12[%swap3A_563] masked %lt3A_453 {strides = array<i32>} : memref<12288xf32, #tpu.memory_space<vmem>>, vector<16xf32>, vector<16xi1>
      tpu.vector_store %arg12[%swap3A_563], %bitcast3A_562 masked %lt3A_453 {strides = array<i32>} : memref<12288xf32, #tpu.memory_space<vmem>>, vector<16xf32>, vector<16xi1>
      %add3A_565 = arith.constant 1024 : i32
      %add3A_566 = arith.addi %add3A_565, %scan3A_343 : i32
      %bitcast3A_567 = vector.bitcast %get3A_352 : vector<16xi32> to vector<16xf32>
      %swap3A_568 = arith.index_cast %add3A_566 : i32 to index
      %swap3A_569 = tpu.vector_load %arg12[%swap3A_568] masked %lt3A_453 {strides = array<i32>} : memref<12288xf32, #tpu.memory_space<vmem>>, vector<16xf32>, vector<16xi1>
      tpu.vector_store %arg12[%swap3A_568], %bitcast3A_567 masked %lt3A_453 {strides = array<i32>} : memref<12288xf32, #tpu.memory_space<vmem>>, vector<16xf32>, vector<16xi1>
      %add3A_570 = arith.constant 2048 : i32
      %add3A_571 = arith.addi %add3A_570, %scan3A_343 : i32
      %swap3A_572 = arith.index_cast %add3A_571 : i32 to index
      %swap3A_573 = tpu.vector_load %arg12[%swap3A_572] masked %lt3A_453 {strides = array<i32>} : memref<12288xf32, #tpu.memory_space<vmem>>, vector<16xf32>, vector<16xi1>
      tpu.vector_store %arg12[%swap3A_572], %mul3A_419 masked %lt3A_453 {strides = array<i32>} : memref<12288xf32, #tpu.memory_space<vmem>>, vector<16xf32>, vector<16xi1>
      %add3A_574 = arith.constant 3072 : i32
      %add3A_575 = arith.addi %add3A_574, %scan3A_343 : i32
      %mul3A_576 = arith.mulf %sub3A, %mul3A_418 : vector<16xf32>
      %swap3A_577 = arith.index_cast %add3A_575 : i32 to index
      %swap3A_578 = tpu.vector_load %arg12[%swap3A_577] masked %lt3A_453 {strides = array<i32>} : memref<12288xf32, #tpu.memory_space<vmem>>, vector<16xf32>, vector<16xi1>
      tpu.vector_store %arg12[%swap3A_577], %mul3A_576 masked %lt3A_453 {strides = array<i32>} : memref<12288xf32, #tpu.memory_space<vmem>>, vector<16xf32>, vector<16xi1>
      %add3A_579 = arith.constant 4096 : i32
      %add3A_580 = arith.addi %add3A_579, %scan3A_343 : i32
      %mul3A_581 = arith.mulf %sub3A_376, %mul3A_418 : vector<16xf32>
      %swap3A_582 = arith.index_cast %add3A_580 : i32 to index
      %swap3A_583 = tpu.vector_load %arg12[%swap3A_582] masked %lt3A_453 {strides = array<i32>} : memref<12288xf32, #tpu.memory_space<vmem>>, vector<16xf32>, vector<16xi1>
      tpu.vector_store %arg12[%swap3A_582], %mul3A_581 masked %lt3A_453 {strides = array<i32>} : memref<12288xf32, #tpu.memory_space<vmem>>, vector<16xf32>, vector<16xi1>
      %add3A_584 = arith.constant 5120 : i32
      %add3A_585 = arith.addi %add3A_584, %scan3A_343 : i32
      %mul3A_586 = arith.mulf %sub3A_377, %mul3A_418 : vector<16xf32>
      %swap3A_587 = arith.index_cast %add3A_585 : i32 to index
      %swap3A_588 = tpu.vector_load %arg12[%swap3A_587] masked %lt3A_453 {strides = array<i32>} : memref<12288xf32, #tpu.memory_space<vmem>>, vector<16xf32>, vector<16xi1>
      tpu.vector_store %arg12[%swap3A_587], %mul3A_586 masked %lt3A_453 {strides = array<i32>} : memref<12288xf32, #tpu.memory_space<vmem>>, vector<16xf32>, vector<16xi1>
      %all_reduce_population_count3A = tpu.all_reduce %lt3A_453 {dim = 0 : i64, kind = #tpu.reduction_kind<sum>} : vector<16xi1> -> vector<16xi32>
      %slice3A = vector.extract_strided_slice %all_reduce_population_count3A {offsets = [0], sizes = [1], strides = [1]} : vector<16xi32> to vector<1xi32>
      %squeeze3A = vector.extract %slice3A[0] : i32 from vector<1xi32>
      %add3A_589 = arith.addi %scan3A_343, %squeeze3A : i32
      %min3A_590 = arith.constant 1008 : i32
      %min3A_591 = arith.minsi %add3A_589, %min3A_590 : i32
      scf.yield %min3A_591 : i32
    }
    %scan3A_185 = arith.constant 125 : i32
    %eq3A_186 = arith.constant 2 : i32
    %eq3A_187 = vector.broadcast %eq3A_186 : i32 to vector<16xi32>
    %eq3A_188 = arith.cmpi eq, %iota3A, %eq3A_187 : vector<16xi32>
    %broadcast_in_dim3A_189 = vector.broadcast %scan3A_184 : i32 to vector<16xi32>
    %select_n3A_190 = arith.select %eq3A_188, %broadcast_in_dim3A_189, %select_n3A_124 : vector<16xi1>, vector<16xi32>
    %mul3A_191 = arith.constant 5 : i32
    %mul3A_192 = arith.muli %add3A, %mul3A_191 : i32
    %add3A_193 = arith.constant 2 : i32
    %add3A_194 = arith.addi %mul3A_192, %add3A_193 : i32
    %dma_start3A_195 = arith.constant 0 : i32
    %dma_start3A_196 = tpu.memref_slice %arg12[%dma_start3A_195] : memref<12288xf32, #tpu.memory_space<vmem>> -> memref<6144xf32, #tpu.memory_space<vmem>>
    %dma_start3A_197 = arith.constant 0 : i32
    %dma_start3A_198 = tpu.memref_slice %arg6[%add3A_194, %dma_start3A_197] : memref<160x6144xf32, #tpu.memory_space<hbm>> -> memref<1x6144xf32, #tpu.memory_space<hbm>>
    %dma_start3A_199 = tpu.memref_squeeze %dma_start3A_198 : memref<1x6144xf32, #tpu.memory_space<hbm>> -> memref<6144xf32, #tpu.memory_space<hbm>>
    %dma_start3A_200 = arith.constant 0 : i32
    %dma_start3A_201 = tpu.memref_slice %arg6[%add3A_194, %dma_start3A_200] : memref<160x6144xf32, #tpu.memory_space<hbm>> -> memref<1x6144xf32, #tpu.memory_space<hbm>>
    %dma_start3A_202 = tpu.memref_squeeze %dma_start3A_201 : memref<1x6144xf32, #tpu.memory_space<hbm>> -> memref<6144xf32, #tpu.memory_space<hbm>>
    %dma_start3A_203 = arith.constant 0 : i32
    %dma_start3A_204 = tpu.memref_slice %arg12[%dma_start3A_203] : memref<12288xf32, #tpu.memory_space<vmem>> -> memref<6144xf32, #tpu.memory_space<vmem>>
    tpu.enqueue_dma source(%dma_start3A_204 : memref<6144xf32, #tpu.memory_space<vmem>>) target(%dma_start3A_202 : memref<6144xf32, #tpu.memory_space<hbm>>) target_semaphore(%arg17 : memref<!tpu.dma_semaphore, #tpu.memory_space<semaphore_mem>>)
    %add3A_205 = arith.constant 6000 : i32
    %add3A_206 = arith.addi %mul3A_3, %add3A_205 : i32
    %add3A_207 = arith.constant 2000 : i32
    %add3A_208 = arith.addi %add3A_206, %add3A_207 : i32
    %dma_start3A_209 = arith.constant 0 : i32
    %dma_start3A_210 = tpu.memref_slice %arg10[%dma_start3A_209] : memref<4000xi32, #tpu.memory_space<vmem>> -> memref<2000xi32, #tpu.memory_space<vmem>>
    %dma_start3A_211 = tpu.memref_slice %arg3[%add3A_208] : memref<320000xi32, #tpu.memory_space<hbm>> -> memref<2000xi32, #tpu.memory_space<hbm>>
    %dma_start3A_212 = arith.constant 0 : i32
    %dma_start3A_213 = tpu.memref_slice %arg10[%dma_start3A_212] : memref<4000xi32, #tpu.memory_space<vmem>> -> memref<2000xi32, #tpu.memory_space<vmem>>
    %dma_start3A_214 = tpu.memref_slice %arg3[%add3A_208] : memref<320000xi32, #tpu.memory_space<hbm>> -> memref<2000xi32, #tpu.memory_space<hbm>>
    tpu.enqueue_dma source(%dma_start3A_214 : memref<2000xi32, #tpu.memory_space<hbm>>) target(%dma_start3A_213 : memref<2000xi32, #tpu.memory_space<vmem>>) target_semaphore(%arg15 : memref<!tpu.dma_semaphore, #tpu.memory_space<semaphore_mem>>)
    %add3A_215 = arith.constant 2000 : i32
    %add3A_216 = arith.addi %add3A_206, %add3A_215 : i32
    %dma_start3A_217 = arith.constant 0 : i32
    %dma_start3A_218 = tpu.memref_slice %arg11[%dma_start3A_217] : memref<4000xi32, #tpu.memory_space<vmem>> -> memref<2000xi32, #tpu.memory_space<vmem>>
    %dma_start3A_219 = tpu.memref_slice %arg4[%add3A_216] : memref<320000xi32, #tpu.memory_space<hbm>> -> memref<2000xi32, #tpu.memory_space<hbm>>
    %dma_start3A_220 = arith.constant 0 : i32
    %dma_start3A_221 = tpu.memref_slice %arg11[%dma_start3A_220] : memref<4000xi32, #tpu.memory_space<vmem>> -> memref<2000xi32, #tpu.memory_space<vmem>>
    %dma_start3A_222 = tpu.memref_slice %arg4[%add3A_216] : memref<320000xi32, #tpu.memory_space<hbm>> -> memref<2000xi32, #tpu.memory_space<hbm>>
    tpu.enqueue_dma source(%dma_start3A_222 : memref<2000xi32, #tpu.memory_space<hbm>>) target(%dma_start3A_221 : memref<2000xi32, #tpu.memory_space<vmem>>) target_semaphore(%arg15 : memref<!tpu.dma_semaphore, #tpu.memory_space<semaphore_mem>>)
    %dma_wait3A_223 = arith.constant 2000 : i32
    %dma_wait3A_224 = tpu.memref_slice %arg10[%dma_wait3A_223] : memref<4000xi32, #tpu.memory_space<vmem>> -> memref<2000xi32, #tpu.memory_space<vmem>>
    %dma_wait3A_225 = tpu.memref_slice %arg3[%add3A_142] : memref<320000xi32, #tpu.memory_space<hbm>> -> memref<2000xi32, #tpu.memory_space<hbm>>
    %dma_wait3A_226 = arith.constant 2000 : i32
    %dma_wait3A_227 = tpu.memref_slice %arg10[%dma_wait3A_226] : memref<4000xi32, #tpu.memory_space<vmem>> -> memref<2000xi32, #tpu.memory_space<vmem>>
    %dma_wait3A_228 = tpu.memref_slice %arg3[%add3A_142] : memref<320000xi32, #tpu.memory_space<hbm>> -> memref<2000xi32, #tpu.memory_space<hbm>>
    tpu.wait_dma2 semaphore(%arg16 : memref<!tpu.dma_semaphore, #tpu.memory_space<semaphore_mem>>) src(%dma_wait3A_228 : memref<2000xi32, #tpu.memory_space<hbm>>) dst(%dma_wait3A_227 : memref<2000xi32, #tpu.memory_space<vmem>>)
    %dma_wait3A_229 = arith.constant 2000 : i32
    %dma_wait3A_230 = tpu.memref_slice %arg11[%dma_wait3A_229] : memref<4000xi32, #tpu.memory_space<vmem>> -> memref<2000xi32, #tpu.memory_space<vmem>>
    %dma_wait3A_231 = tpu.memref_slice %arg4[%add3A_150] : memref<320000xi32, #tpu.memory_space<hbm>> -> memref<2000xi32, #tpu.memory_space<hbm>>
    %dma_wait3A_232 = arith.constant 2000 : i32
    %dma_wait3A_233 = tpu.memref_slice %arg11[%dma_wait3A_232] : memref<4000xi32, #tpu.memory_space<vmem>> -> memref<2000xi32, #tpu.memory_space<vmem>>
    %dma_wait3A_234 = tpu.memref_slice %arg4[%add3A_150] : memref<320000xi32, #tpu.memory_space<hbm>> -> memref<2000xi32, #tpu.memory_space<hbm>>
    tpu.wait_dma2 semaphore(%arg16 : memref<!tpu.dma_semaphore, #tpu.memory_space<semaphore_mem>>) src(%dma_wait3A_234 : memref<2000xi32, #tpu.memory_space<hbm>>) dst(%dma_wait3A_233 : memref<2000xi32, #tpu.memory_space<vmem>>)
    %dma_wait3A_235 = arith.constant 6144 : i32
    %dma_wait3A_236 = tpu.memref_slice %arg12[%dma_wait3A_235] : memref<12288xf32, #tpu.memory_space<vmem>> -> memref<6144xf32, #tpu.memory_space<vmem>>
    %dma_wait3A_237 = arith.constant 0 : i32
    %dma_wait3A_238 = tpu.memref_slice %arg6[%add3A_128, %dma_wait3A_237] : memref<160x6144xf32, #tpu.memory_space<hbm>> -> memref<1x6144xf32, #tpu.memory_space<hbm>>
    %dma_wait3A_239 = tpu.memref_squeeze %dma_wait3A_238 : memref<1x6144xf32, #tpu.memory_space<hbm>> -> memref<6144xf32, #tpu.memory_space<hbm>>
    %dma_wait3A_240 = arith.constant 0 : i32
    %dma_wait3A_241 = tpu.memref_slice %arg6[%add3A_128, %dma_wait3A_240] : memref<160x6144xf32, #tpu.memory_space<hbm>> -> memref<1x6144xf32, #tpu.memory_space<hbm>>
    %dma_wait3A_242 = tpu.memref_squeeze %dma_wait3A_241 : memref<1x6144xf32, #tpu.memory_space<hbm>> -> memref<6144xf32, #tpu.memory_space<hbm>>
    %dma_wait3A_243 = arith.constant 6144 : i32
    %dma_wait3A_244 = tpu.memref_slice %arg12[%dma_wait3A_243] : memref<12288xf32, #tpu.memory_space<vmem>> -> memref<6144xf32, #tpu.memory_space<vmem>>
    tpu.wait_dma2 semaphore(%arg18 : memref<!tpu.dma_semaphore, #tpu.memory_space<semaphore_mem>>) src(%dma_wait3A_244 : memref<6144xf32, #tpu.memory_space<vmem>>) dst(%dma_wait3A_242 : memref<6144xf32, #tpu.memory_space<hbm>>)
    %scan3A_245 = arith.constant 0 : i32
    %scan3A_246 = arith.constant 0 : i32
    %scan3A_247 = arith.constant 125 : i32
    %scan3A_248 = arith.addi %scan3A_246, %scan3A_247 : i32
    %scan3A_249 = arith.constant 1 : i32
    %scan3A_250 = scf.for %scan3A_342 = %scan3A_246 to %scan3A_248 step %scan3A_249 iter_args(%scan3A_343 = %scan3A_245) -> (i32)  : i32 {
      %mul3A_344 = arith.constant 16 : i32
      %mul3A_345 = arith.muli %scan3A_342, %mul3A_344 : i32
      %add3A_346 = arith.constant 2000 : i32
      %add3A_347 = arith.addi %add3A_346, %mul3A_345 : i32
      %get3A = arith.index_cast %add3A_347 : i32 to index
      %get3A_348 = tpu.vector_load %arg10[%get3A] {strides = array<i32>} : memref<4000xi32, #tpu.memory_space<vmem>>, vector<16xi32>,
      %add3A_349 = arith.constant 2000 : i32
      %add3A_350 = arith.addi %add3A_349, %mul3A_345 : i32
      %get3A_351 = arith.index_cast %add3A_350 : i32 to index
      %get3A_352 = tpu.vector_load %arg11[%get3A_351] {strides = array<i32>} : memref<4000xi32, #tpu.memory_space<vmem>>, vector<16xi32>,
      %mul3A_353 = arith.constant 3 : i32
      %mul3A_354 = vector.broadcast %mul3A_353 : i32 to vector<16xi32>
      %mul3A_355 = arith.muli %get3A_348, %mul3A_354 : vector<16xi32>
      %mul3A_356 = arith.constant 3 : i32
      %mul3A_357 = vector.broadcast %mul3A_356 : i32 to vector<16xi32>
      %mul3A_358 = arith.muli %get3A_352, %mul3A_357 : vector<16xi32>
      %gather3A = tpu.vector_load_idx %arg8[%mul3A_355] : memref<30000xf32, #tpu.memory_space<vmem>>[vector<16xi32>], vector<16xf32>,
      %add3A_359 = arith.constant 1 : i32
      %add3A_360 = vector.broadcast %add3A_359 : i32 to vector<16xi32>
      %add3A_361 = arith.addi %mul3A_355, %add3A_360 : vector<16xi32>
      %gather3A_362 = tpu.vector_load_idx %arg8[%add3A_361] : memref<30000xf32, #tpu.memory_space<vmem>>[vector<16xi32>], vector<16xf32>,
      %add3A_363 = arith.constant 2 : i32
      %add3A_364 = vector.broadcast %add3A_363 : i32 to vector<16xi32>
      %add3A_365 = arith.addi %mul3A_355, %add3A_364 : vector<16xi32>
      %gather3A_366 = tpu.vector_load_idx %arg8[%add3A_365] : memref<30000xf32, #tpu.memory_space<vmem>>[vector<16xi32>], vector<16xf32>,
      %gather3A_367 = tpu.vector_load_idx %arg8[%mul3A_358] : memref<30000xf32, #tpu.memory_space<vmem>>[vector<16xi32>], vector<16xf32>,
      %add3A_368 = arith.constant 1 : i32
      %add3A_369 = vector.broadcast %add3A_368 : i32 to vector<16xi32>
      %add3A_370 = arith.addi %mul3A_358, %add3A_369 : vector<16xi32>
      %gather3A_371 = tpu.vector_load_idx %arg8[%add3A_370] : memref<30000xf32, #tpu.memory_space<vmem>>[vector<16xi32>], vector<16xf32>,
      %add3A_372 = arith.constant 2 : i32
      %add3A_373 = vector.broadcast %add3A_372 : i32 to vector<16xi32>
      %add3A_374 = arith.addi %mul3A_358, %add3A_373 : vector<16xi32>
      %gather3A_375 = tpu.vector_load_idx %arg8[%add3A_374] : memref<30000xf32, #tpu.memory_space<vmem>>[vector<16xi32>], vector<16xf32>,
      %sub3A = arith.subf %gather3A_367, %gather3A : vector<16xf32>
      %sub3A_376 = arith.subf %gather3A_371, %gather3A_362 : vector<16xf32>
      %sub3A_377 = arith.subf %gather3A_375, %gather3A_366 : vector<16xf32>
      %mul3A_378 = arith.mulf %sub3A, %sub3A : vector<16xf32>
      %mul3A_379 = arith.mulf %sub3A_376, %sub3A_376 : vector<16xf32>
      %add3A_380 = arith.addf %mul3A_378, %mul3A_379 : vector<16xf32>
      %mul3A_381 = arith.mulf %sub3A_377, %sub3A_377 : vector<16xf32>
      %add3A_382 = arith.addf %add3A_380, %mul3A_381 : vector<16xf32>
      %add3A_383 = arith.constant 9.99999996E-13 : f32
      %add3A_384 = vector.broadcast %add3A_383 : f32 to vector<16xf32>
      %add3A_385 = arith.addf %add3A_382, %add3A_384 : vector<16xf32>
      %bitcast3A = vector.bitcast %add3A_385 : vector<16xf32> to vector<16xi32>
      %shift_right_logical3A = arith.constant 1 : i32
      %shift_right_logical3A_386 = vector.broadcast %shift_right_logical3A : i32 to vector<16xi32>
      %shift_right_logical3A_387 = arith.shrui %bitcast3A, %shift_right_logical3A_386 : vector<16xi32>
      %sub3A_388 = arith.constant 1597463007 : i32
      %sub3A_389 = vector.broadcast %sub3A_388 : i32 to vector<16xi32>
      %sub3A_390 = arith.subi %sub3A_389, %shift_right_logical3A_387 : vector<16xi32>
      %bitcast3A_391 = vector.bitcast %sub3A_390 : vector<16xi32> to vector<16xf32>
      %mul3A_392 = arith.constant 5.000000e-01 : f32
      %mul3A_393 = vector.broadcast %mul3A_392 : f32 to vector<16xf32>
      %mul3A_394 = arith.mulf %mul3A_393, %add3A_385 : vector<16xf32>
      %mul3A_395 = arith.mulf %mul3A_394, %bitcast3A_391 : vector<16xf32>
      %mul3A_396 = arith.mulf %mul3A_395, %bitcast3A_391 : vector<16xf32>
      %sub3A_397 = arith.constant 1.500000e+00 : f32
      %sub3A_398 = vector.broadcast %sub3A_397 : f32 to vector<16xf32>
      %sub3A_399 = arith.subf %sub3A_398, %mul3A_396 : vector<16xf32>
      %mul3A_400 = arith.mulf %bitcast3A_391, %sub3A_399 : vector<16xf32>
      %mul3A_401 = arith.constant 5.000000e-01 : f32
      %mul3A_402 = vector.broadcast %mul3A_401 : f32 to vector<16xf32>
      %mul3A_403 = arith.mulf %mul3A_402, %add3A_385 : vector<16xf32>
      %mul3A_404 = arith.mulf %mul3A_403, %mul3A_400 : vector<16xf32>
      %mul3A_405 = arith.mulf %mul3A_404, %mul3A_400 : vector<16xf32>
      %sub3A_406 = arith.constant 1.500000e+00 : f32
      %sub3A_407 = vector.broadcast %sub3A_406 : f32 to vector<16xf32>
      %sub3A_408 = arith.subf %sub3A_407, %mul3A_405 : vector<16xf32>
      %mul3A_409 = arith.mulf %mul3A_400, %sub3A_408 : vector<16xf32>
      %mul3A_410 = arith.constant 5.000000e-01 : f32
      %mul3A_411 = vector.broadcast %mul3A_410 : f32 to vector<16xf32>
      %mul3A_412 = arith.mulf %mul3A_411, %add3A_385 : vector<16xf32>
      %mul3A_413 = arith.mulf %mul3A_412, %mul3A_409 : vector<16xf32>
      %mul3A_414 = arith.mulf %mul3A_413, %mul3A_409 : vector<16xf32>
      %sub3A_415 = arith.constant 1.500000e+00 : f32
      %sub3A_416 = vector.broadcast %sub3A_415 : f32 to vector<16xf32>
      %sub3A_417 = arith.subf %sub3A_416, %mul3A_414 : vector<16xf32>
      %mul3A_418 = arith.mulf %mul3A_409, %sub3A_417 : vector<16xf32>
      %mul3A_419 = arith.mulf %add3A_385, %mul3A_418 : vector<16xf32>
      %mul3A_420 = arith.constant 0.52359879 : f32
      %mul3A_421 = vector.broadcast %mul3A_420 : f32 to vector<16xf32>
      %mul3A_422 = arith.mulf %mul3A_419, %mul3A_421 : vector<16xf32>
      %min3A = arith.constant 3.14159274 : f32
      %min3A_423 = vector.broadcast %min3A : f32 to vector<16xf32>
      %min3A_424 = arith.minimumf %mul3A_422, %min3A_423 : vector<16xf32>
      %mul3A_425 = arith.mulf %min3A_424, %min3A_424 : vector<16xf32>
      %broadcast_in_dim3A_426 = arith.constant 1.72949777E-9 : f32
      %broadcast_in_dim3A_427 = vector.broadcast %broadcast_in_dim3A_426 : f32 to vector<16xf32>
      %mul3A_428 = arith.mulf %broadcast_in_dim3A_427, %mul3A_425 : vector<16xf32>
      %add3A_429 = arith.constant -2.70944724E-7 : f32
      %add3A_430 = vector.broadcast %add3A_429 : f32 to vector<16xf32>
      %add3A_431 = arith.addf %mul3A_428, %add3A_430 : vector<16xf32>
      %mul3A_432 = arith.mulf %add3A_431, %mul3A_425 : vector<16xf32>
      %add3A_433 = arith.constant 2.477170e-05 : f32
      %add3A_434 = vector.broadcast %add3A_433 : f32 to vector<16xf32>
      %add3A_435 = arith.addf %mul3A_432, %add3A_434 : vector<16xf32>
      %mul3A_436 = arith.mulf %add3A_435, %mul3A_425 : vector<16xf32>
      %add3A_437 = arith.constant -0.00138879044 : f32
      %add3A_438 = vector.broadcast %add3A_437 : f32 to vector<16xf32>
      %add3A_439 = arith.addf %mul3A_436, %add3A_438 : vector<16xf32>
      %mul3A_440 = arith.mulf %add3A_439, %mul3A_425 : vector<16xf32>
      %add3A_441 = arith.constant 0.0416665152 : f32
      %add3A_442 = vector.broadcast %add3A_441 : f32 to vector<16xf32>
      %add3A_443 = arith.addf %mul3A_440, %add3A_442 : vector<16xf32>
      %mul3A_444 = arith.mulf %add3A_443, %mul3A_425 : vector<16xf32>
      %add3A_445 = arith.constant -0.499999911 : f32
      %add3A_446 = vector.broadcast %add3A_445 : f32 to vector<16xf32>
      %add3A_447 = arith.addf %mul3A_444, %add3A_446 : vector<16xf32>
      %mul3A_448 = arith.mulf %add3A_447, %mul3A_425 : vector<16xf32>
      %add3A_449 = arith.constant 1.000000e+00 : f32
      %add3A_450 = vector.broadcast %add3A_449 : f32 to vector<16xf32>
      %add3A_451 = arith.addf %mul3A_448, %add3A_450 : vector<16xf32>
      %lt3A = arith.constant 6.000000e+00 : f32
      %lt3A_452 = vector.broadcast %lt3A : f32 to vector<16xf32>
      %lt3A_453 = arith.cmpf olt, %mul3A_419, %lt3A_452 : vector<16xf32>
      %add3A_454 = arith.constant 1.000000e+00 : f32
      %add3A_455 = vector.broadcast %add3A_454 : f32 to vector<16xf32>
      %add3A_456 = arith.addf %add3A_451, %add3A_455 : vector<16xf32>
      %mul3A_457 = arith.constant 5.000000e-01 : f32
      %mul3A_458 = vector.broadcast %mul3A_457 : f32 to vector<16xf32>
      %mul3A_459 = arith.mulf %mul3A_458, %add3A_456 : vector<16xf32>
      %jit3A = arith.constant 0.000000e+00 : f32
      %broadcast_in_dim3A_460 = vector.broadcast %jit3A : f32 to vector<16xf32>
      %select_n3A_461 = arith.select %lt3A_453, %mul3A_459, %broadcast_in_dim3A_460 : vector<16xi1>, vector<16xf32>
      %mul3A_462 = arith.constant 8 : i32
      %mul3A_463 = vector.broadcast %mul3A_462 : i32 to vector<16xi32>
      %mul3A_464 = arith.muli %get3A_348, %mul3A_463 : vector<16xi32>
      %sub3A_465 = arith.constant 0.000000e+00 : f32
      %sub3A_466 = vector.broadcast %sub3A_465 : f32 to vector<16xf32>
      %sub3A_467 = arith.subf %mul3A_419, %sub3A_466 : vector<16xf32>
      %mul3A_468 = arith.constant -5.000000e-01 : f32
      %mul3A_469 = vector.broadcast %mul3A_468 : f32 to vector<16xf32>
      %mul3A_470 = arith.mulf %mul3A_469, %sub3A_467 : vector<16xf32>
      %mul3A_471 = arith.mulf %mul3A_470, %sub3A_467 : vector<16xf32>
      %exp3A = math.exp %mul3A_471 : vector<16xf32>
      %mul3A_472 = arith.mulf %exp3A, %select_n3A_461 : vector<16xf32>
      %add3A_473 = arith.constant 0 : i32
      %add3A_474 = vector.broadcast %add3A_473 : i32 to vector<16xi32>
      %add3A_475 = arith.addi %mul3A_464, %add3A_474 : vector<16xi32>
      tpu.vector_store_idx %arg9[%add3A_475], %mul3A_472 masked %lt3A_453 {add = true} : memref<80000xf32, #tpu.memory_space<vmem>>[vector<16xi32>], vector<16xf32>, vector<16xi1>
      %sub3A_476 = arith.constant 0.857142865 : f32
      %sub3A_477 = vector.broadcast %sub3A_476 : f32 to vector<16xf32>
      %sub3A_478 = arith.subf %mul3A_419, %sub3A_477 : vector<16xf32>
      %mul3A_479 = arith.constant -5.000000e-01 : f32
      %mul3A_480 = vector.broadcast %mul3A_479 : f32 to vector<16xf32>
      %mul3A_481 = arith.mulf %mul3A_480, %sub3A_478 : vector<16xf32>
      %mul3A_482 = arith.mulf %mul3A_481, %sub3A_478 : vector<16xf32>
      %exp3A_483 = math.exp %mul3A_482 : vector<16xf32>
      %mul3A_484 = arith.mulf %exp3A_483, %select_n3A_461 : vector<16xf32>
      %add3A_485 = arith.constant 1 : i32
      %add3A_486 = vector.broadcast %add3A_485 : i32 to vector<16xi32>
      %add3A_487 = arith.addi %mul3A_464, %add3A_486 : vector<16xi32>
      tpu.vector_store_idx %arg9[%add3A_487], %mul3A_484 masked %lt3A_453 {add = true} : memref<80000xf32, #tpu.memory_space<vmem>>[vector<16xi32>], vector<16xf32>, vector<16xi1>
      %sub3A_488 = arith.constant 1.71428573 : f32
      %sub3A_489 = vector.broadcast %sub3A_488 : f32 to vector<16xf32>
      %sub3A_490 = arith.subf %mul3A_419, %sub3A_489 : vector<16xf32>
      %mul3A_491 = arith.constant -5.000000e-01 : f32
      %mul3A_492 = vector.broadcast %mul3A_491 : f32 to vector<16xf32>
      %mul3A_493 = arith.mulf %mul3A_492, %sub3A_490 : vector<16xf32>
      %mul3A_494 = arith.mulf %mul3A_493, %sub3A_490 : vector<16xf32>
      %exp3A_495 = math.exp %mul3A_494 : vector<16xf32>
      %mul3A_496 = arith.mulf %exp3A_495, %select_n3A_461 : vector<16xf32>
      %add3A_497 = arith.constant 2 : i32
      %add3A_498 = vector.broadcast %add3A_497 : i32 to vector<16xi32>
      %add3A_499 = arith.addi %mul3A_464, %add3A_498 : vector<16xi32>
      tpu.vector_store_idx %arg9[%add3A_499], %mul3A_496 masked %lt3A_453 {add = true} : memref<80000xf32, #tpu.memory_space<vmem>>[vector<16xi32>], vector<16xf32>, vector<16xi1>
      %sub3A_500 = arith.constant 2.57142854 : f32
      %sub3A_501 = vector.broadcast %sub3A_500 : f32 to vector<16xf32>
      %sub3A_502 = arith.subf %mul3A_419, %sub3A_501 : vector<16xf32>
      %mul3A_503 = arith.constant -5.000000e-01 : f32
      %mul3A_504 = vector.broadcast %mul3A_503 : f32 to vector<16xf32>
      %mul3A_505 = arith.mulf %mul3A_504, %sub3A_502 : vector<16xf32>
      %mul3A_506 = arith.mulf %mul3A_505, %sub3A_502 : vector<16xf32>
      %exp3A_507 = math.exp %mul3A_506 : vector<16xf32>
      %mul3A_508 = arith.mulf %exp3A_507, %select_n3A_461 : vector<16xf32>
      %add3A_509 = arith.constant 3 : i32
      %add3A_510 = vector.broadcast %add3A_509 : i32 to vector<16xi32>
      %add3A_511 = arith.addi %mul3A_464, %add3A_510 : vector<16xi32>
      tpu.vector_store_idx %arg9[%add3A_511], %mul3A_508 masked %lt3A_453 {add = true} : memref<80000xf32, #tpu.memory_space<vmem>>[vector<16xi32>], vector<16xf32>, vector<16xi1>
      %sub3A_512 = arith.constant 3.42857146 : f32
      %sub3A_513 = vector.broadcast %sub3A_512 : f32 to vector<16xf32>
      %sub3A_514 = arith.subf %mul3A_419, %sub3A_513 : vector<16xf32>
      %mul3A_515 = arith.constant -5.000000e-01 : f32
      %mul3A_516 = vector.broadcast %mul3A_515 : f32 to vector<16xf32>
      %mul3A_517 = arith.mulf %mul3A_516, %sub3A_514 : vector<16xf32>
      %mul3A_518 = arith.mulf %mul3A_517, %sub3A_514 : vector<16xf32>
      %exp3A_519 = math.exp %mul3A_518 : vector<16xf32>
      %mul3A_520 = arith.mulf %exp3A_519, %select_n3A_461 : vector<16xf32>
      %add3A_521 = arith.constant 4 : i32
      %add3A_522 = vector.broadcast %add3A_521 : i32 to vector<16xi32>
      %add3A_523 = arith.addi %mul3A_464, %add3A_522 : vector<16xi32>
      tpu.vector_store_idx %arg9[%add3A_523], %mul3A_520 masked %lt3A_453 {add = true} : memref<80000xf32, #tpu.memory_space<vmem>>[vector<16xi32>], vector<16xf32>, vector<16xi1>
      %sub3A_524 = arith.constant 4.28571415 : f32
      %sub3A_525 = vector.broadcast %sub3A_524 : f32 to vector<16xf32>
      %sub3A_526 = arith.subf %mul3A_419, %sub3A_525 : vector<16xf32>
      %mul3A_527 = arith.constant -5.000000e-01 : f32
      %mul3A_528 = vector.broadcast %mul3A_527 : f32 to vector<16xf32>
      %mul3A_529 = arith.mulf %mul3A_528, %sub3A_526 : vector<16xf32>
      %mul3A_530 = arith.mulf %mul3A_529, %sub3A_526 : vector<16xf32>
      %exp3A_531 = math.exp %mul3A_530 : vector<16xf32>
      %mul3A_532 = arith.mulf %exp3A_531, %select_n3A_461 : vector<16xf32>
      %add3A_533 = arith.constant 5 : i32
      %add3A_534 = vector.broadcast %add3A_533 : i32 to vector<16xi32>
      %add3A_535 = arith.addi %mul3A_464, %add3A_534 : vector<16xi32>
      tpu.vector_store_idx %arg9[%add3A_535], %mul3A_532 masked %lt3A_453 {add = true} : memref<80000xf32, #tpu.memory_space<vmem>>[vector<16xi32>], vector<16xf32>, vector<16xi1>
      %sub3A_536 = arith.constant 5.14285707 : f32
      %sub3A_537 = vector.broadcast %sub3A_536 : f32 to vector<16xf32>
      %sub3A_538 = arith.subf %mul3A_419, %sub3A_537 : vector<16xf32>
      %mul3A_539 = arith.constant -5.000000e-01 : f32
      %mul3A_540 = vector.broadcast %mul3A_539 : f32 to vector<16xf32>
      %mul3A_541 = arith.mulf %mul3A_540, %sub3A_538 : vector<16xf32>
      %mul3A_542 = arith.mulf %mul3A_541, %sub3A_538 : vector<16xf32>
      %exp3A_543 = math.exp %mul3A_542 : vector<16xf32>
      %mul3A_544 = arith.mulf %exp3A_543, %select_n3A_461 : vector<16xf32>
      %add3A_545 = arith.constant 6 : i32
      %add3A_546 = vector.broadcast %add3A_545 : i32 to vector<16xi32>
      %add3A_547 = arith.addi %mul3A_464, %add3A_546 : vector<16xi32>
      tpu.vector_store_idx %arg9[%add3A_547], %mul3A_544 masked %lt3A_453 {add = true} : memref<80000xf32, #tpu.memory_space<vmem>>[vector<16xi32>], vector<16xf32>, vector<16xi1>
      %sub3A_548 = arith.constant 6.000000e+00 : f32
      %sub3A_549 = vector.broadcast %sub3A_548 : f32 to vector<16xf32>
      %sub3A_550 = arith.subf %mul3A_419, %sub3A_549 : vector<16xf32>
      %mul3A_551 = arith.constant -5.000000e-01 : f32
      %mul3A_552 = vector.broadcast %mul3A_551 : f32 to vector<16xf32>
      %mul3A_553 = arith.mulf %mul3A_552, %sub3A_550 : vector<16xf32>
      %mul3A_554 = arith.mulf %mul3A_553, %sub3A_550 : vector<16xf32>
      %exp3A_555 = math.exp %mul3A_554 : vector<16xf32>
      %mul3A_556 = arith.mulf %exp3A_555, %select_n3A_461 : vector<16xf32>
      %add3A_557 = arith.constant 7 : i32
      %add3A_558 = vector.broadcast %add3A_557 : i32 to vector<16xi32>
      %add3A_559 = arith.addi %mul3A_464, %add3A_558 : vector<16xi32>
      tpu.vector_store_idx %arg9[%add3A_559], %mul3A_556 masked %lt3A_453 {add = true} : memref<80000xf32, #tpu.memory_space<vmem>>[vector<16xi32>], vector<16xf32>, vector<16xi1>
      %add3A_560 = arith.constant 6144 : i32
      %add3A_561 = arith.addi %add3A_560, %scan3A_343 : i32
      %bitcast3A_562 = vector.bitcast %mul3A_464 : vector<16xi32> to vector<16xf32>
      %swap3A_563 = arith.index_cast %add3A_561 : i32 to index
      %swap3A_564 = tpu.vector_load %arg12[%swap3A_563] masked %lt3A_453 {strides = array<i32>} : memref<12288xf32, #tpu.memory_space<vmem>>, vector<16xf32>, vector<16xi1>
      tpu.vector_store %arg12[%swap3A_563], %bitcast3A_562 masked %lt3A_453 {strides = array<i32>} : memref<12288xf32, #tpu.memory_space<vmem>>, vector<16xf32>, vector<16xi1>
      %add3A_565 = arith.constant 7168 : i32
      %add3A_566 = arith.addi %add3A_565, %scan3A_343 : i32
      %bitcast3A_567 = vector.bitcast %get3A_352 : vector<16xi32> to vector<16xf32>
      %swap3A_568 = arith.index_cast %add3A_566 : i32 to index
      %swap3A_569 = tpu.vector_load %arg12[%swap3A_568] masked %lt3A_453 {strides = array<i32>} : memref<12288xf32, #tpu.memory_space<vmem>>, vector<16xf32>, vector<16xi1>
      tpu.vector_store %arg12[%swap3A_568], %bitcast3A_567 masked %lt3A_453 {strides = array<i32>} : memref<12288xf32, #tpu.memory_space<vmem>>, vector<16xf32>, vector<16xi1>
      %add3A_570 = arith.constant 8192 : i32
      %add3A_571 = arith.addi %add3A_570, %scan3A_343 : i32
      %swap3A_572 = arith.index_cast %add3A_571 : i32 to index
      %swap3A_573 = tpu.vector_load %arg12[%swap3A_572] masked %lt3A_453 {strides = array<i32>} : memref<12288xf32, #tpu.memory_space<vmem>>, vector<16xf32>, vector<16xi1>
      tpu.vector_store %arg12[%swap3A_572], %mul3A_419 masked %lt3A_453 {strides = array<i32>} : memref<12288xf32, #tpu.memory_space<vmem>>, vector<16xf32>, vector<16xi1>
      %add3A_574 = arith.constant 9216 : i32
      %add3A_575 = arith.addi %add3A_574, %scan3A_343 : i32
      %mul3A_576 = arith.mulf %sub3A, %mul3A_418 : vector<16xf32>
      %swap3A_577 = arith.index_cast %add3A_575 : i32 to index
      %swap3A_578 = tpu.vector_load %arg12[%swap3A_577] masked %lt3A_453 {strides = array<i32>} : memref<12288xf32, #tpu.memory_space<vmem>>, vector<16xf32>, vector<16xi1>
      tpu.vector_store %arg12[%swap3A_577], %mul3A_576 masked %lt3A_453 {strides = array<i32>} : memref<12288xf32, #tpu.memory_space<vmem>>, vector<16xf32>, vector<16xi1>
      %add3A_579 = arith.constant 10240 : i32
      %add3A_580 = arith.addi %add3A_579, %scan3A_343 : i32
      %mul3A_581 = arith.mulf %sub3A_376, %mul3A_418 : vector<16xf32>
      %swap3A_582 = arith.index_cast %add3A_580 : i32 to index
      %swap3A_583 = tpu.vector_load %arg12[%swap3A_582] masked %lt3A_453 {strides = array<i32>} : memref<12288xf32, #tpu.memory_space<vmem>>, vector<16xf32>, vector<16xi1>
      tpu.vector_store %arg12[%swap3A_582], %mul3A_581 masked %lt3A_453 {strides = array<i32>} : memref<12288xf32, #tpu.memory_space<vmem>>, vector<16xf32>, vector<16xi1>
      %add3A_584 = arith.constant 11264 : i32
      %add3A_585 = arith.addi %add3A_584, %scan3A_343 : i32
      %mul3A_586 = arith.mulf %sub3A_377, %mul3A_418 : vector<16xf32>
      %swap3A_587 = arith.index_cast %add3A_585 : i32 to index
      %swap3A_588 = tpu.vector_load %arg12[%swap3A_587] masked %lt3A_453 {strides = array<i32>} : memref<12288xf32, #tpu.memory_space<vmem>>, vector<16xf32>, vector<16xi1>
      tpu.vector_store %arg12[%swap3A_587], %mul3A_586 masked %lt3A_453 {strides = array<i32>} : memref<12288xf32, #tpu.memory_space<vmem>>, vector<16xf32>, vector<16xi1>
      %all_reduce_population_count3A = tpu.all_reduce %lt3A_453 {dim = 0 : i64, kind = #tpu.reduction_kind<sum>} : vector<16xi1> -> vector<16xi32>
      %slice3A = vector.extract_strided_slice %all_reduce_population_count3A {offsets = [0], sizes = [1], strides = [1]} : vector<16xi32> to vector<1xi32>
      %squeeze3A = vector.extract %slice3A[0] : i32 from vector<1xi32>
      %add3A_589 = arith.addi %scan3A_343, %squeeze3A : i32
      %min3A_590 = arith.constant 1008 : i32
      %min3A_591 = arith.minsi %add3A_589, %min3A_590 : i32
      scf.yield %min3A_591 : i32
    }
    %scan3A_251 = arith.constant 125 : i32
    %eq3A_252 = arith.constant 3 : i32
    %eq3A_253 = vector.broadcast %eq3A_252 : i32 to vector<16xi32>
    %eq3A_254 = arith.cmpi eq, %iota3A, %eq3A_253 : vector<16xi32>
    %broadcast_in_dim3A_255 = vector.broadcast %scan3A_250 : i32 to vector<16xi32>
    %select_n3A_256 = arith.select %eq3A_254, %broadcast_in_dim3A_255, %select_n3A_190 : vector<16xi1>, vector<16xi32>
    %mul3A_257 = arith.constant 5 : i32
    %mul3A_258 = arith.muli %add3A, %mul3A_257 : i32
    %add3A_259 = arith.constant 3 : i32
    %add3A_260 = arith.addi %mul3A_258, %add3A_259 : i32
    %dma_start3A_261 = arith.constant 6144 : i32
    %dma_start3A_262 = tpu.memref_slice %arg12[%dma_start3A_261] : memref<12288xf32, #tpu.memory_space<vmem>> -> memref<6144xf32, #tpu.memory_space<vmem>>
    %dma_start3A_263 = arith.constant 0 : i32
    %dma_start3A_264 = tpu.memref_slice %arg6[%add3A_260, %dma_start3A_263] : memref<160x6144xf32, #tpu.memory_space<hbm>> -> memref<1x6144xf32, #tpu.memory_space<hbm>>
    %dma_start3A_265 = tpu.memref_squeeze %dma_start3A_264 : memref<1x6144xf32, #tpu.memory_space<hbm>> -> memref<6144xf32, #tpu.memory_space<hbm>>
    %dma_start3A_266 = arith.constant 0 : i32
    %dma_start3A_267 = tpu.memref_slice %arg6[%add3A_260, %dma_start3A_266] : memref<160x6144xf32, #tpu.memory_space<hbm>> -> memref<1x6144xf32, #tpu.memory_space<hbm>>
    %dma_start3A_268 = tpu.memref_squeeze %dma_start3A_267 : memref<1x6144xf32, #tpu.memory_space<hbm>> -> memref<6144xf32, #tpu.memory_space<hbm>>
    %dma_start3A_269 = arith.constant 6144 : i32
    %dma_start3A_270 = tpu.memref_slice %arg12[%dma_start3A_269] : memref<12288xf32, #tpu.memory_space<vmem>> -> memref<6144xf32, #tpu.memory_space<vmem>>
    tpu.enqueue_dma source(%dma_start3A_270 : memref<6144xf32, #tpu.memory_space<vmem>>) target(%dma_start3A_268 : memref<6144xf32, #tpu.memory_space<hbm>>) target_semaphore(%arg18 : memref<!tpu.dma_semaphore, #tpu.memory_space<semaphore_mem>>)
    %add3A_271 = arith.constant 8000 : i32
    %add3A_272 = arith.addi %mul3A_3, %add3A_271 : i32
    %dma_wait3A_273 = arith.constant 0 : i32
    %dma_wait3A_274 = tpu.memref_slice %arg10[%dma_wait3A_273] : memref<4000xi32, #tpu.memory_space<vmem>> -> memref<2000xi32, #tpu.memory_space<vmem>>
    %dma_wait3A_275 = tpu.memref_slice %arg3[%add3A_208] : memref<320000xi32, #tpu.memory_space<hbm>> -> memref<2000xi32, #tpu.memory_space<hbm>>
    %dma_wait3A_276 = arith.constant 0 : i32
    %dma_wait3A_277 = tpu.memref_slice %arg10[%dma_wait3A_276] : memref<4000xi32, #tpu.memory_space<vmem>> -> memref<2000xi32, #tpu.memory_space<vmem>>
    %dma_wait3A_278 = tpu.memref_slice %arg3[%add3A_208] : memref<320000xi32, #tpu.memory_space<hbm>> -> memref<2000xi32, #tpu.memory_space<hbm>>
    tpu.wait_dma2 semaphore(%arg15 : memref<!tpu.dma_semaphore, #tpu.memory_space<semaphore_mem>>) src(%dma_wait3A_278 : memref<2000xi32, #tpu.memory_space<hbm>>) dst(%dma_wait3A_277 : memref<2000xi32, #tpu.memory_space<vmem>>)
    %dma_wait3A_279 = arith.constant 0 : i32
    %dma_wait3A_280 = tpu.memref_slice %arg11[%dma_wait3A_279] : memref<4000xi32, #tpu.memory_space<vmem>> -> memref<2000xi32, #tpu.memory_space<vmem>>
    %dma_wait3A_281 = tpu.memref_slice %arg4[%add3A_216] : memref<320000xi32, #tpu.memory_space<hbm>> -> memref<2000xi32, #tpu.memory_space<hbm>>
    %dma_wait3A_282 = arith.constant 0 : i32
    %dma_wait3A_283 = tpu.memref_slice %arg11[%dma_wait3A_282] : memref<4000xi32, #tpu.memory_space<vmem>> -> memref<2000xi32, #tpu.memory_space<vmem>>
    %dma_wait3A_284 = tpu.memref_slice %arg4[%add3A_216] : memref<320000xi32, #tpu.memory_space<hbm>> -> memref<2000xi32, #tpu.memory_space<hbm>>
    tpu.wait_dma2 semaphore(%arg15 : memref<!tpu.dma_semaphore, #tpu.memory_space<semaphore_mem>>) src(%dma_wait3A_284 : memref<2000xi32, #tpu.memory_space<hbm>>) dst(%dma_wait3A_283 : memref<2000xi32, #tpu.memory_space<vmem>>)
    %dma_wait3A_285 = arith.constant 0 : i32
    %dma_wait3A_286 = tpu.memref_slice %arg12[%dma_wait3A_285] : memref<12288xf32, #tpu.memory_space<vmem>> -> memref<6144xf32, #tpu.memory_space<vmem>>
    %dma_wait3A_287 = arith.constant 0 : i32
    %dma_wait3A_288 = tpu.memref_slice %arg6[%add3A_194, %dma_wait3A_287] : memref<160x6144xf32, #tpu.memory_space<hbm>> -> memref<1x6144xf32, #tpu.memory_space<hbm>>
    %dma_wait3A_289 = tpu.memref_squeeze %dma_wait3A_288 : memref<1x6144xf32, #tpu.memory_space<hbm>> -> memref<6144xf32, #tpu.memory_space<hbm>>
    %dma_wait3A_290 = arith.constant 0 : i32
    %dma_wait3A_291 = tpu.memref_slice %arg6[%add3A_194, %dma_wait3A_290] : memref<160x6144xf32, #tpu.memory_space<hbm>> -> memref<1x6144xf32, #tpu.memory_space<hbm>>
    %dma_wait3A_292 = tpu.memref_squeeze %dma_wait3A_291 : memref<1x6144xf32, #tpu.memory_space<hbm>> -> memref<6144xf32, #tpu.memory_space<hbm>>
    %dma_wait3A_293 = arith.constant 0 : i32
    %dma_wait3A_294 = tpu.memref_slice %arg12[%dma_wait3A_293] : memref<12288xf32, #tpu.memory_space<vmem>> -> memref<6144xf32, #tpu.memory_space<vmem>>
    tpu.wait_dma2 semaphore(%arg17 : memref<!tpu.dma_semaphore, #tpu.memory_space<semaphore_mem>>) src(%dma_wait3A_294 : memref<6144xf32, #tpu.memory_space<vmem>>) dst(%dma_wait3A_292 : memref<6144xf32, #tpu.memory_space<hbm>>)
    %scan3A_295 = arith.constant 0 : i32
    %scan3A_296 = arith.constant 0 : i32
    %scan3A_297 = arith.constant 125 : i32
    %scan3A_298 = arith.addi %scan3A_296, %scan3A_297 : i32
    %scan3A_299 = arith.constant 1 : i32
    %scan3A_300 = scf.for %scan3A_342 = %scan3A_296 to %scan3A_298 step %scan3A_299 iter_args(%scan3A_343 = %scan3A_295) -> (i32)  : i32 {
      %mul3A_344 = arith.constant 16 : i32
      %mul3A_345 = arith.muli %scan3A_342, %mul3A_344 : i32
      %add3A_346 = arith.constant 0 : i32
      %add3A_347 = arith.addi %add3A_346, %mul3A_345 : i32
      %get3A = arith.index_cast %add3A_347 : i32 to index
      %get3A_348 = tpu.vector_load %arg10[%get3A] {strides = array<i32>} : memref<4000xi32, #tpu.memory_space<vmem>>, vector<16xi32>,
      %add3A_349 = arith.constant 0 : i32
      %add3A_350 = arith.addi %add3A_349, %mul3A_345 : i32
      %get3A_351 = arith.index_cast %add3A_350 : i32 to index
      %get3A_352 = tpu.vector_load %arg11[%get3A_351] {strides = array<i32>} : memref<4000xi32, #tpu.memory_space<vmem>>, vector<16xi32>,
      %mul3A_353 = arith.constant 3 : i32
      %mul3A_354 = vector.broadcast %mul3A_353 : i32 to vector<16xi32>
      %mul3A_355 = arith.muli %get3A_348, %mul3A_354 : vector<16xi32>
      %mul3A_356 = arith.constant 3 : i32
      %mul3A_357 = vector.broadcast %mul3A_356 : i32 to vector<16xi32>
      %mul3A_358 = arith.muli %get3A_352, %mul3A_357 : vector<16xi32>
      %gather3A = tpu.vector_load_idx %arg8[%mul3A_355] : memref<30000xf32, #tpu.memory_space<vmem>>[vector<16xi32>], vector<16xf32>,
      %add3A_359 = arith.constant 1 : i32
      %add3A_360 = vector.broadcast %add3A_359 : i32 to vector<16xi32>
      %add3A_361 = arith.addi %mul3A_355, %add3A_360 : vector<16xi32>
      %gather3A_362 = tpu.vector_load_idx %arg8[%add3A_361] : memref<30000xf32, #tpu.memory_space<vmem>>[vector<16xi32>], vector<16xf32>,
      %add3A_363 = arith.constant 2 : i32
      %add3A_364 = vector.broadcast %add3A_363 : i32 to vector<16xi32>
      %add3A_365 = arith.addi %mul3A_355, %add3A_364 : vector<16xi32>
      %gather3A_366 = tpu.vector_load_idx %arg8[%add3A_365] : memref<30000xf32, #tpu.memory_space<vmem>>[vector<16xi32>], vector<16xf32>,
      %gather3A_367 = tpu.vector_load_idx %arg8[%mul3A_358] : memref<30000xf32, #tpu.memory_space<vmem>>[vector<16xi32>], vector<16xf32>,
      %add3A_368 = arith.constant 1 : i32
      %add3A_369 = vector.broadcast %add3A_368 : i32 to vector<16xi32>
      %add3A_370 = arith.addi %mul3A_358, %add3A_369 : vector<16xi32>
      %gather3A_371 = tpu.vector_load_idx %arg8[%add3A_370] : memref<30000xf32, #tpu.memory_space<vmem>>[vector<16xi32>], vector<16xf32>,
      %add3A_372 = arith.constant 2 : i32
      %add3A_373 = vector.broadcast %add3A_372 : i32 to vector<16xi32>
      %add3A_374 = arith.addi %mul3A_358, %add3A_373 : vector<16xi32>
      %gather3A_375 = tpu.vector_load_idx %arg8[%add3A_374] : memref<30000xf32, #tpu.memory_space<vmem>>[vector<16xi32>], vector<16xf32>,
      %sub3A = arith.subf %gather3A_367, %gather3A : vector<16xf32>
      %sub3A_376 = arith.subf %gather3A_371, %gather3A_362 : vector<16xf32>
      %sub3A_377 = arith.subf %gather3A_375, %gather3A_366 : vector<16xf32>
      %mul3A_378 = arith.mulf %sub3A, %sub3A : vector<16xf32>
      %mul3A_379 = arith.mulf %sub3A_376, %sub3A_376 : vector<16xf32>
      %add3A_380 = arith.addf %mul3A_378, %mul3A_379 : vector<16xf32>
      %mul3A_381 = arith.mulf %sub3A_377, %sub3A_377 : vector<16xf32>
      %add3A_382 = arith.addf %add3A_380, %mul3A_381 : vector<16xf32>
      %add3A_383 = arith.constant 9.99999996E-13 : f32
      %add3A_384 = vector.broadcast %add3A_383 : f32 to vector<16xf32>
      %add3A_385 = arith.addf %add3A_382, %add3A_384 : vector<16xf32>
      %bitcast3A = vector.bitcast %add3A_385 : vector<16xf32> to vector<16xi32>
      %shift_right_logical3A = arith.constant 1 : i32
      %shift_right_logical3A_386 = vector.broadcast %shift_right_logical3A : i32 to vector<16xi32>
      %shift_right_logical3A_387 = arith.shrui %bitcast3A, %shift_right_logical3A_386 : vector<16xi32>
      %sub3A_388 = arith.constant 1597463007 : i32
      %sub3A_389 = vector.broadcast %sub3A_388 : i32 to vector<16xi32>
      %sub3A_390 = arith.subi %sub3A_389, %shift_right_logical3A_387 : vector<16xi32>
      %bitcast3A_391 = vector.bitcast %sub3A_390 : vector<16xi32> to vector<16xf32>
      %mul3A_392 = arith.constant 5.000000e-01 : f32
      %mul3A_393 = vector.broadcast %mul3A_392 : f32 to vector<16xf32>
      %mul3A_394 = arith.mulf %mul3A_393, %add3A_385 : vector<16xf32>
      %mul3A_395 = arith.mulf %mul3A_394, %bitcast3A_391 : vector<16xf32>
      %mul3A_396 = arith.mulf %mul3A_395, %bitcast3A_391 : vector<16xf32>
      %sub3A_397 = arith.constant 1.500000e+00 : f32
      %sub3A_398 = vector.broadcast %sub3A_397 : f32 to vector<16xf32>
      %sub3A_399 = arith.subf %sub3A_398, %mul3A_396 : vector<16xf32>
      %mul3A_400 = arith.mulf %bitcast3A_391, %sub3A_399 : vector<16xf32>
      %mul3A_401 = arith.constant 5.000000e-01 : f32
      %mul3A_402 = vector.broadcast %mul3A_401 : f32 to vector<16xf32>
      %mul3A_403 = arith.mulf %mul3A_402, %add3A_385 : vector<16xf32>
      %mul3A_404 = arith.mulf %mul3A_403, %mul3A_400 : vector<16xf32>
      %mul3A_405 = arith.mulf %mul3A_404, %mul3A_400 : vector<16xf32>
      %sub3A_406 = arith.constant 1.500000e+00 : f32
      %sub3A_407 = vector.broadcast %sub3A_406 : f32 to vector<16xf32>
      %sub3A_408 = arith.subf %sub3A_407, %mul3A_405 : vector<16xf32>
      %mul3A_409 = arith.mulf %mul3A_400, %sub3A_408 : vector<16xf32>
      %mul3A_410 = arith.constant 5.000000e-01 : f32
      %mul3A_411 = vector.broadcast %mul3A_410 : f32 to vector<16xf32>
      %mul3A_412 = arith.mulf %mul3A_411, %add3A_385 : vector<16xf32>
      %mul3A_413 = arith.mulf %mul3A_412, %mul3A_409 : vector<16xf32>
      %mul3A_414 = arith.mulf %mul3A_413, %mul3A_409 : vector<16xf32>
      %sub3A_415 = arith.constant 1.500000e+00 : f32
      %sub3A_416 = vector.broadcast %sub3A_415 : f32 to vector<16xf32>
      %sub3A_417 = arith.subf %sub3A_416, %mul3A_414 : vector<16xf32>
      %mul3A_418 = arith.mulf %mul3A_409, %sub3A_417 : vector<16xf32>
      %mul3A_419 = arith.mulf %add3A_385, %mul3A_418 : vector<16xf32>
      %mul3A_420 = arith.constant 0.52359879 : f32
      %mul3A_421 = vector.broadcast %mul3A_420 : f32 to vector<16xf32>
      %mul3A_422 = arith.mulf %mul3A_419, %mul3A_421 : vector<16xf32>
      %min3A = arith.constant 3.14159274 : f32
      %min3A_423 = vector.broadcast %min3A : f32 to vector<16xf32>
      %min3A_424 = arith.minimumf %mul3A_422, %min3A_423 : vector<16xf32>
      %mul3A_425 = arith.mulf %min3A_424, %min3A_424 : vector<16xf32>
      %broadcast_in_dim3A_426 = arith.constant 1.72949777E-9 : f32
      %broadcast_in_dim3A_427 = vector.broadcast %broadcast_in_dim3A_426 : f32 to vector<16xf32>
      %mul3A_428 = arith.mulf %broadcast_in_dim3A_427, %mul3A_425 : vector<16xf32>
      %add3A_429 = arith.constant -2.70944724E-7 : f32
      %add3A_430 = vector.broadcast %add3A_429 : f32 to vector<16xf32>
      %add3A_431 = arith.addf %mul3A_428, %add3A_430 : vector<16xf32>
      %mul3A_432 = arith.mulf %add3A_431, %mul3A_425 : vector<16xf32>
      %add3A_433 = arith.constant 2.477170e-05 : f32
      %add3A_434 = vector.broadcast %add3A_433 : f32 to vector<16xf32>
      %add3A_435 = arith.addf %mul3A_432, %add3A_434 : vector<16xf32>
      %mul3A_436 = arith.mulf %add3A_435, %mul3A_425 : vector<16xf32>
      %add3A_437 = arith.constant -0.00138879044 : f32
      %add3A_438 = vector.broadcast %add3A_437 : f32 to vector<16xf32>
      %add3A_439 = arith.addf %mul3A_436, %add3A_438 : vector<16xf32>
      %mul3A_440 = arith.mulf %add3A_439, %mul3A_425 : vector<16xf32>
      %add3A_441 = arith.constant 0.0416665152 : f32
      %add3A_442 = vector.broadcast %add3A_441 : f32 to vector<16xf32>
      %add3A_443 = arith.addf %mul3A_440, %add3A_442 : vector<16xf32>
      %mul3A_444 = arith.mulf %add3A_443, %mul3A_425 : vector<16xf32>
      %add3A_445 = arith.constant -0.499999911 : f32
      %add3A_446 = vector.broadcast %add3A_445 : f32 to vector<16xf32>
      %add3A_447 = arith.addf %mul3A_444, %add3A_446 : vector<16xf32>
      %mul3A_448 = arith.mulf %add3A_447, %mul3A_425 : vector<16xf32>
      %add3A_449 = arith.constant 1.000000e+00 : f32
      %add3A_450 = vector.broadcast %add3A_449 : f32 to vector<16xf32>
      %add3A_451 = arith.addf %mul3A_448, %add3A_450 : vector<16xf32>
      %lt3A = arith.constant 6.000000e+00 : f32
      %lt3A_452 = vector.broadcast %lt3A : f32 to vector<16xf32>
      %lt3A_453 = arith.cmpf olt, %mul3A_419, %lt3A_452 : vector<16xf32>
      %add3A_454 = arith.constant 1.000000e+00 : f32
      %add3A_455 = vector.broadcast %add3A_454 : f32 to vector<16xf32>
      %add3A_456 = arith.addf %add3A_451, %add3A_455 : vector<16xf32>
      %mul3A_457 = arith.constant 5.000000e-01 : f32
      %mul3A_458 = vector.broadcast %mul3A_457 : f32 to vector<16xf32>
      %mul3A_459 = arith.mulf %mul3A_458, %add3A_456 : vector<16xf32>
      %jit3A = arith.constant 0.000000e+00 : f32
      %broadcast_in_dim3A_460 = vector.broadcast %jit3A : f32 to vector<16xf32>
      %select_n3A_461 = arith.select %lt3A_453, %mul3A_459, %broadcast_in_dim3A_460 : vector<16xi1>, vector<16xf32>
      %mul3A_462 = arith.constant 8 : i32
      %mul3A_463 = vector.broadcast %mul3A_462 : i32 to vector<16xi32>
      %mul3A_464 = arith.muli %get3A_348, %mul3A_463 : vector<16xi32>
      %sub3A_465 = arith.constant 0.000000e+00 : f32
      %sub3A_466 = vector.broadcast %sub3A_465 : f32 to vector<16xf32>
      %sub3A_467 = arith.subf %mul3A_419, %sub3A_466 : vector<16xf32>
      %mul3A_468 = arith.constant -5.000000e-01 : f32
      %mul3A_469 = vector.broadcast %mul3A_468 : f32 to vector<16xf32>
      %mul3A_470 = arith.mulf %mul3A_469, %sub3A_467 : vector<16xf32>
      %mul3A_471 = arith.mulf %mul3A_470, %sub3A_467 : vector<16xf32>
      %exp3A = math.exp %mul3A_471 : vector<16xf32>
      %mul3A_472 = arith.mulf %exp3A, %select_n3A_461 : vector<16xf32>
      %add3A_473 = arith.constant 0 : i32
      %add3A_474 = vector.broadcast %add3A_473 : i32 to vector<16xi32>
      %add3A_475 = arith.addi %mul3A_464, %add3A_474 : vector<16xi32>
      tpu.vector_store_idx %arg9[%add3A_475], %mul3A_472 masked %lt3A_453 {add = true} : memref<80000xf32, #tpu.memory_space<vmem>>[vector<16xi32>], vector<16xf32>, vector<16xi1>
      %sub3A_476 = arith.constant 0.857142865 : f32
      %sub3A_477 = vector.broadcast %sub3A_476 : f32 to vector<16xf32>
      %sub3A_478 = arith.subf %mul3A_419, %sub3A_477 : vector<16xf32>
      %mul3A_479 = arith.constant -5.000000e-01 : f32
      %mul3A_480 = vector.broadcast %mul3A_479 : f32 to vector<16xf32>
      %mul3A_481 = arith.mulf %mul3A_480, %sub3A_478 : vector<16xf32>
      %mul3A_482 = arith.mulf %mul3A_481, %sub3A_478 : vector<16xf32>
      %exp3A_483 = math.exp %mul3A_482 : vector<16xf32>
      %mul3A_484 = arith.mulf %exp3A_483, %select_n3A_461 : vector<16xf32>
      %add3A_485 = arith.constant 1 : i32
      %add3A_486 = vector.broadcast %add3A_485 : i32 to vector<16xi32>
      %add3A_487 = arith.addi %mul3A_464, %add3A_486 : vector<16xi32>
      tpu.vector_store_idx %arg9[%add3A_487], %mul3A_484 masked %lt3A_453 {add = true} : memref<80000xf32, #tpu.memory_space<vmem>>[vector<16xi32>], vector<16xf32>, vector<16xi1>
      %sub3A_488 = arith.constant 1.71428573 : f32
      %sub3A_489 = vector.broadcast %sub3A_488 : f32 to vector<16xf32>
      %sub3A_490 = arith.subf %mul3A_419, %sub3A_489 : vector<16xf32>
      %mul3A_491 = arith.constant -5.000000e-01 : f32
      %mul3A_492 = vector.broadcast %mul3A_491 : f32 to vector<16xf32>
      %mul3A_493 = arith.mulf %mul3A_492, %sub3A_490 : vector<16xf32>
      %mul3A_494 = arith.mulf %mul3A_493, %sub3A_490 : vector<16xf32>
      %exp3A_495 = math.exp %mul3A_494 : vector<16xf32>
      %mul3A_496 = arith.mulf %exp3A_495, %select_n3A_461 : vector<16xf32>
      %add3A_497 = arith.constant 2 : i32
      %add3A_498 = vector.broadcast %add3A_497 : i32 to vector<16xi32>
      %add3A_499 = arith.addi %mul3A_464, %add3A_498 : vector<16xi32>
      tpu.vector_store_idx %arg9[%add3A_499], %mul3A_496 masked %lt3A_453 {add = true} : memref<80000xf32, #tpu.memory_space<vmem>>[vector<16xi32>], vector<16xf32>, vector<16xi1>
      %sub3A_500 = arith.constant 2.57142854 : f32
      %sub3A_501 = vector.broadcast %sub3A_500 : f32 to vector<16xf32>
      %sub3A_502 = arith.subf %mul3A_419, %sub3A_501 : vector<16xf32>
      %mul3A_503 = arith.constant -5.000000e-01 : f32
      %mul3A_504 = vector.broadcast %mul3A_503 : f32 to vector<16xf32>
      %mul3A_505 = arith.mulf %mul3A_504, %sub3A_502 : vector<16xf32>
      %mul3A_506 = arith.mulf %mul3A_505, %sub3A_502 : vector<16xf32>
      %exp3A_507 = math.exp %mul3A_506 : vector<16xf32>
      %mul3A_508 = arith.mulf %exp3A_507, %select_n3A_461 : vector<16xf32>
      %add3A_509 = arith.constant 3 : i32
      %add3A_510 = vector.broadcast %add3A_509 : i32 to vector<16xi32>
      %add3A_511 = arith.addi %mul3A_464, %add3A_510 : vector<16xi32>
      tpu.vector_store_idx %arg9[%add3A_511], %mul3A_508 masked %lt3A_453 {add = true} : memref<80000xf32, #tpu.memory_space<vmem>>[vector<16xi32>], vector<16xf32>, vector<16xi1>
      %sub3A_512 = arith.constant 3.42857146 : f32
      %sub3A_513 = vector.broadcast %sub3A_512 : f32 to vector<16xf32>
      %sub3A_514 = arith.subf %mul3A_419, %sub3A_513 : vector<16xf32>
      %mul3A_515 = arith.constant -5.000000e-01 : f32
      %mul3A_516 = vector.broadcast %mul3A_515 : f32 to vector<16xf32>
      %mul3A_517 = arith.mulf %mul3A_516, %sub3A_514 : vector<16xf32>
      %mul3A_518 = arith.mulf %mul3A_517, %sub3A_514 : vector<16xf32>
      %exp3A_519 = math.exp %mul3A_518 : vector<16xf32>
      %mul3A_520 = arith.mulf %exp3A_519, %select_n3A_461 : vector<16xf32>
      %add3A_521 = arith.constant 4 : i32
      %add3A_522 = vector.broadcast %add3A_521 : i32 to vector<16xi32>
      %add3A_523 = arith.addi %mul3A_464, %add3A_522 : vector<16xi32>
      tpu.vector_store_idx %arg9[%add3A_523], %mul3A_520 masked %lt3A_453 {add = true} : memref<80000xf32, #tpu.memory_space<vmem>>[vector<16xi32>], vector<16xf32>, vector<16xi1>
      %sub3A_524 = arith.constant 4.28571415 : f32
      %sub3A_525 = vector.broadcast %sub3A_524 : f32 to vector<16xf32>
      %sub3A_526 = arith.subf %mul3A_419, %sub3A_525 : vector<16xf32>
      %mul3A_527 = arith.constant -5.000000e-01 : f32
      %mul3A_528 = vector.broadcast %mul3A_527 : f32 to vector<16xf32>
      %mul3A_529 = arith.mulf %mul3A_528, %sub3A_526 : vector<16xf32>
      %mul3A_530 = arith.mulf %mul3A_529, %sub3A_526 : vector<16xf32>
      %exp3A_531 = math.exp %mul3A_530 : vector<16xf32>
      %mul3A_532 = arith.mulf %exp3A_531, %select_n3A_461 : vector<16xf32>
      %add3A_533 = arith.constant 5 : i32
      %add3A_534 = vector.broadcast %add3A_533 : i32 to vector<16xi32>
      %add3A_535 = arith.addi %mul3A_464, %add3A_534 : vector<16xi32>
      tpu.vector_store_idx %arg9[%add3A_535], %mul3A_532 masked %lt3A_453 {add = true} : memref<80000xf32, #tpu.memory_space<vmem>>[vector<16xi32>], vector<16xf32>, vector<16xi1>
      %sub3A_536 = arith.constant 5.14285707 : f32
      %sub3A_537 = vector.broadcast %sub3A_536 : f32 to vector<16xf32>
      %sub3A_538 = arith.subf %mul3A_419, %sub3A_537 : vector<16xf32>
      %mul3A_539 = arith.constant -5.000000e-01 : f32
      %mul3A_540 = vector.broadcast %mul3A_539 : f32 to vector<16xf32>
      %mul3A_541 = arith.mulf %mul3A_540, %sub3A_538 : vector<16xf32>
      %mul3A_542 = arith.mulf %mul3A_541, %sub3A_538 : vector<16xf32>
      %exp3A_543 = math.exp %mul3A_542 : vector<16xf32>
      %mul3A_544 = arith.mulf %exp3A_543, %select_n3A_461 : vector<16xf32>
      %add3A_545 = arith.constant 6 : i32
      %add3A_546 = vector.broadcast %add3A_545 : i32 to vector<16xi32>
      %add3A_547 = arith.addi %mul3A_464, %add3A_546 : vector<16xi32>
      tpu.vector_store_idx %arg9[%add3A_547], %mul3A_544 masked %lt3A_453 {add = true} : memref<80000xf32, #tpu.memory_space<vmem>>[vector<16xi32>], vector<16xf32>, vector<16xi1>
      %sub3A_548 = arith.constant 6.000000e+00 : f32
      %sub3A_549 = vector.broadcast %sub3A_548 : f32 to vector<16xf32>
      %sub3A_550 = arith.subf %mul3A_419, %sub3A_549 : vector<16xf32>
      %mul3A_551 = arith.constant -5.000000e-01 : f32
      %mul3A_552 = vector.broadcast %mul3A_551 : f32 to vector<16xf32>
      %mul3A_553 = arith.mulf %mul3A_552, %sub3A_550 : vector<16xf32>
      %mul3A_554 = arith.mulf %mul3A_553, %sub3A_550 : vector<16xf32>
      %exp3A_555 = math.exp %mul3A_554 : vector<16xf32>
      %mul3A_556 = arith.mulf %exp3A_555, %select_n3A_461 : vector<16xf32>
      %add3A_557 = arith.constant 7 : i32
      %add3A_558 = vector.broadcast %add3A_557 : i32 to vector<16xi32>
      %add3A_559 = arith.addi %mul3A_464, %add3A_558 : vector<16xi32>
      tpu.vector_store_idx %arg9[%add3A_559], %mul3A_556 masked %lt3A_453 {add = true} : memref<80000xf32, #tpu.memory_space<vmem>>[vector<16xi32>], vector<16xf32>, vector<16xi1>
      %add3A_560 = arith.constant 0 : i32
      %add3A_561 = arith.addi %add3A_560, %scan3A_343 : i32
      %bitcast3A_562 = vector.bitcast %mul3A_464 : vector<16xi32> to vector<16xf32>
      %swap3A_563 = arith.index_cast %add3A_561 : i32 to index
      %swap3A_564 = tpu.vector_load %arg12[%swap3A_563] masked %lt3A_453 {strides = array<i32>} : memref<12288xf32, #tpu.memory_space<vmem>>, vector<16xf32>, vector<16xi1>
      tpu.vector_store %arg12[%swap3A_563], %bitcast3A_562 masked %lt3A_453 {strides = array<i32>} : memref<12288xf32, #tpu.memory_space<vmem>>, vector<16xf32>, vector<16xi1>
      %add3A_565 = arith.constant 1024 : i32
      %add3A_566 = arith.addi %add3A_565, %scan3A_343 : i32
      %bitcast3A_567 = vector.bitcast %get3A_352 : vector<16xi32> to vector<16xf32>
      %swap3A_568 = arith.index_cast %add3A_566 : i32 to index
      %swap3A_569 = tpu.vector_load %arg12[%swap3A_568] masked %lt3A_453 {strides = array<i32>} : memref<12288xf32, #tpu.memory_space<vmem>>, vector<16xf32>, vector<16xi1>
      tpu.vector_store %arg12[%swap3A_568], %bitcast3A_567 masked %lt3A_453 {strides = array<i32>} : memref<12288xf32, #tpu.memory_space<vmem>>, vector<16xf32>, vector<16xi1>
      %add3A_570 = arith.constant 2048 : i32
      %add3A_571 = arith.addi %add3A_570, %scan3A_343 : i32
      %swap3A_572 = arith.index_cast %add3A_571 : i32 to index
      %swap3A_573 = tpu.vector_load %arg12[%swap3A_572] masked %lt3A_453 {strides = array<i32>} : memref<12288xf32, #tpu.memory_space<vmem>>, vector<16xf32>, vector<16xi1>
      tpu.vector_store %arg12[%swap3A_572], %mul3A_419 masked %lt3A_453 {strides = array<i32>} : memref<12288xf32, #tpu.memory_space<vmem>>, vector<16xf32>, vector<16xi1>
      %add3A_574 = arith.constant 3072 : i32
      %add3A_575 = arith.addi %add3A_574, %scan3A_343 : i32
      %mul3A_576 = arith.mulf %sub3A, %mul3A_418 : vector<16xf32>
      %swap3A_577 = arith.index_cast %add3A_575 : i32 to index
      %swap3A_578 = tpu.vector_load %arg12[%swap3A_577] masked %lt3A_453 {strides = array<i32>} : memref<12288xf32, #tpu.memory_space<vmem>>, vector<16xf32>, vector<16xi1>
      tpu.vector_store %arg12[%swap3A_577], %mul3A_576 masked %lt3A_453 {strides = array<i32>} : memref<12288xf32, #tpu.memory_space<vmem>>, vector<16xf32>, vector<16xi1>
      %add3A_579 = arith.constant 4096 : i32
      %add3A_580 = arith.addi %add3A_579, %scan3A_343 : i32
      %mul3A_581 = arith.mulf %sub3A_376, %mul3A_418 : vector<16xf32>
      %swap3A_582 = arith.index_cast %add3A_580 : i32 to index
      %swap3A_583 = tpu.vector_load %arg12[%swap3A_582] masked %lt3A_453 {strides = array<i32>} : memref<12288xf32, #tpu.memory_space<vmem>>, vector<16xf32>, vector<16xi1>
      tpu.vector_store %arg12[%swap3A_582], %mul3A_581 masked %lt3A_453 {strides = array<i32>} : memref<12288xf32, #tpu.memory_space<vmem>>, vector<16xf32>, vector<16xi1>
      %add3A_584 = arith.constant 5120 : i32
      %add3A_585 = arith.addi %add3A_584, %scan3A_343 : i32
      %mul3A_586 = arith.mulf %sub3A_377, %mul3A_418 : vector<16xf32>
      %swap3A_587 = arith.index_cast %add3A_585 : i32 to index
      %swap3A_588 = tpu.vector_load %arg12[%swap3A_587] masked %lt3A_453 {strides = array<i32>} : memref<12288xf32, #tpu.memory_space<vmem>>, vector<16xf32>, vector<16xi1>
      tpu.vector_store %arg12[%swap3A_587], %mul3A_586 masked %lt3A_453 {strides = array<i32>} : memref<12288xf32, #tpu.memory_space<vmem>>, vector<16xf32>, vector<16xi1>
      %all_reduce_population_count3A = tpu.all_reduce %lt3A_453 {dim = 0 : i64, kind = #tpu.reduction_kind<sum>} : vector<16xi1> -> vector<16xi32>
      %slice3A = vector.extract_strided_slice %all_reduce_population_count3A {offsets = [0], sizes = [1], strides = [1]} : vector<16xi32> to vector<1xi32>
      %squeeze3A = vector.extract %slice3A[0] : i32 from vector<1xi32>
      %add3A_589 = arith.addi %scan3A_343, %squeeze3A : i32
      %min3A_590 = arith.constant 1008 : i32
      %min3A_591 = arith.minsi %add3A_589, %min3A_590 : i32
      scf.yield %min3A_591 : i32
    }
    %scan3A_301 = arith.constant 125 : i32
    %eq3A_302 = arith.constant 4 : i32
    %eq3A_303 = vector.broadcast %eq3A_302 : i32 to vector<16xi32>
    %eq3A_304 = arith.cmpi eq, %iota3A, %eq3A_303 : vector<16xi32>
    %broadcast_in_dim3A_305 = vector.broadcast %scan3A_300 : i32 to vector<16xi32>
    %select_n3A_306 = arith.select %eq3A_304, %broadcast_in_dim3A_305, %select_n3A_256 : vector<16xi1>, vector<16xi32>
    %mul3A_307 = arith.constant 5 : i32
    %mul3A_308 = arith.muli %add3A, %mul3A_307 : i32
    %add3A_309 = arith.constant 4 : i32
    %add3A_310 = arith.addi %mul3A_308, %add3A_309 : i32
    %dma_start3A_311 = arith.constant 0 : i32
    %dma_start3A_312 = tpu.memref_slice %arg12[%dma_start3A_311] : memref<12288xf32, #tpu.memory_space<vmem>> -> memref<6144xf32, #tpu.memory_space<vmem>>
    %dma_start3A_313 = arith.constant 0 : i32
    %dma_start3A_314 = tpu.memref_slice %arg6[%add3A_310, %dma_start3A_313] : memref<160x6144xf32, #tpu.memory_space<hbm>> -> memref<1x6144xf32, #tpu.memory_space<hbm>>
    %dma_start3A_315 = tpu.memref_squeeze %dma_start3A_314 : memref<1x6144xf32, #tpu.memory_space<hbm>> -> memref<6144xf32, #tpu.memory_space<hbm>>
    %dma_start3A_316 = arith.constant 0 : i32
    %dma_start3A_317 = tpu.memref_slice %arg6[%add3A_310, %dma_start3A_316] : memref<160x6144xf32, #tpu.memory_space<hbm>> -> memref<1x6144xf32, #tpu.memory_space<hbm>>
    %dma_start3A_318 = tpu.memref_squeeze %dma_start3A_317 : memref<1x6144xf32, #tpu.memory_space<hbm>> -> memref<6144xf32, #tpu.memory_space<hbm>>
    %dma_start3A_319 = arith.constant 0 : i32
    %dma_start3A_320 = tpu.memref_slice %arg12[%dma_start3A_319] : memref<12288xf32, #tpu.memory_space<vmem>> -> memref<6144xf32, #tpu.memory_space<vmem>>
    tpu.enqueue_dma source(%dma_start3A_320 : memref<6144xf32, #tpu.memory_space<vmem>>) target(%dma_start3A_318 : memref<6144xf32, #tpu.memory_space<hbm>>) target_semaphore(%arg17 : memref<!tpu.dma_semaphore, #tpu.memory_space<semaphore_mem>>)
    %dma_wait3A_321 = arith.constant 6144 : i32
    %dma_wait3A_322 = tpu.memref_slice %arg12[%dma_wait3A_321] : memref<12288xf32, #tpu.memory_space<vmem>> -> memref<6144xf32, #tpu.memory_space<vmem>>
    %dma_wait3A_323 = arith.constant 0 : i32
    %dma_wait3A_324 = tpu.memref_slice %arg6[%add3A_260, %dma_wait3A_323] : memref<160x6144xf32, #tpu.memory_space<hbm>> -> memref<1x6144xf32, #tpu.memory_space<hbm>>
    %dma_wait3A_325 = tpu.memref_squeeze %dma_wait3A_324 : memref<1x6144xf32, #tpu.memory_space<hbm>> -> memref<6144xf32, #tpu.memory_space<hbm>>
    %dma_wait3A_326 = arith.constant 0 : i32
    %dma_wait3A_327 = tpu.memref_slice %arg6[%add3A_260, %dma_wait3A_326] : memref<160x6144xf32, #tpu.memory_space<hbm>> -> memref<1x6144xf32, #tpu.memory_space<hbm>>
    %dma_wait3A_328 = tpu.memref_squeeze %dma_wait3A_327 : memref<1x6144xf32, #tpu.memory_space<hbm>> -> memref<6144xf32, #tpu.memory_space<hbm>>
    %dma_wait3A_329 = arith.constant 6144 : i32
    %dma_wait3A_330 = tpu.memref_slice %arg12[%dma_wait3A_329] : memref<12288xf32, #tpu.memory_space<vmem>> -> memref<6144xf32, #tpu.memory_space<vmem>>
    tpu.wait_dma2 semaphore(%arg18 : memref<!tpu.dma_semaphore, #tpu.memory_space<semaphore_mem>>) src(%dma_wait3A_330 : memref<6144xf32, #tpu.memory_space<vmem>>) dst(%dma_wait3A_328 : memref<6144xf32, #tpu.memory_space<hbm>>)
    %dma_wait3A_331 = arith.constant 0 : i32
    %dma_wait3A_332 = tpu.memref_slice %arg12[%dma_wait3A_331] : memref<12288xf32, #tpu.memory_space<vmem>> -> memref<6144xf32, #tpu.memory_space<vmem>>
    %dma_wait3A_333 = arith.constant 0 : i32
    %dma_wait3A_334 = tpu.memref_slice %arg6[%add3A_310, %dma_wait3A_333] : memref<160x6144xf32, #tpu.memory_space<hbm>> -> memref<1x6144xf32, #tpu.memory_space<hbm>>
    %dma_wait3A_335 = tpu.memref_squeeze %dma_wait3A_334 : memref<1x6144xf32, #tpu.memory_space<hbm>> -> memref<6144xf32, #tpu.memory_space<hbm>>
    %dma_wait3A_336 = arith.constant 0 : i32
    %dma_wait3A_337 = tpu.memref_slice %arg6[%add3A_310, %dma_wait3A_336] : memref<160x6144xf32, #tpu.memory_space<hbm>> -> memref<1x6144xf32, #tpu.memory_space<hbm>>
    %dma_wait3A_338 = tpu.memref_squeeze %dma_wait3A_337 : memref<1x6144xf32, #tpu.memory_space<hbm>> -> memref<6144xf32, #tpu.memory_space<hbm>>
    %dma_wait3A_339 = arith.constant 0 : i32
    %dma_wait3A_340 = tpu.memref_slice %arg12[%dma_wait3A_339] : memref<12288xf32, #tpu.memory_space<vmem>> -> memref<6144xf32, #tpu.memory_space<vmem>>
    tpu.wait_dma2 semaphore(%arg17 : memref<!tpu.dma_semaphore, #tpu.memory_space<semaphore_mem>>) src(%dma_wait3A_340 : memref<6144xf32, #tpu.memory_space<vmem>>) dst(%dma_wait3A_338 : memref<6144xf32, #tpu.memory_space<hbm>>)
    %swap3A = arith.constant 0 : index
    %swap3A_341 = tpu.vector_load %arg13[%swap3A] {strides = array<i32>} : memref<16xi32, #tpu.memory_space<vmem>>, vector<16xi32>,
    tpu.vector_store %arg13[%swap3A], %select_n3A_306 {strides = array<i32>} : memref<16xi32, #tpu.memory_space<vmem>>, vector<16xi32>,
    "tpu.region"() ({
      %run_scoped3A = tpu.sem_alloc : memref<!tpu.dma_semaphore, #tpu.memory_space<semaphore_mem>>
      %dma_start3A_342 = arith.constant 0 : i32
      %dma_start3A_343 = tpu.memref_slice %arg5[%add3A, %dma_start3A_342] : memref<32x80000xf32, #tpu.memory_space<hbm>> -> memref<1x80000xf32, #tpu.memory_space<hbm>>
      %dma_start3A_344 = tpu.memref_squeeze %dma_start3A_343 : memref<1x80000xf32, #tpu.memory_space<hbm>> -> memref<80000xf32, #tpu.memory_space<hbm>>
      %dma_start3A_345 = arith.constant 0 : i32
      %dma_start3A_346 = tpu.memref_slice %arg5[%add3A, %dma_start3A_345] : memref<32x80000xf32, #tpu.memory_space<hbm>> -> memref<1x80000xf32, #tpu.memory_space<hbm>>
      %dma_start3A_347 = tpu.memref_squeeze %dma_start3A_346 : memref<1x80000xf32, #tpu.memory_space<hbm>> -> memref<80000xf32, #tpu.memory_space<hbm>>
      tpu.enqueue_dma source(%arg9 : memref<80000xf32, #tpu.memory_space<vmem>>) target(%dma_start3A_347 : memref<80000xf32, #tpu.memory_space<hbm>>) target_semaphore(%run_scoped3A : memref<!tpu.dma_semaphore, #tpu.memory_space<semaphore_mem>>)
      %dma_wait3A_348 = arith.constant 0 : i32
      %dma_wait3A_349 = tpu.memref_slice %arg5[%add3A, %dma_wait3A_348] : memref<32x80000xf32, #tpu.memory_space<hbm>> -> memref<1x80000xf32, #tpu.memory_space<hbm>>
      %dma_wait3A_350 = tpu.memref_squeeze %dma_wait3A_349 : memref<1x80000xf32, #tpu.memory_space<hbm>> -> memref<80000xf32, #tpu.memory_space<hbm>>
      %dma_wait3A_351 = arith.constant 0 : i32
      %dma_wait3A_352 = tpu.memref_slice %arg5[%add3A, %dma_wait3A_351] : memref<32x80000xf32, #tpu.memory_space<hbm>> -> memref<1x80000xf32, #tpu.memory_space<hbm>>
      %dma_wait3A_353 = tpu.memref_squeeze %dma_wait3A_352 : memref<1x80000xf32, #tpu.memory_space<hbm>> -> memref<80000xf32, #tpu.memory_space<hbm>>
      tpu.wait_dma2 semaphore(%run_scoped3A : memref<!tpu.dma_semaphore, #tpu.memory_space<semaphore_mem>>) src(%arg9 : memref<80000xf32, #tpu.memory_space<vmem>>) dst(%dma_wait3A_353 : memref<80000xf32, #tpu.memory_space<hbm>>)
      tpu.yield
    }) : () -> ()
    "tpu.region"() ({
      %run_scoped3A = tpu.sem_alloc : memref<!tpu.dma_semaphore, #tpu.memory_space<semaphore_mem>>
      %dma_start3A_342 = arith.constant 0 : i32
      %dma_start3A_343 = tpu.memref_slice %arg7[%add3A, %dma_start3A_342] : memref<32x16xi32, #tpu.memory_space<hbm>> -> memref<1x16xi32, #tpu.memory_space<hbm>>
      %dma_start3A_344 = tpu.memref_squeeze %dma_start3A_343 : memref<1x16xi32, #tpu.memory_space<hbm>> -> memref<16xi32, #tpu.memory_space<hbm>>
      %dma_start3A_345 = arith.constant 0 : i32
      %dma_start3A_346 = tpu.memref_slice %arg7[%add3A, %dma_start3A_345] : memref<32x16xi32, #tpu.memory_space<hbm>> -> memref<1x16xi32, #tpu.memory_space<hbm>>
      %dma_start3A_347 = tpu.memref_squeeze %dma_start3A_346 : memref<1x16xi32, #tpu.memory_space<hbm>> -> memref<16xi32, #tpu.memory_space<hbm>>
      tpu.enqueue_dma source(%arg13 : memref<16xi32, #tpu.memory_space<vmem>>) target(%dma_start3A_347 : memref<16xi32, #tpu.memory_space<hbm>>) target_semaphore(%run_scoped3A : memref<!tpu.dma_semaphore, #tpu.memory_space<semaphore_mem>>)
      %dma_wait3A_348 = arith.constant 0 : i32
      %dma_wait3A_349 = tpu.memref_slice %arg7[%add3A, %dma_wait3A_348] : memref<32x16xi32, #tpu.memory_space<hbm>> -> memref<1x16xi32, #tpu.memory_space<hbm>>
      %dma_wait3A_350 = tpu.memref_squeeze %dma_wait3A_349 : memref<1x16xi32, #tpu.memory_space<hbm>> -> memref<16xi32, #tpu.memory_space<hbm>>
      %dma_wait3A_351 = arith.constant 0 : i32
      %dma_wait3A_352 = tpu.memref_slice %arg7[%add3A, %dma_wait3A_351] : memref<32x16xi32, #tpu.memory_space<hbm>> -> memref<1x16xi32, #tpu.memory_space<hbm>>
      %dma_wait3A_353 = tpu.memref_squeeze %dma_wait3A_352 : memref<1x16xi32, #tpu.memory_space<hbm>> -> memref<16xi32, #tpu.memory_space<hbm>>
      tpu.wait_dma2 semaphore(%run_scoped3A : memref<!tpu.dma_semaphore, #tpu.memory_space<semaphore_mem>>) src(%arg13 : memref<16xi32, #tpu.memory_space<vmem>>) dst(%dma_wait3A_353 : memref<16xi32, #tpu.memory_space<hbm>>)
      tpu.yield
    }) : () -> ()
    return
  }
}

</mosaic_0001>

<sc_bundles>
// kernel: _sc_forward.3.cloned.1.call-start
scs
__scs_entry_jumppad:
0x0: {  	(pc) =	sbr.rel $0x88, $3  }
0x1: {  	(tag) =	ssettag $0x0;
	lr =	simm.s32 $0x1  }
0x2: {  	[smem:$0x3F9E] =	sst lr;
	_ =	strace $0xD0000000  }
0x3: {  	_ = 	snop  }
0x4: {  	_ = 	snop  }
0x5: {  	_ = 	snop  }
0x6: {  	_ = 	snop  }
0x7: {  	_ = 	snop  }
__scs_overlays_trampoline_lowered:
0x8: {  	[smem:$0x3FAD] =	sst s0  }
0x9: {  	[smem:$0x3FAE] =	sst s1  }
0xa: {  	[smem:$0x3FAF] =	sst s2  }
0xb: {  	[smem:$0x3FB0] =	sst s3  }
0xc: {  	[smem:$0x3FB1] =	sst s4  }
0xd: {  	[smem:$0x3FB2] =	sst s5  }
0xe: {  	[smem:$0x3FB3] =	sst s6  }
0xf: {  	[smem:$0x3FB4] =	sst s7  }
0x10: {  	[smem:$0x3FB5] =	sst s8  }
0x11: {  	[smem:$0x3FB6] =	sst s9;
	s0 =	simm.s32 @!p0 $0x0  }
0x12: {  	s1 =	sld [smem:$0x3F9C];
	s0 =	simm.s32 @p0 $0x1  }
0x13: {  	[smem:$0x3FB7] =	sst s0;
	s0 =	simm.s32 @!p1 $0x0  }
0x14: {  	s2 =	sld [smem:$0x3F9B];
	s0 =	simm.s32 @p1 $0x1  }
0x15: {  	[smem:$0x3FB8] =	sst s0;
	s0 =	simm.s32 @!p2 $0x0  }
0x16: {  	s3 =	sld [smem:$0x3FDB];
	s0 =	simm.s32 @p2 $0x1  }
0x17: {  	s4 =	simm.s32 $0x1BF5;
	[smem:$0x3FBA] =	sst s0  }
0x18: {  	s0 =	sld [smem:$0x3F9D];
	_ =	swait.ge [sflag:s4], $0x0  }
0x19: {  	s7 =	sld [smem:$0x3F9E]  }
0x1a: {  	s8 =	sadd.s32 $0xFFFFE003, lr  }
0x1b: {  	s9 =	sadd.s32 $0xFFFFFEF7, lr;
	s5 =	simm.s32 $0xFFFFFFFF;
	p2 =	slt.u32 s8, $0xFFFFF086  }
0x1c: {  	p1 =	slt.u32 s9, $0xF7A;
	s5 =	simm.s32 @!p2 $0x0  }
0x1d: {  	s5 =	simm.s32 @p1 $0x1;
	p0 =	seq.s32 s7, s2  }
0x1e: {  	s7 =	smul.u32 @!p0 $0xF7A, s2;
	p2 =	seq.s32 @!p0 s5, $0x0  }
0x1f: {  	s9 =	smul.u32 $0xF7A, s1;
	s8 =	simm.s32 @!p0 $0x1BF5;
	p2 =	por !p2, p0  }
0x20: {  	[sflag:s8] =	ssyncset.s32 @!p0 $0xFFFFF086;
	s6 =	sadd.s32 @!p0 s3, s7;
	s7 =	simm.s32 @!p0 $0x108  }
0x21: {  	s3 =	sadd.s32 s3, s9;
	s6 =	sadd.s32 @!p0 $0x88, s6;
	s7 =	simm.s32 @p2 $0x1082  }
0x22: {  	[simem:s7], [sflag:s8] =	dma.local @!p0 [hbm:s6], $0xF7A  }
0x23: {  	s9 =	sor.u32 $0xD0000000, s2;
	s6 =	simm.s32 $0x108;
	_ =	swait.ge @!p0 [sflag:s8], $0x0  }
0x24: {  	s3 =	sadd.s32 $0x88, s3;
	s6 =	simm.s32 @!p1 $0x1082;
	[sflag:s4] =	ssyncset.s32 $0xFFFFF086  }
0x25: {  	[simem:s6], [sflag:s4] =	dma.local [hbm:s3], $0xF7A  }
0x26: {  	[smem:$0x3F9E] =	sst s1;
	(tag) =	ssettag s2;
	_ =	strace s9  }
0x27: {  	s1 =	sld [smem:$0x3FAE]  }
0x28: {  	s2 =	sld [smem:$0x3FAF]  }
0x29: {  	s4 =	sld [smem:$0x3FB1]  }
0x2a: {  	p0 =	seq.s32 s5, $0x0;
	s5 =	sld [smem:$0x3FB2]  }
0x2b: {  	s6 =	sld [smem:$0x3FB3]  }
0x2c: {  	s7 =	sld [smem:$0x3FB4]  }
0x2d: {  	s3 =	simm.s32 $0x108;
	s8 =	sld [smem:$0x3FB5]  }
0x2e: {  	s3 =	simm.s32 @!p0 $0x1082;
	s9 =	sld [smem:$0x3FB6]  }
0x2f: {  	lr =	sadd.s32 s0, s3;
	s0 =	sld [smem:$0x3FAD]  }
0x30: {  	s3 =	sld [smem:$0x3FB0]  }
0x31: {  	[smem:$0x3FB9] =	sst s10  }
0x32: {  	s10 =	sld [smem:$0x3FB7];
	_ =	sdelay $0x3  }
0x33: {  	p0 =	seq.s32 s10, $0x1;
	s10 =	sld [smem:$0x3FB9];
	_ =	sdelay $0x3  }
0x34: {  	[smem:$0x3FB9] =	sst s10  }
0x35: {  	s10 =	sld [smem:$0x3FB8];
	_ =	sdelay $0x3  }
0x36: {  	p1 =	seq.s32 s10, $0x1;
	s10 =	sld [smem:$0x3FB9];
	_ =	sdelay $0x3  }
0x37: {  	[smem:$0x3FB9] =	sst s10  }
0x38: {  	s10 =	sld [smem:$0x3FBA]  }
0x39: {  	_ = 	snop;
	(pc) =	sbr.ind lr, $3  }
0x3a: {  	_ = 	snop  }
0x3b: {  	_ = 	snop  }
0x3c: {  	p2 =	seq.s32 s10, $0x1;
	s10 =	sld [smem:$0x3FB9]  }
0x3d: {  	_ =	shalt  }
0x3e: {  	_ =	shalt  }
0x3f: {  	_ =	shalt  }
0x40: {  	_ =	shalt  }
0x41: {  	_ =	shalt  }
0x42: {  	_ =	shalt  }
0x43: {  	_ =	shalt  }
0x44: {  	_ =	shalt  }
0x45: {  	_ =	shalt  }
0x46: {  	_ =	shalt  }
0x47: {  	_ =	shalt  }
0x48: {  	_ =	shalt  }
0x49: {  	_ =	shalt  }
0x4a: {  	_ =	shalt  }
0x4b: {  	_ =	shalt  }
0x4c: {  	_ =	shalt  }
0x4d: {  	_ =	shalt  }
0x4e: {  	_ =	shalt  }
0x4f: {  	_ =	shalt  }
0x50: {  	_ =	shalt  }
0x51: {  	_ =	shalt  }
0x52: {  	_ =	shalt  }
0x53: {  	_ =	shalt  }
0x54: {  	_ =	shalt  }
0x55: {  	_ =	shalt  }
0x56: {  	_ =	shalt  }
0x57: {  	_ =	shalt  }
0x58: {  	_ =	shalt  }
0x59: {  	_ =	shalt  }
0x5a: {  	_ =	shalt  }
0x5b: {  	_ =	shalt  }
0x5c: {  	_ =	shalt  }
0x5d: {  	_ =	shalt  }
0x5e: {  	_ =	shalt  }
0x5f: {  	_ =	shalt  }
0x60: {  	_ =	shalt  }
0x61: {  	_ =	shalt  }
0x62: {  	_ =	shalt  }
0x63: {  	_ =	shalt  }
0x64: {  	_ =	shalt  }
0x65: {  	_ =	shalt  }
0x66: {  	_ =	shalt  }
0x67: {  	_ =	shalt  }
0x68: {  	_ =	shalt  }
0x69: {  	_ =	shalt  }
0x6a: {  	_ =	shalt  }
0x6b: {  	_ =	shalt  }
0x6c: {  	_ =	shalt  }
0x6d: {  	_ =	shalt  }
0x6e: {  	_ =	shalt  }
0x6f: {  	_ =	shalt  }
0x70: {  	_ =	shalt  }
0x71: {  	_ =	shalt  }
0x72: {  	_ =	shalt  }
0x73: {  	_ =	shalt  }
0x74: {  	_ =	shalt  }
0x75: {  	_ =	shalt  }
0x76: {  	_ =	shalt  }
0x77: {  	_ =	shalt  }
0x78: {  	_ =	shalt  }
0x79: {  	_ =	shalt  }
0x7a: {  	_ =	shalt  }
0x7b: {  	_ =	shalt  }
0x7c: {  	_ =	shalt  }
0x7d: {  	_ =	shalt  }
0x7e: {  	_ =	shalt  }
0x7f: {  	_ =	shalt  }
0x80: {  	_ =	shalt  }
0x81: {  	_ =	shalt  }
0x82: {  	_ =	shalt  }
0x83: {  	_ =	shalt  }
0x84: {  	_ =	shalt  }
0x85: {  	_ =	shalt  }
0x86: {  	_ =	shalt  }
0x87: {  	_ =	shalt  }
.Lfunc_end0:
.L_simem_size_0:
called_computation_lowered:
.L_overlay_start_0:
0x88: {  	s2 =	sld [smem:$0x3FD9]  }
0x89: {  	s3 =	sld [smem:$0x3FFE];
	_ =	sdelay $0x1  }
0x8a: {  	s1 =	srdreg.scid  }
0x8b: {  	s0 =	sand.u32 $0x1, s1  }
0x8c: {  	s14 =	sshll.u32 s0, $0xA;
	s2 =	sadd.s32 s3, s2  }
0x8d: {  	s2 =	sadd.s32 s2, s14  }
0x8e: {  	[smem:$0x3FC5] =	sst s2  }
0x8f: {  	_ = 	snop  }
0x90: {  	s2 =	sld [smem:$0x3FD0]  }
0x91: {  	s15 =	sld [smem:$0x3FC9]  }
0x92: {  	s4 =	sld [smem:$0x3FC8]  }
0x93: {  	s6 =	simm.s32 $0xA;
	s7 =	simm.s32 $0x10;
	s5 =	sld [smem:$0x3FC7]  }
0x94: {  	[smem:s7], [sflag:s6] =	dma.local [hbm:s2], $0x1  }
0x95: {  	_ =	swait.eq [sflag:s6], $0x1  }
0x96: {  	[sflag:s6] =	ssyncset.done $0x0  }
0x97: {  	s16 =	sld [smem:$0x10];
	[sflag:s6] =	ssyncadd.s32 $0xFFFFFFFF  }
0x98: {  	s17 =	sld [smem:$0x11];
	(tm) =	ssettm $0x1  }
0x99: {  	s18 =	sld [smem:$0x3FFB];
	_ =	sdelay $0x3  }
0x9a: {  	_ =	strace s18  }
0x9b: {  	s7 =	sld [smem:$0x3FFC];
	_ =	sdelay $0x3  }
0x9c: {  	_ =	strace s7  }
0x9d: {  	s7 =	sld [smem:$0x3FFD];
	_ =	sdelay $0x3  }
0x9e: {  	_ =	strace s7  }
0x9f: {  	_ =	strace $0x8FFFFFFF  }
0xa0: {  	s19 =	sld [smem:$0x3FDB];
	_ =	sdelay $0x1  }
0xa1: {  	s8 =	simm.s32 $_scs_section_size  }
0xa2: {  	s9 =	simm.s32 $_size__tile_overlayer_lowered;
	s10 =	simm.s32 $_tile_overlayer_lowered  }
0xa3: {  	s22 =	simm.s32 $0x1BFF;
	s21 =	sshll.u32 s10, $0x1;
	s7 =	sadd.s32 s8, s19  }
0xa4: {  	s11 =	simm.s32 $0x0;
	s20 =	sshll.u32 s9, $0x1;
	s9 =	sadd.s32 s21, s7  }
0xa5: {  	[timem:s11], [sflag:s22] =	dma.local [hbm:s9], s20  }
0xa6: {  	_ =	swait.ge [sflag:s22], s20  }
0xa7: {  	s8 =	ssub.s32 $0x0, s20;
	[sflag:s22] =	ssyncset.done $0x0  }
0xa8: {  	[sflag:s22] =	ssyncadd.s32 s8;
	_ =	sdelay $0x1  }
0xa9: {  	s23 =	simm.s32 $0x1B8B  }
0xaa: {  	_ =	swait.ge [sflag:s23], $0x1  }
0xab: {  	[sflag:s23] =	ssyncset.done $0x0  }
0xac: {  	s25 =	simm.s32 $0x1B8E;
	s24 =	sld [smem:$0x3FFE];
	[sflag:s23] =	ssyncadd.s32 $0xFFFFFFFF  }
0xad: {  	s26 =	simm.s32 $execute0_lowered;
	[smem:$0x3FD2] =	sst s25  }
0xae: {  	s9 =	sshll.u32 s26, $0x1;
	_ =	strace $0x80000046;
	[dreg:$0x1] =	wrdreg $0xFFFFFFFF  }
0xaf: {  	s28 =	simm.s32 $_size_execute0_lowered;
	s7 =	sadd.s32 s7, s9;
	[dreg:$0x0] =	wrdreg $0x0  }
0xb0: {  	s9 =	sshll.u32 s28, $0x1;
	[dreg:$0x2] =	wrdreg s7  }
0xb1: {  	[dreg:$0x3] =	wrdreg s9  }
0xb2: {  	[dreg:$0x4] =	wrdreg $0xC0  }
0xb3: {  	_ =	task [dreg:s11], $0x5FFFF  }
0xb4: {  	[dreg:$0x1] =	wrdreg $0xFFFFFFFF  }
0xb5: {  	[dreg:$0x0] =	wrdreg $0x60  }
0xb6: {  	[dreg:$0x2] =	wrdreg s15  }
0xb7: {  	[dreg:$0x3] =	wrdreg s4  }
0xb8: {  	[dreg:$0x4] =	wrdreg s5  }
0xb9: {  	[dreg:$0x5] =	wrdreg s16  }
0xba: {  	[dreg:$0x6] =	wrdreg s17  }
0xbb: {  	[dreg:$0x7] =	wrdreg s24  }
0xbc: {  	[dreg:$0x8] =	wrdreg $0x9  }
0xbd: {  	_ =	task.clear_ibuf [dreg:s11], $0x9FFFF;
	_ =	strace $0x90000046  }
0xbe: {  	s29 =	simm.s32 $0x9;
	_ =	strace $0x80000048  }
0xbf: {  	_ =	swait.ge [sflag:s29], $0x1  }
0xc0: {  	[sflag:s29] =	ssyncadd.s32 $0xFFFFFFFF  }
0xc1: {  	_ =	strace $0x90000048  }
0xc2: {  	_ =	sfence  }
0xc3: {  	s30 =	sld [smem:$0x0];
	_ =	sdelay $0x2  }
0xc4: {  	s31 =	sshll.u32 s1, $0xD;
	s1 =	sshrl.u32 s1, $0x2  }
0xc5: {  	s3 =	sand.u32 $0x4000, s31;
	s1 =	sadd.s32 s1, s30  }
0xc6: {  	s0 =	sor.u32 s3, s0;
	s1 =	sshll.u32 s1, $0x11  }
0xc7: {  	s0 =	sor.u32 s1, s0  }
0xc8: {  	s0 =	sadd.s32 $0x8F2B, s0  }
0xc9: {  	[sflag:s0] =	ssyncadd.remote.s32 $0x1  }
0xca: {  	_ =	sfence.sel $0xFFFF  }
0xcb: {  	[dreg:$0x0] =	wrdreg $0xFFFFFFFF;
	(pc) =	sbr.abs _section_cstart, $3  }
0xcc: {  	[dreg:$0x1] =	wrdreg $0xFFFFFFFF  }
0xcd: {  	_ =	task.clear_ibuf [dreg:s11], $0x2FFFF;
	_ =	strace $0x9FFFFFFF  }
0xce: {  	(tm) =	ssettm $0x7FFFFFFF  }
0xcf: {  	_ =	shalt  }
tec
execute0_lowered:
.L_overlay_start_1:
0x0: {  	(tag) =	ssettag $0x1  }
0x1: {  	s4 =	rddreg [dreg:$0x1]  }
0x2: {  	s5 =	rddreg [dreg:$0x2]  }
0x3: {  	s0 =	rddreg [dreg:$0x3];
	s2 =	srdreg.scid  }
0x4: {  	s3 =	stileid.u32;
	s1 =	rddreg [dreg:$0x4]  }
0x5: {  	s7 =	rddreg [dreg:$0x5];
	s28 =	simm.s32 $0x2;
	s29 =	simm.s32 $0x7580  }
0x6: {  	s30 =	simm.s32 $0x80;
	s31 =	simm.s32 $0x400;
	s6 =	sand.u32 $0x1, s2  }
0x7: {  	s16 =	sshll.u32 s3, $0x1;
	s9 =	sshrl.u32 s3, $0x2;
	s3 =	simm.s32 $0x0  }
0x8: {  	s8 =	sor.u32 s6, s16;
	s10 =	sshll.u32 s9, $0xA;
	s9 =	smul.u32 $0x9C400, s9  }
0x9: {  	s6 =	ssub.s32 $0x2, s6;
	[smem:$0x7FF] =	sst s3;
	s11 =	smul.u32 $0x2710, s8  }
0xa: {  	s2 =	sshll.u32 s8, $0x7;
	s12 =	sshrl.u32 s6, $0x1;
	s14 =	smul.u32 $0x5, s8  }
0xb: {  	s8 =	smul.u32 $0x280, s8;
	s2 =	sand.u32 $0x380, s2;
	s6 =	ssub.s32 s6, s12  }
0xc: {  	s10 =	sor.u32 s10, s2;
	s17 =	sshrl.u32 s11, $0x3;
	s18 =	sshrl.u32 s14, $0x3  }
0xd: {  	s8 =	sand.u32 $0x380, s8;
	s21 =	sadd.s32 $0x1, s14;
	s24 =	sadd.s32 $0x2, s14  }
0xe: {  	s2 =	sor.u32 s9, s2;
	s10 =	sshrl.u32 s10, $0x3;
	s11 =	sadd.s32 s4, s17  }
0xf: {  	s19 =	sadd.s32 s5, s17;
	s20 =	sadd.s32 $0xFA, s17;
	s22 =	sshrl.u32 s21, $0x3  }
0x10: {  	s23 =	sadd.s32 $0x1F4, s17;
	s25 =	sshrl.u32 s24, $0x3;
	s26 =	sadd.s32 $0x2EE, s17  }
0x11: {  	s2 =	sshrl.u32 s2, $0x3;
	s7 =	sadd.s32 s10, s7;
	[dreg:$0x7] =	wrdreg s11  }
0x12: {  	[dreg:$0x8] =	wrdreg s19;
	s11 =	smul.u32 $0xC000, s18;
	s13 =	sadd.s32 s4, s20  }
0x13: {  	s12 =	sadd.s32 s5, s20;
	s15 =	sadd.s32 s4, s23;
	[dreg:$0x9] =	wrdreg s13  }
0x14: {  	s16 =	sadd.s32 s4, s26;
	s10 =	sadd.s32 $0x3E8, s17;
	[dreg:$0xa] =	wrdreg s12  }
0x15: {  	s17 =	sadd.s32 $0x3, s14;
	s13 =	sshll.u32 s21, $0x7;
	[dreg:$0xb] =	wrdreg s15  }
0x16: {  	s12 =	sadd.s32 s5, s23;
	s15 =	sshll.u32 s24, $0x7;
	[dreg:$0xd] =	wrdreg s16  }
0x17: {  	s4 =	sadd.s32 s4, s10;
	s18 =	sadd.s32 s5, s10;
	s19 =	sshrl.u32 s17, $0x3  }
0x18: {  	s20 =	sshll.u32 s17, $0x7;
	s21 =	sadd.s32 $0x4, s14;
	s8 =	sor.u32 s8, s11  }
0x19: {  	s11 =	smul.u32 $0xC000, s22;
	s13 =	sand.u32 $0x380, s13;
	[dreg:$0xc] =	wrdreg s12  }
0x1a: {  	s12 =	smul.u32 $0xC000, s25;
	s16 =	sand.u32 $0x380, s15;
	[dreg:$0xf] =	wrdreg s4  }
0x1b: {  	[dreg:$0x10] =	wrdreg s18;
	s4 =	smul.u32 $0xC000, s19;
	s22 =	sshrl.u32 s21, $0x3  }
0x1c: {  	s10 =	sshll.u32 s21, $0x7;
	s19 =	sadd.s32 s0, s2;
	s21 =	smax.u32 s6, $0x1  }
0x1d: {  	s2 =	simm.s32 $0x1CE00;
	s0 =	simm.s32 $0x1E600;
	s6 =	simm.s32 $0x6  }
0x1e: {  	s8 =	sshrl.u32 s8, $0x3;
	s25 =	sand.u32 $0x380, s10;
	s11 =	sor.u32 s13, s11  }
0x1f: {  	s13 =	sadd.s32 s5, s26;
	s12 =	sor.u32 s16, s12;
	s5 =	sand.u32 $0x380, s20  }
0x20: {  	s14 =	sadd.s32 s1, s8;
	s20 =	sadd.s32 $0x800, s7;
	s7 =	simm.s32 $0x0  }
0x21: {  	[dreg:$0xe] =	wrdreg s13;
	s4 =	sor.u32 s5, s4;
	s23 =	sshrl.u32 s11, $0x3  }
0x22: {  	s5 =	smul.u32 $0xC000, s22;
	s24 =	sshrl.u32 s12, $0x3;
	s22 =	simm.s32 $0x1AE00  }
0x23: {  	s13 =	simm.s32 $0x1B5D0;
	_ =	strace $0x80000047;
	s15 =	sadd.s32 s1, s23  }
0x24: {  	s16 =	sadd.s32 s1, s24;
	s4 =	sshrl.u32 s4, $0x3;
	s23 =	simm.s32 $0x1BE00  }
0x25: {  	s24 =	simm.s32 $0x1;
	s5 =	sor.u32 s25, s5;
	s17 =	sadd.s32 s1, s4  }
0x26: {  	v0 =	vimm.f32 $0.0e+00;
	vm0 =	vcmask $0x300;
	vm1 =	vcmask $0x704;
	s25 =	simm.s32 $0x1C5D0;
	s4 =	simm.s32 $0x4;
	s26 =	sshrl.u32 s5, $0x3  }
0x27: {  	vm2 =	vcmask $0xB08;
	vm3 =	vcmask $0xF0C;
	vm4 =	vcmask $0x1310;
	s5 =	simm.s32 $0x5;
	s18 =	sadd.s32 s1, s26;
	s1 =	simm.s32 $0x3  }
.LBB2_1:
0x28: {  	s8 =	rddreg [dreg:$0x0]  }
0x29: {  	[tilespmem:s3], [sflag:$0x1] =	stream.linear.gather [hbm4b:s8+s3], $0x7580, $0x38;
	[tilespmem:$0x1FE80] =	vst v63  }
0x2a: {  	s12 =	rddreg [dreg:$0x7]  }
0x2b: {  	[tilespmem:s22], [sflag:$0x2] =	stream.linear.gather [hbm4b:s12+s3], $0x7D0, $0x38;
	[tilespmem:$0x1FE80] =	vst v63  }
0x2c: {  	s26 =	rddreg [dreg:$0x8];
	s9 =	simm.s32 $0x200;
	s8 =	simm.s32 $0x0  }
0x2d: {  	[tilespmem:s23], [sflag:$0x2] =	stream.linear.gather [hbm4b:s26+s3], $0x7D0, $0x38;
	[tilespmem:$0x1FE80] =	vst v63  }
.LBB2_2:
0x2e: {  	p0 =	sne.s32 s9, $0x4E000;
	[tilespmem:s8+$0x75F0] =	vst v0  }
0x2f: {  	[tilespmem:s8+$0x7580] =	vst v0  }
0x30: {  	[tilespmem:s8+$0x7590] =	vst v0  }
.Ltmp0:
0x31: {  	[tilespmem:s8+$0x75A0] =	vst v0;
	(pc) =	sbr.rel @p0 .LBB2_2-.Ltmp0, $4  }
0x32: {  	[tilespmem:s8+$0x75B0] =	vst v0  }
0x33: {  	[tilespmem:s8+$0x75C0] =	vst v0  }
0x34: {  	[tilespmem:s8+$0x75D0] =	vst v0  }
0x35: {  	[tilespmem:s8+$0x75E0] =	vst v0;
	s8 =	sshra.s32 s9, $0x2;
	s9 =	sadd.s32 $0x200, s9  }
0x36: {  	[tilespmem:s8+$0x75F0] =	vst v0  }
0x37: {  	[tilespmem:s8+$0x7580] =	vst v0  }
0x38: {  	[tilespmem:s8+$0x7590] =	vst v0  }
0x39: {  	[tilespmem:s8+$0x75A0] =	vst v0  }
0x3a: {  	[tilespmem:s8+$0x75B0] =	vst v0  }
0x3b: {  	[tilespmem:s8+$0x75C0] =	vst v0  }
0x3c: {  	[tilespmem:s8+$0x75D0] =	vst v0  }
0x3d: {  	[tilespmem:s8+$0x75E0] =	vst v0;
	s8 =	simm.s32 $0x0;
	s9 =	simm.s32 $0x200  }
.LBB2_4:
0x3e: {  	p0 =	sne.s32 s9, $0xBE00;
	[tilespmem:s8+$0x1CE70] =	vst v0  }
0x3f: {  	[tilespmem:s8+$0x1CE00] =	vst v0  }
0x40: {  	[tilespmem:s8+$0x1CE10] =	vst v0  }
.Ltmp1:
0x41: {  	[tilespmem:s8+$0x1CE20] =	vst v0;
	(pc) =	sbr.rel @p0 .LBB2_4-.Ltmp1, $4  }
0x42: {  	[tilespmem:s8+$0x1CE30] =	vst v0  }
0x43: {  	[tilespmem:s8+$0x1CE40] =	vst v0  }
0x44: {  	[tilespmem:s8+$0x1CE50] =	vst v0  }
0x45: {  	[tilespmem:s8+$0x1CE60] =	vst v0;
	s8 =	sshra.s32 s9, $0x2;
	s9 =	sadd.s32 $0x200, s9  }
0x46: {  	[tilespmem:s8+$0x1CE70] =	vst v0  }
0x47: {  	[tilespmem:s8+$0x1CE00] =	vst v0  }
0x48: {  	[tilespmem:s8+$0x1CE10] =	vst v0  }
0x49: {  	[tilespmem:s8+$0x1CE20] =	vst v0  }
0x4a: {  	[tilespmem:s8+$0x1CE30] =	vst v0  }
0x4b: {  	[tilespmem:s8+$0x1CE40] =	vst v0  }
0x4c: {  	[tilespmem:s8+$0x1CE50] =	vst v0  }
0x4d: {  	[tilespmem:s8+$0x1CE60] =	vst v0  }
0x4e: {  	_ =	swait.ge [sflag:s24], $0x7580  }
0x4f: {  	[sflag:s24] =	ssyncset.done $0x0  }
0x50: {  	s8 =	simm.s32 $0x0;
	s9 =	rddreg [dreg:$0x9];
	[sflag:s24] =	ssyncadd.s32 $0xFFFF8A80  }
0x51: {  	[tilespmem:s13], [sflag:$0x3] =	stream.linear.gather [hbm4b:s9+s8], $0x7D0, $0x38;
	[tilespmem:$0x1FE80] =	vst v63  }
0x52: {  	s12 =	rddreg [dreg:$0xa]  }
0x53: {  	[tilespmem:s25], [sflag:$0x3] =	stream.linear.gather [hbm4b:s12+s8], $0x7D0, $0x38;
	[tilespmem:$0x1FE80] =	vst v63  }
0x54: {  	_ =	swait.ge [sflag:s28], $0x7D0  }
0x55: {  	[sflag:s28] =	ssyncset.done $0x0  }
0x56: {  	[sflag:s28] =	ssyncadd.s32 $0xFFFFF830  }
0x57: {  	_ =	swait.ge [sflag:s28], $0x7D0  }
0x58: {  	[sflag:s28] =	ssyncset.done $0x0  }
0x59: {  	s26 =	simm.s32 $0x0;
	[sflag:s28] =	ssyncadd.s32 $0xFFFFF830  }
0x5a: {  	v2 =	vld [tilespmem:s26+$0x1AE00]  }
0x5b: {  	v1 =	vld [tilespmem:s26+$0x1BE00];
	_ =	sdelay $0x3  }
0x5c: {  	v3 =	vmul.u32 $0x3, v2  }
0x5d: {  	v4 =	vmul.u32 $0x3, v1;
	_ =	sdelay $0x1  }
0x5e: {  	v5 =	vadd.s32 $0x1, v3  }
0x5f: {  	v6 =	vadd.s32 $0x1, v4  }
0x60: {  	v7 =	vadd.s32 $0x2, v3  }
0x61: {  	v8 =	vadd.s32 $0x2, v4;
	v9 =	vld.idx.msk [tilespmem:v3+s3+$0x0], $0xffff  }
0x62: {  	v4 =	vld.idx.msk [tilespmem:v4+s3+$0x0], $0xffff  }
0x63: {  	v3 =	vld.idx.msk [tilespmem:v5+s3+$0x0], $0xffff  }
0x64: {  	v5 =	vld.idx.msk [tilespmem:v6+s3+$0x0], $0xffff  }
0x65: {  	v7 =	vld.idx.msk [tilespmem:v7+s3+$0x0], $0xffff  }
0x66: {  	v8 =	vld.idx.msk [tilespmem:v8+s3+$0x0], $0xffff;
	_ =	sdelay $0x2  }
0x67: {  	v3 =	vsub.f32 v5, v3;
	v5 =	vsub.f32 v4, v9;
	_ =	sdelay $0x1  }
0x68: {  	s9 =	simm.s32 $0x40;
	v4 =	vsub.f32 v8, v7;
	v6 =	vmul.f32 v3, v3;
	v7 =	vmul.f32 v5, v5  }
.LBB2_6:
0x69: {  	p0 =	sne.s32 s9, $0x1F00;
	s10 =	smov.u32 s9;
	s9 =	sadd.s32 $0x40, s9  }
0x6a: {  	v6 =	vadd.f32 v6, v7;
	v7 =	vmul.f32 v4, v4  }
0x6b: {  	s10 =	sshra.s32 s10, $0x2  }
0x6c: {  	v6 =	vadd.f32 v7, v6;
	_ =	sdelay $0x1  }
0x6d: {  	v6 =	vadd.f32 $9.999999960e-13, v6;
	_ =	sdelay $0x1  }
0x6e: {  	v7 =	vshrl.u32 v6, $0x1;
	v8 =	vmul.f32 $5.000000000e-01, v6  }
0x6f: {  	v7 =	vsub.s32 $0x5F3759DF, v7  }
0x70: {  	v9 =	vmul.f32 v7, v8;
	_ =	sdelay $0x1  }
0x71: {  	v9 =	vmul.f32 v7, v9;
	_ =	sdelay $0x1  }
0x72: {  	v9 =	vsub.f32 $1.500000000e+00, v9;
	_ =	sdelay $0x1  }
0x73: {  	v7 =	vmul.f32 v7, v9;
	_ =	sdelay $0x1  }
0x74: {  	v9 =	vmul.f32 v7, v8;
	_ =	sdelay $0x1  }
0x75: {  	v9 =	vmul.f32 v9, v7;
	_ =	sdelay $0x1  }
0x76: {  	v9 =	vsub.f32 $1.500000000e+00, v9;
	_ =	sdelay $0x1  }
0x77: {  	v7 =	vmul.f32 v9, v7;
	_ =	sdelay $0x1  }
0x78: {  	v8 =	vmul.f32 v7, v8;
	_ =	sdelay $0x1  }
0x79: {  	v8 =	vmul.f32 v8, v7;
	_ =	sdelay $0x1  }
0x7a: {  	v8 =	vsub.f32 $1.500000000e+00, v8;
	_ =	sdelay $0x1  }
0x7b: {  	v8 =	vmul.f32 v8, v7;
	_ =	sdelay $0x1  }
0x7c: {  	v7 =	vmul.f32 v8, v6;
	v6 =	vmul.f32 v8, v5  }
0x7d: {  	v5 =	vmul.f32 v8, v3;
	v3 =	vmul.f32 v8, v4  }
0x7e: {  	v4 =	vmul.f32 $5.235987900e-01, v7;
	v8 =	vmul.f32 $-5.000000000e-01, v7;
	v9 =	vadd.f32 $-8.571428650e-01, v7  }
0x7f: {  	v10 =	vadd.f32 $-1.714285730e+00, v7;
	v11 =	vadd.f32 $-2.571428540e+00, v7  }
0x80: {  	v4 =	vmin.f32 v4, $3.141592740e+00;
	v8 =	vmul.f32 v8, v7;
	v12 =	vmul.f32 $-5.000000000e-01, v9  }
0x81: {  	v14 =	vadd.f32 $-3.428571460e+00, v7;
	v13 =	vmul.f32 $-5.000000000e-01, v10;
	v4 =	vmul.f32 v4, v4  }
0x82: {  	v8 =	vmul.f32 $1.442695020e+00, v8;
	v9 =	vmul.f32 v12, v9;
	v12 =	vadd.f32 $-4.285714150e+00, v7  }
0x83: {  	v10 =	vmul.f32 v13, v10;
	v13 =	vadd.f32 $-5.142857070e+00, v7;
	v15 =	vmul.f32 $1.729497770e-09, v4  }
0x84: {  	v17 =	vadd.f32 $-6.000000000e+00, v7;
	v16 =	vmul.f32 $-5.000000000e-01, v11;
	v9 =	vmul.f32 $1.442695020e+00, v9  }
0x85: {  	v18 =	vmul.f32 $-5.000000000e-01, v14;
	v19 =	vmul.f32 $-5.000000000e-01, v12;
	v15 =	vadd.f32 $-2.709447240e-07, v15  }
0x86: {  	v11 =	vmul.f32 v16, v11;
	v16 =	vmul.f32 $-5.000000000e-01, v13  }
0x87: {  	v14 =	vmul.f32 v18, v14;
	v15 =	vmul.f32 v15, v4  }
0x88: {  	v11 =	vmul.f32 $1.442695020e+00, v11;
	v12 =	vmul.f32 v19, v12  }
0x89: {  	v14 =	vmul.f32 $1.442695020e+00, v14;
	v13 =	vmul.f32 v16, v13;
	v15 =	vadd.f32 $2.477169980e-05, v15  }
0x8a: {  	v16 =	vmul.f32 $-5.000000000e-01, v17;
	v12 =	vmul.f32 $1.442695020e+00, v12  }
0x8b: {  	v13 =	vmul.f32 $1.442695020e+00, v13;
	v15 =	vmul.f32 v15, v4  }
0x8c: {  	v16 =	vmul.f32 v16, v17  }
0x8d: {  	v15 =	vadd.f32 $-1.388790440e-03, v15  }
0x8e: {  	v16 =	vmul.f32 $1.442695020e+00, v16  }
0x8f: {  	v15 =	vmul.f32 v15, v4;
	_ =	sdelay $0x1  }
0x90: {  	v15 =	vadd.f32 $4.166651520e-02, v15;
	_ =	sdelay $0x1  }
0x91: {  	v15 =	vmul.f32 v15, v4;
	_ =	sdelay $0x1  }
0x92: {  	v15 =	vadd.f32 $-4.999999110e-01, v15  }
0x93: {  	v10 =	vmul.f32 $1.442695020e+00, v10;
	(erf) = vpow2.f32 v8  }
0x94: {  	v4 =	vmul.f32 v15, v4;
	(erf) = vpow2.f32 v9  }
0x95: {  	(erf) = vpow2.f32 v10  }
0x96: {  	v4 =	vadd.f32 $1.000000000e+00, v4;
	(erf) = vpow2.f32 v11  }
0x97: {  	vm5 =	vlt.f32 v7, $6.000000000e+00;
	(erf) = vpow2.f32 v14  }
0x98: {  	v8 =	vmpcnt.ones.xlane vm5;
	v4 =	vadd.f32 $1.000000000e+00, v4;
	(erf) = vpow2.f32 v12  }
0x99: {  	v2 =	vshll.u32 v2, $0x3;
	(erf) = vpow2.f32 v13  }
0x9a: {  	v4 =	vmul.f32 $5.000000000e-01, v4;
	(erf) = vpow2.f32 v16;
	(v2sf) =	vpush v8, $0x0  }
0x9b: {  	v8 =	vor.u32 $0x1, v2  }
0x9c: {  	v9 =	vor.u32 $0x2, v2;
	v4 =	vnsel vm5, $0x0, v4;
	v10 =	vpop (erf)  }
0x9d: {  	v11 =	vor.u32 $0x3, v2;
	v10 =	vmul.f32 v4, v10;
	v12 =	vpop (erf)  }
0x9e: {  	v13 =	vor.u32 $0x4, v2;
	v12 =	vmul.f32 v4, v12;
	v14 =	vpop (erf)  }
0x9f: {  	[tilespmem:v2+s29+$0x0] =	vst.idx.add.f32.msk vm5, v10;
	v10 =	vmul.f32 v4, v14;
	v14 =	vor.u32 $0x5, v2;
	v15 =	vpop (erf)  }
0xa0: {  	[tilespmem:v8+s29+$0x0] =	vst.idx.add.f32.msk vm5, v12;
	v8 =	vmul.f32 v4, v15;
	v12 =	vor.u32 $0x6, v2;
	v15 =	vpop (erf)  }
0xa1: {  	[tilespmem:v9+s29+$0x0] =	vst.idx.add.f32.msk vm5, v10;
	v9 =	vmul.f32 v4, v15;
	v10 =	vor.u32 $0x7, v2;
	v15 =	vpop (erf)  }
0xa2: {  	[tilespmem:v11+s29+$0x0] =	vst.idx.add.f32.msk vm5, v8;
	v8 =	vmul.f32 v4, v15;
	v11 =	vpop (erf)  }
0xa3: {  	[tilespmem:v13+s29+$0x0] =	vst.idx.add.f32.msk vm5, v9;
	v9 =	vmul.f32 v4, v11;
	v11 =	vpop (erf)  }
0xa4: {  	[tilespmem:v14+s29+$0x0] =	vst.idx.add.f32.msk vm5, v8;
	v4 =	vmul.f32 v4, v11  }
0xa5: {  	[tilespmem:v12+s29+$0x0] =	vst.idx.add.f32.msk vm5, v9  }
0xa6: {  	[tilespmem:v10+s29+$0x0] =	vst.idx.add.f32.msk vm5, v4  }
0xa7: {  	[tilespmem:s8+$0x1CE00] =	vst.msk vm5, v2  }
0xa8: {  	[tilespmem:s8+$0x1D200] =	vst.msk vm5, v1  }
0xa9: {  	[tilespmem:s8+$0x1D600] =	vst.msk vm5, v7;
	s11 =	spop (v2sf)  }
0xaa: {  	[tilespmem:s8+$0x1DA00] =	vst.msk vm5, v6;
	s11 =	sadd.s32 s8, s11  }
0xab: {  	[tilespmem:s8+$0x1DE00] =	vst.msk vm5, v5;
	p1 =	slt.s32 s11, $0x3F0  }
0xac: {  	[tilespmem:s8+$0x1E200] =	vst.msk vm5, v3;
	s8 =	smov.u32 s11  }
0xad: {  	s8 =	simm.s32 @!p1 $0x3F0  }
0xae: {  	v2 =	vld [tilespmem:s10+$0x1AE00]  }
0xaf: {  	v1 =	vld [tilespmem:s10+$0x1BE00];
	_ =	sdelay $0x3  }
0xb0: {  	v3 =	vmul.u32 $0x3, v2  }
0xb1: {  	v4 =	vmul.u32 $0x3, v1  }
0xb2: {  	v5 =	vadd.s32 $0x1, v3;
	v6 =	vadd.s32 $0x2, v3  }
0xb3: {  	v7 =	vadd.s32 $0x1, v4;
	v8 =	vadd.s32 $0x2, v4;
	_ =	sdelay $0x2  }
0xb4: {  	v9 =	vld.idx.msk [tilespmem:v3+s3+$0x0], $0xffff  }
0xb5: {  	v3 =	vld.idx.msk [tilespmem:v5+s3+$0x0], $0xffff  }
0xb6: {  	v5 =	vld.idx.msk [tilespmem:v7+s3+$0x0], $0xffff  }
0xb7: {  	v4 =	vld.idx.msk [tilespmem:v4+s3+$0x0], $0xffff  }
0xb8: {  	v7 =	vld.idx.msk [tilespmem:v6+s3+$0x0], $0xffff  }
0xb9: {  	v8 =	vld.idx.msk [tilespmem:v8+s3+$0x0], $0xffff;
	_ =	sdelay $0x1  }
.Ltmp2:
0xba: {  	(pc) =	sbr.rel @p0 .LBB2_6-.Ltmp2, $4  }
0xbb: {  	v3 =	vsub.f32 v5, v3  }
0xbc: {  	v5 =	vsub.f32 v4, v9  }
0xbd: {  	v6 =	vmul.f32 v3, v3  }
0xbe: {  	v4 =	vsub.f32 v8, v7;
	v7 =	vmul.f32 v5, v5  }
0xbf: {  	_ = 	snop  }
0xc0: {  	v6 =	vadd.f32 v6, v7;
	v7 =	vmul.f32 v4, v4;
	_ =	sdelay $0x1  }
0xc1: {  	v6 =	vadd.f32 v7, v6;
	_ =	sdelay $0x1  }
0xc2: {  	v6 =	vadd.f32 $9.999999960e-13, v6;
	_ =	sdelay $0x1  }
0xc3: {  	v7 =	vshrl.u32 v6, $0x1;
	v8 =	vmul.f32 $5.000000000e-01, v6  }
0xc4: {  	v7 =	vsub.s32 $0x5F3759DF, v7  }
0xc5: {  	v9 =	vmul.f32 v7, v8;
	_ =	sdelay $0x1  }
0xc6: {  	v9 =	vmul.f32 v7, v9;
	_ =	sdelay $0x1  }
0xc7: {  	v9 =	vsub.f32 $1.500000000e+00, v9;
	_ =	sdelay $0x1  }
0xc8: {  	v7 =	vmul.f32 v7, v9;
	_ =	sdelay $0x1  }
0xc9: {  	v9 =	vmul.f32 v7, v8;
	_ =	sdelay $0x1  }
0xca: {  	v9 =	vmul.f32 v9, v7;
	_ =	sdelay $0x1  }
0xcb: {  	v9 =	vsub.f32 $1.500000000e+00, v9;
	_ =	sdelay $0x1  }
0xcc: {  	v7 =	vmul.f32 v9, v7;
	_ =	sdelay $0x1  }
0xcd: {  	v8 =	vmul.f32 v7, v8;
	_ =	sdelay $0x1  }
0xce: {  	v8 =	vmul.f32 v8, v7;
	_ =	sdelay $0x1  }
0xcf: {  	v8 =	vsub.f32 $1.500000000e+00, v8;
	_ =	sdelay $0x1  }
0xd0: {  	v7 =	vmul.f32 v8, v7;
	_ =	sdelay $0x1  }
0xd1: {  	v6 =	vmul.f32 v7, v6;
	_ =	sdelay $0x1  }
0xd2: {  	v8 =	vmul.f32 $5.235987900e-01, v6;
	_ =	sdelay $0x1  }
0xd3: {  	v8 =	vmin.f32 v8, $3.141592740e+00  }
0xd4: {  	v8 =	vmul.f32 v8, v8;
	_ =	sdelay $0x1  }
0xd5: {  	v33 =	vmul.f32 $1.729497770e-09, v8;
	_ =	sdelay $0x1  }
0xd6: {  	v9 =	vadd.f32 $-2.709447240e-07, v33;
	_ =	sdelay $0x1  }
0xd7: {  	v9 =	vmul.f32 v9, v8;
	_ =	sdelay $0x1  }
0xd8: {  	v11 =	vadd.f32 $-8.571428650e-01, v6;
	v9 =	vadd.f32 $2.477169980e-05, v9  }
0xd9: {  	v10 =	vmul.f32 $-5.000000000e-01, v6;
	v12 =	vadd.f32 $-1.714285730e+00, v6;
	v15 =	vadd.f32 $-2.571428540e+00, v6  }
0xda: {  	v16 =	vadd.f32 $-3.428571460e+00, v6;
	v34 =	vadd.f32 $-4.285714150e+00, v6;
	v9 =	vmul.f32 v9, v8  }
0xdb: {  	v17 =	vadd.f32 $-5.142857070e+00, v6;
	v10 =	vmul.f32 v10, v6;
	v13 =	vmul.f32 $-5.000000000e-01, v11  }
0xdc: {  	v14 =	vmul.f32 $-5.000000000e-01, v12;
	v35 =	vmul.f32 $-5.000000000e-01, v15;
	v9 =	vadd.f32 $-1.388790440e-03, v9  }
0xdd: {  	v37 =	vadd.f32 $-6.000000000e+00, v6;
	v18 =	vmul.f32 $-5.000000000e-01, v16;
	v19 =	vmul.f32 $-5.000000000e-01, v34  }
0xde: {  	v36 =	vmul.f32 $-5.000000000e-01, v17;
	v9 =	vmul.f32 v9, v8  }
0xdf: {  	v38 =	vmul.f32 $-5.000000000e-01, v37;
	v10 =	vmul.f32 $1.442695020e+00, v10  }
0xe0: {  	v11 =	vmul.f32 v13, v11;
	v12 =	vmul.f32 v14, v12;
	v9 =	vadd.f32 $4.166651520e-02, v9  }
0xe1: {  	v14 =	vmul.f32 v35, v15;
	v16 =	vmul.f32 v18, v16  }
0xe2: {  	v13 =	vmul.f32 v19, v34;
	v9 =	vmul.f32 v9, v8  }
0xe3: {  	v15 =	vmul.f32 v36, v17;
	v40 =	vmul.f32 v38, v37  }
0xe4: {  	v11 =	vmul.f32 $1.442695020e+00, v11;
	v14 =	vmul.f32 $1.442695020e+00, v14;
	v9 =	vadd.f32 $-4.999999110e-01, v9  }
0xe5: {  	v12 =	vmul.f32 $1.442695020e+00, v12;
	(erf) = vpow2.f32 v10  }
0xe6: {  	(erf) = vpow2.f32 v11;
	v8 =	vmul.f32 v9, v8  }
0xe7: {  	v16 =	vmul.f32 $1.442695020e+00, v16;
	(erf) = vpow2.f32 v12  }
0xe8: {  	v39 =	vmul.f32 $1.442695020e+00, v13;
	(erf) = vpow2.f32 v14;
	v8 =	vadd.f32 $1.000000000e+00, v8  }
0xe9: {  	v41 =	vmul.f32 $1.442695020e+00, v15;
	(erf) = vpow2.f32 v16  }
0xea: {  	v10 =	vmul.f32 $1.442695020e+00, v40;
	(erf) = vpow2.f32 v39;
	v8 =	vadd.f32 $1.000000000e+00, v8  }
0xeb: {  	vm5 =	vlt.f32 v6, $6.000000000e+00;
	(erf) = vpow2.f32 v41  }
0xec: {  	v2 =	vshll.u32 v2, $0x3;
	(erf) = vpow2.f32 v10;
	v8 =	vmul.f32 $5.000000000e-01, v8  }
0xed: {  	v42 =	vor.u32 $0x1, v2  }
0xee: {  	v43 =	vor.u32 $0x2, v2;
	v44 =	vpop (erf);
	v8 =	vnsel vm5, $0x0, v8  }
0xef: {  	v45 =	vor.u32 $0x3, v2;
	v46 =	vpop (erf);
	v11 =	vmul.f32 v8, v44  }
0xf0: {  	v47 =	vor.u32 $0x4, v2;
	v48 =	vpop (erf);
	v13 =	vmul.f32 v8, v46  }
0xf1: {  	v51 =	vor.u32 $0x5, v2;
	v49 =	vmpcnt.ones.xlane vm5;
	v52 =	vpop (erf);
	v50 =	vmul.f32 v8, v48;
	[tilespmem:v2+s29+$0x0] =	vst.idx.add.f32.msk vm5, v11  }
0xf2: {  	v54 =	vor.u32 $0x6, v2;
	v55 =	vpop (erf);
	v53 =	vmul.f32 v8, v52;
	[tilespmem:v42+s29+$0x0] =	vst.idx.add.f32.msk vm5, v13  }
0xf3: {  	v57 =	vor.u32 $0x7, v2;
	(v2sf) =	vpush v49, $0x0;
	v58 =	vpop (erf);
	v56 =	vmul.f32 v8, v55;
	[tilespmem:v43+s29+$0x0] =	vst.idx.add.f32.msk vm5, v50  }
0xf4: {  	v60 =	vpop (erf);
	v59 =	vmul.f32 v8, v58;
	[tilespmem:v45+s29+$0x0] =	vst.idx.add.f32.msk vm5, v53  }
0xf5: {  	v62 =	vpop (erf);
	v61 =	vmul.f32 v8, v60;
	[tilespmem:v47+s29+$0x0] =	vst.idx.add.f32.msk vm5, v56  }
0xf6: {  	v8 =	vmul.f32 v8, v62;
	[tilespmem:v51+s29+$0x0] =	vst.idx.add.f32.msk vm5, v59  }
0xf7: {  	[tilespmem:v54+s29+$0x0] =	vst.idx.add.f32.msk vm5, v61  }
0xf8: {  	[tilespmem:v57+s29+$0x0] =	vst.idx.add.f32.msk vm5, v8  }
0xf9: {  	[tilespmem:s8+$0x1CE00] =	vst.msk vm5, v2  }
0xfa: {  	v2 =	vmul.f32 v7, v5;
	[tilespmem:s8+$0x1D200] =	vst.msk vm5, v1  }
0xfb: {  	v1 =	vmul.f32 v7, v3;
	[tilespmem:s8+$0x1D600] =	vst.msk vm5, v6  }
0xfc: {  	v3 =	vmul.f32 v7, v4;
	[tilespmem:s8+$0x1DA00] =	vst.msk vm5, v2  }
0xfd: {  	[tilespmem:s8+$0x1DE00] =	vst.msk vm5, v1  }
0xfe: {  	[tilespmem:s8+$0x1E200] =	vst.msk vm5, v3  }
0xff: {  	[hbm4b:s14+s30] =	stream.strided.scatter [tilespmem:s2], [sflag:$0x4], $0x1800, s31, s30, $0x38;
	[tilespmem:$0x1FE80] =	vst v63  }
0x100: {  	s9 =	simm.s32 $0x0;
	s10 =	rddreg [dreg:$0xb]  }
0x101: {  	[tilespmem:s22], [sflag:$0x2] =	stream.linear.gather [hbm4b:s10+s9], $0x7D0, $0x38;
	[tilespmem:$0x1FE80] =	vst v63  }
0x102: {  	s11 =	rddreg [dreg:$0xc];
	s12 =	spop (v2sf)  }
0x103: {  	[tilespmem:s23], [sflag:$0x2] =	stream.linear.gather [hbm4b:s11+s9], $0x7D0, $0x38;
	[tilespmem:$0x1FE80] =	vst v63  }
0x104: {  	_ =	swait.ge [sflag:s1], $0x7D0  }
0x105: {  	[sflag:s1] =	ssyncset.done $0x0  }
0x106: {  	[sflag:s1] =	ssyncadd.s32 $0xFFFFF830  }
0x107: {  	_ =	swait.ge [sflag:s1], $0x7D0  }
0x108: {  	[sflag:s1] =	ssyncset.done $0x0  }
0x109: {  	s26 =	simm.s32 $0x0;
	[sflag:s1] =	ssyncadd.s32 $0xFFFFF830  }
0x10a: {  	v2 =	vld [tilespmem:s26+$0x1B5D0]  }
0x10b: {  	v1 =	vld [tilespmem:s26+$0x1C5D0];
	_ =	sdelay $0x3  }
0x10c: {  	v3 =	vmul.u32 $0x3, v2  }
0x10d: {  	v4 =	vmul.u32 $0x3, v1;
	_ =	sdelay $0x1  }
0x10e: {  	v5 =	vadd.s32 $0x1, v3  }
0x10f: {  	v6 =	vadd.s32 $0x1, v4  }
0x110: {  	v7 =	vadd.s32 $0x2, v3  }
0x111: {  	v8 =	vadd.s32 $0x2, v4;
	v63 =	vld.idx.msk [tilespmem:v3+s3+$0x0], $0xffff  }
0x112: {  	v4 =	vld.idx.msk [tilespmem:v4+s3+$0x0], $0xffff  }
0x113: {  	v3 =	vld.idx.msk [tilespmem:v5+s3+$0x0], $0xffff  }
0x114: {  	v5 =	vld.idx.msk [tilespmem:v6+s3+$0x0], $0xffff  }
0x115: {  	v7 =	vld.idx.msk [tilespmem:v7+s3+$0x0], $0xffff  }
0x116: {  	v8 =	vld.idx.msk [tilespmem:v8+s3+$0x0], $0xffff;
	_ =	sdelay $0x2  }
0x117: {  	s8 =	sadd.s32 s8, s12;
	v4 =	vsub.f32 v4, v63;
	v3 =	vsub.f32 v5, v3  }
0x118: {  	p0 =	slt.s32 s8, $0x3F0  }
0x119: {  	s8 =	simm.s32 @!p0 $0x3F0;
	s10 =	simm.s32 $0x40;
	v5 =	vsub.f32 v8, v7;
	v7 =	vmul.f32 v4, v4;
	v6 =	vmul.f32 v3, v3  }
.LBB2_8:
0x11a: {  	p0 =	sne.s32 s10, $0x1F00;
	s11 =	smov.u32 s10;
	s10 =	sadd.s32 $0x40, s10  }
0x11b: {  	v6 =	vadd.f32 v6, v7;
	v7 =	vmul.f32 v5, v5  }
0x11c: {  	s11 =	sshra.s32 s11, $0x2  }
0x11d: {  	v6 =	vadd.f32 v7, v6;
	_ =	sdelay $0x1  }
0x11e: {  	v6 =	vadd.f32 $9.999999960e-13, v6;
	_ =	sdelay $0x1  }
0x11f: {  	v7 =	vshrl.u32 v6, $0x1;
	v8 =	vmul.f32 $5.000000000e-01, v6  }
0x120: {  	v7 =	vsub.s32 $0x5F3759DF, v7  }
0x121: {  	v9 =	vmul.f32 v7, v8;
	_ =	sdelay $0x1  }
0x122: {  	v9 =	vmul.f32 v7, v9;
	_ =	sdelay $0x1  }
0x123: {  	v9 =	vsub.f32 $1.500000000e+00, v9;
	_ =	sdelay $0x1  }
0x124: {  	v7 =	vmul.f32 v7, v9;
	_ =	sdelay $0x1  }
0x125: {  	v9 =	vmul.f32 v7, v8;
	_ =	sdelay $0x1  }
0x126: {  	v9 =	vmul.f32 v9, v7;
	_ =	sdelay $0x1  }
0x127: {  	v9 =	vsub.f32 $1.500000000e+00, v9;
	_ =	sdelay $0x1  }
0x128: {  	v7 =	vmul.f32 v9, v7;
	_ =	sdelay $0x1  }
0x129: {  	v8 =	vmul.f32 v7, v8;
	_ =	sdelay $0x1  }
0x12a: {  	v8 =	vmul.f32 v8, v7;
	_ =	sdelay $0x1  }
0x12b: {  	v8 =	vsub.f32 $1.500000000e+00, v8;
	_ =	sdelay $0x1  }
0x12c: {  	v8 =	vmul.f32 v8, v7;
	_ =	sdelay $0x1  }
0x12d: {  	v7 =	vmul.f32 v8, v6;
	v6 =	vmul.f32 v8, v4  }
0x12e: {  	v4 =	vmul.f32 v8, v3;
	v3 =	vmul.f32 v8, v5  }
0x12f: {  	v5 =	vmul.f32 $5.235987900e-01, v7;
	v8 =	vmul.f32 $-5.000000000e-01, v7;
	v9 =	vadd.f32 $-8.571428650e-01, v7  }
0x130: {  	v10 =	vadd.f32 $-1.714285730e+00, v7;
	v11 =	vadd.f32 $-2.571428540e+00, v7  }
0x131: {  	v5 =	vmin.f32 v5, $3.141592740e+00;
	v8 =	vmul.f32 v8, v7;
	v12 =	vmul.f32 $-5.000000000e-01, v9  }
0x132: {  	v14 =	vadd.f32 $-3.428571460e+00, v7;
	v13 =	vmul.f32 $-5.000000000e-01, v10;
	v5 =	vmul.f32 v5, v5  }
0x133: {  	v8 =	vmul.f32 $1.442695020e+00, v8;
	v9 =	vmul.f32 v12, v9;
	v12 =	vadd.f32 $-4.285714150e+00, v7  }
0x134: {  	v10 =	vmul.f32 v13, v10;
	v13 =	vadd.f32 $-5.142857070e+00, v7;
	v15 =	vmul.f32 $1.729497770e-09, v5  }
0x135: {  	v17 =	vadd.f32 $-6.000000000e+00, v7;
	v16 =	vmul.f32 $-5.000000000e-01, v11;
	v9 =	vmul.f32 $1.442695020e+00, v9  }
0x136: {  	v18 =	vmul.f32 $-5.000000000e-01, v14;
	v19 =	vmul.f32 $-5.000000000e-01, v12;
	v15 =	vadd.f32 $-2.709447240e-07, v15  }
0x137: {  	v11 =	vmul.f32 v16, v11;
	v16 =	vmul.f32 $-5.000000000e-01, v13  }
0x138: {  	v14 =	vmul.f32 v18, v14;
	v15 =	vmul.f32 v15, v5  }
0x139: {  	v11 =	vmul.f32 $1.442695020e+00, v11;
	v12 =	vmul.f32 v19, v12  }
0x13a: {  	v14 =	vmul.f32 $1.442695020e+00, v14;
	v13 =	vmul.f32 v16, v13;
	v15 =	vadd.f32 $2.477169980e-05, v15  }
0x13b: {  	v16 =	vmul.f32 $-5.000000000e-01, v17;
	v12 =	vmul.f32 $1.442695020e+00, v12  }
0x13c: {  	v13 =	vmul.f32 $1.442695020e+00, v13;
	v15 =	vmul.f32 v15, v5  }
0x13d: {  	v16 =	vmul.f32 v16, v17  }
0x13e: {  	v15 =	vadd.f32 $-1.388790440e-03, v15  }
0x13f: {  	v16 =	vmul.f32 $1.442695020e+00, v16  }
0x140: {  	v15 =	vmul.f32 v15, v5;
	_ =	sdelay $0x1  }
0x141: {  	v15 =	vadd.f32 $4.166651520e-02, v15;
	_ =	sdelay $0x1  }
0x142: {  	v15 =	vmul.f32 v15, v5;
	_ =	sdelay $0x1  }
0x143: {  	v15 =	vadd.f32 $-4.999999110e-01, v15  }
0x144: {  	v10 =	vmul.f32 $1.442695020e+00, v10;
	(erf) = vpow2.f32 v8  }
0x145: {  	v5 =	vmul.f32 v15, v5;
	(erf) = vpow2.f32 v9  }
0x146: {  	(erf) = vpow2.f32 v10  }
0x147: {  	v5 =	vadd.f32 $1.000000000e+00, v5;
	(erf) = vpow2.f32 v11  }
0x148: {  	vm5 =	vlt.f32 v7, $6.000000000e+00;
	(erf) = vpow2.f32 v14  }
0x149: {  	v8 =	vmpcnt.ones.xlane vm5;
	v5 =	vadd.f32 $1.000000000e+00, v5;
	(erf) = vpow2.f32 v12  }
0x14a: {  	v2 =	vshll.u32 v2, $0x3;
	(erf) = vpow2.f32 v13  }
0x14b: {  	v5 =	vmul.f32 $5.000000000e-01, v5;
	(erf) = vpow2.f32 v16;
	(v2sf) =	vpush v8, $0x0  }
0x14c: {  	v8 =	vor.u32 $0x1, v2  }
0x14d: {  	v9 =	vor.u32 $0x2, v2;
	v5 =	vnsel vm5, $0x0, v5;
	v10 =	vpop (erf)  }
0x14e: {  	v11 =	vor.u32 $0x3, v2;
	v10 =	vmul.f32 v5, v10;
	v12 =	vpop (erf)  }
0x14f: {  	v13 =	vor.u32 $0x4, v2;
	v12 =	vmul.f32 v5, v12;
	v14 =	vpop (erf)  }
0x150: {  	[tilespmem:v2+s29+$0x0] =	vst.idx.add.f32.msk vm5, v10;
	v10 =	vmul.f32 v5, v14;
	v14 =	vor.u32 $0x5, v2;
	v15 =	vpop (erf)  }
0x151: {  	[tilespmem:v8+s29+$0x0] =	vst.idx.add.f32.msk vm5, v12;
	v8 =	vmul.f32 v5, v15;
	v12 =	vor.u32 $0x6, v2;
	v15 =	vpop (erf)  }
0x152: {  	[tilespmem:v9+s29+$0x0] =	vst.idx.add.f32.msk vm5, v10;
	v9 =	vmul.f32 v5, v15;
	v10 =	vor.u32 $0x7, v2;
	v15 =	vpop (erf)  }
0x153: {  	[tilespmem:v11+s29+$0x0] =	vst.idx.add.f32.msk vm5, v8;
	v8 =	vmul.f32 v5, v15;
	v11 =	vpop (erf)  }
0x154: {  	[tilespmem:v13+s29+$0x0] =	vst.idx.add.f32.msk vm5, v9;
	v9 =	vmul.f32 v5, v11;
	v11 =	vpop (erf)  }
0x155: {  	[tilespmem:v14+s29+$0x0] =	vst.idx.add.f32.msk vm5, v8;
	v5 =	vmul.f32 v5, v11  }
0x156: {  	[tilespmem:v12+s29+$0x0] =	vst.idx.add.f32.msk vm5, v9  }
0x157: {  	[tilespmem:v10+s29+$0x0] =	vst.idx.add.f32.msk vm5, v5  }
0x158: {  	[tilespmem:s9+$0x1E600] =	vst.msk vm5, v2  }
0x159: {  	[tilespmem:s9+$0x1EA00] =	vst.msk vm5, v1  }
0x15a: {  	[tilespmem:s9+$0x1EE00] =	vst.msk vm5, v7;
	s12 =	spop (v2sf)  }
0x15b: {  	[tilespmem:s9+$0x1F200] =	vst.msk vm5, v6;
	s12 =	sadd.s32 s9, s12  }
0x15c: {  	[tilespmem:s9+$0x1F600] =	vst.msk vm5, v4;
	p1 =	slt.s32 s12, $0x3F0  }
0x15d: {  	[tilespmem:s9+$0x1FA00] =	vst.msk vm5, v3;
	s9 =	smov.u32 s12  }
0x15e: {  	s9 =	simm.s32 @!p1 $0x3F0  }
0x15f: {  	v2 =	vld [tilespmem:s11+$0x1B5D0]  }
0x160: {  	v1 =	vld [tilespmem:s11+$0x1C5D0];
	_ =	sdelay $0x3  }
0x161: {  	v3 =	vmul.u32 $0x3, v2  }
0x162: {  	v4 =	vmul.u32 $0x3, v1  }
0x163: {  	v5 =	vadd.s32 $0x1, v3;
	v6 =	vadd.s32 $0x2, v3  }
0x164: {  	v7 =	vadd.s32 $0x1, v4;
	v8 =	vadd.s32 $0x2, v4;
	_ =	sdelay $0x2  }
0x165: {  	v9 =	vld.idx.msk [tilespmem:v3+s3+$0x0], $0xffff  }
0x166: {  	v3 =	vld.idx.msk [tilespmem:v5+s3+$0x0], $0xffff  }
0x167: {  	v5 =	vld.idx.msk [tilespmem:v7+s3+$0x0], $0xffff  }
0x168: {  	v4 =	vld.idx.msk [tilespmem:v4+s3+$0x0], $0xffff  }
0x169: {  	v7 =	vld.idx.msk [tilespmem:v6+s3+$0x0], $0xffff  }
0x16a: {  	v8 =	vld.idx.msk [tilespmem:v8+s3+$0x0], $0xffff;
	_ =	sdelay $0x1  }
.Ltmp3:
0x16b: {  	(pc) =	sbr.rel @p0 .LBB2_8-.Ltmp3, $4  }
0x16c: {  	v3 =	vsub.f32 v5, v3  }
0x16d: {  	v4 =	vsub.f32 v4, v9  }
0x16e: {  	v6 =	vmul.f32 v3, v3  }
0x16f: {  	v5 =	vsub.f32 v8, v7;
	v7 =	vmul.f32 v4, v4  }
0x170: {  	_ = 	snop  }
0x171: {  	v6 =	vadd.f32 v6, v7;
	v7 =	vmul.f32 v5, v5;
	_ =	sdelay $0x1  }
0x172: {  	v6 =	vadd.f32 v7, v6;
	_ =	sdelay $0x1  }
0x173: {  	v6 =	vadd.f32 $9.999999960e-13, v6;
	_ =	sdelay $0x1  }
0x174: {  	v7 =	vshrl.u32 v6, $0x1;
	v8 =	vmul.f32 $5.000000000e-01, v6  }
0x175: {  	v7 =	vsub.s32 $0x5F3759DF, v7  }
0x176: {  	v9 =	vmul.f32 v7, v8;
	_ =	sdelay $0x1  }
0x177: {  	v9 =	vmul.f32 v7, v9;
	_ =	sdelay $0x1  }
0x178: {  	v9 =	vsub.f32 $1.500000000e+00, v9;
	_ =	sdelay $0x1  }
0x179: {  	v7 =	vmul.f32 v7, v9;
	_ =	sdelay $0x1  }
0x17a: {  	v9 =	vmul.f32 v7, v8;
	_ =	sdelay $0x1  }
0x17b: {  	v9 =	vmul.f32 v9, v7;
	_ =	sdelay $0x1  }
0x17c: {  	v9 =	vsub.f32 $1.500000000e+00, v9;
	_ =	sdelay $0x1  }
0x17d: {  	v7 =	vmul.f32 v9, v7;
	_ =	sdelay $0x1  }
0x17e: {  	v8 =	vmul.f32 v7, v8;
	_ =	sdelay $0x1  }
0x17f: {  	v8 =	vmul.f32 v8, v7;
	_ =	sdelay $0x1  }
0x180: {  	v8 =	vsub.f32 $1.500000000e+00, v8;
	_ =	sdelay $0x1  }
0x181: {  	v7 =	vmul.f32 v8, v7;
	_ =	sdelay $0x1  }
0x182: {  	v6 =	vmul.f32 v7, v6;
	_ =	sdelay $0x1  }
0x183: {  	v8 =	vmul.f32 $5.235987900e-01, v6;
	_ =	sdelay $0x1  }
0x184: {  	v8 =	vmin.f32 v8, $3.141592740e+00  }
0x185: {  	v8 =	vmul.f32 v8, v8;
	_ =	sdelay $0x1  }
0x186: {  	v33 =	vmul.f32 $1.729497770e-09, v8;
	_ =	sdelay $0x1  }
0x187: {  	v9 =	vadd.f32 $-2.709447240e-07, v33;
	_ =	sdelay $0x1  }
0x188: {  	v9 =	vmul.f32 v9, v8;
	_ =	sdelay $0x1  }
0x189: {  	v11 =	vadd.f32 $-8.571428650e-01, v6;
	v9 =	vadd.f32 $2.477169980e-05, v9  }
0x18a: {  	v10 =	vmul.f32 $-5.000000000e-01, v6;
	v12 =	vadd.f32 $-1.714285730e+00, v6;
	v15 =	vadd.f32 $-2.571428540e+00, v6  }
0x18b: {  	v16 =	vadd.f32 $-3.428571460e+00, v6;
	v34 =	vadd.f32 $-4.285714150e+00, v6;
	v9 =	vmul.f32 v9, v8  }
0x18c: {  	v17 =	vadd.f32 $-5.142857070e+00, v6;
	v10 =	vmul.f32 v10, v6;
	v13 =	vmul.f32 $-5.000000000e-01, v11  }
0x18d: {  	v14 =	vmul.f32 $-5.000000000e-01, v12;
	v35 =	vmul.f32 $-5.000000000e-01, v15;
	v9 =	vadd.f32 $-1.388790440e-03, v9  }
0x18e: {  	v37 =	vadd.f32 $-6.000000000e+00, v6;
	v18 =	vmul.f32 $-5.000000000e-01, v16;
	v19 =	vmul.f32 $-5.000000000e-01, v34  }
0x18f: {  	v36 =	vmul.f32 $-5.000000000e-01, v17;
	v9 =	vmul.f32 v9, v8  }
0x190: {  	v38 =	vmul.f32 $-5.000000000e-01, v37;
	v10 =	vmul.f32 $1.442695020e+00, v10  }
0x191: {  	v11 =	vmul.f32 v13, v11;
	v12 =	vmul.f32 v14, v12;
	v9 =	vadd.f32 $4.166651520e-02, v9  }
0x192: {  	v14 =	vmul.f32 v35, v15;
	v16 =	vmul.f32 v18, v16  }
0x193: {  	v13 =	vmul.f32 v19, v34;
	v9 =	vmul.f32 v9, v8  }
0x194: {  	v15 =	vmul.f32 v36, v17;
	v40 =	vmul.f32 v38, v37  }
0x195: {  	v11 =	vmul.f32 $1.442695020e+00, v11;
	v14 =	vmul.f32 $1.442695020e+00, v14;
	v9 =	vadd.f32 $-4.999999110e-01, v9  }
0x196: {  	v12 =	vmul.f32 $1.442695020e+00, v12;
	(erf) = vpow2.f32 v10  }
0x197: {  	(erf) = vpow2.f32 v11;
	v8 =	vmul.f32 v9, v8  }
0x198: {  	v16 =	vmul.f32 $1.442695020e+00, v16;
	(erf) = vpow2.f32 v12  }
0x199: {  	v39 =	vmul.f32 $1.442695020e+00, v13;
	(erf) = vpow2.f32 v14;
	v8 =	vadd.f32 $1.000000000e+00, v8  }
0x19a: {  	v41 =	vmul.f32 $1.442695020e+00, v15;
	(erf) = vpow2.f32 v16  }
0x19b: {  	v10 =	vmul.f32 $1.442695020e+00, v40;
	(erf) = vpow2.f32 v39;
	v8 =	vadd.f32 $1.000000000e+00, v8  }
0x19c: {  	vm5 =	vlt.f32 v6, $6.000000000e+00;
	(erf) = vpow2.f32 v41  }
0x19d: {  	v2 =	vshll.u32 v2, $0x3;
	(erf) = vpow2.f32 v10;
	v8 =	vmul.f32 $5.000000000e-01, v8  }
0x19e: {  	v42 =	vor.u32 $0x1, v2  }
0x19f: {  	v43 =	vor.u32 $0x2, v2;
	v44 =	vpop (erf);
	v8 =	vnsel vm5, $0x0, v8  }
0x1a0: {  	v45 =	vor.u32 $0x3, v2;
	v46 =	vpop (erf);
	v11 =	vmul.f32 v8, v44  }
0x1a1: {  	v47 =	vor.u32 $0x4, v2;
	v48 =	vpop (erf);
	v13 =	vmul.f32 v8, v46  }
0x1a2: {  	v51 =	vor.u32 $0x5, v2;
	v49 =	vmpcnt.ones.xlane vm5;
	v52 =	vpop (erf);
	v50 =	vmul.f32 v8, v48;
	[tilespmem:v2+s29+$0x0] =	vst.idx.add.f32.msk vm5, v11  }
0x1a3: {  	v54 =	vor.u32 $0x6, v2;
	v55 =	vpop (erf);
	v53 =	vmul.f32 v8, v52;
	[tilespmem:v42+s29+$0x0] =	vst.idx.add.f32.msk vm5, v13  }
0x1a4: {  	v57 =	vor.u32 $0x7, v2;
	(v2sf) =	vpush v49, $0x0;
	v58 =	vpop (erf);
	v56 =	vmul.f32 v8, v55;
	[tilespmem:v43+s29+$0x0] =	vst.idx.add.f32.msk vm5, v50  }
0x1a5: {  	v60 =	vpop (erf);
	v59 =	vmul.f32 v8, v58;
	[tilespmem:v45+s29+$0x0] =	vst.idx.add.f32.msk vm5, v53  }
0x1a6: {  	v62 =	vpop (erf);
	v61 =	vmul.f32 v8, v60;
	[tilespmem:v47+s29+$0x0] =	vst.idx.add.f32.msk vm5, v56  }
0x1a7: {  	v8 =	vmul.f32 v8, v62;
	[tilespmem:v51+s29+$0x0] =	vst.idx.add.f32.msk vm5, v59  }
0x1a8: {  	[tilespmem:v54+s29+$0x0] =	vst.idx.add.f32.msk vm5, v61  }
0x1a9: {  	[tilespmem:v57+s29+$0x0] =	vst.idx.add.f32.msk vm5, v8  }
0x1aa: {  	[tilespmem:s9+$0x1E600] =	vst.msk vm5, v2  }
0x1ab: {  	v2 =	vmul.f32 v7, v4;
	[tilespmem:s9+$0x1EA00] =	vst.msk vm5, v1  }
0x1ac: {  	v1 =	vmul.f32 v7, v3;
	[tilespmem:s9+$0x1EE00] =	vst.msk vm5, v6  }
0x1ad: {  	v3 =	vmul.f32 v7, v5;
	[tilespmem:s9+$0x1F200] =	vst.msk vm5, v2  }
0x1ae: {  	[tilespmem:s9+$0x1F600] =	vst.msk vm5, v1  }
0x1af: {  	[tilespmem:s9+$0x1FA00] =	vst.msk vm5, v3  }
0x1b0: {  	[hbm4b:s15+s30] =	stream.strided.scatter [tilespmem:s0], [sflag:$0x5], $0x1800, s31, s30, $0x38;
	[tilespmem:$0x1FE80] =	vst v63  }
0x1b1: {  	s10 =	simm.s32 $0x0;
	s11 =	rddreg [dreg:$0xd]  }
0x1b2: {  	[tilespmem:s13], [sflag:$0x3] =	stream.linear.gather [hbm4b:s11+s10], $0x7D0, $0x38;
	[tilespmem:$0x1FE80] =	vst v63  }
0x1b3: {  	s12 =	rddreg [dreg:$0xe];
	s13 =	spop (v2sf)  }
0x1b4: {  	[tilespmem:s25], [sflag:$0x3] =	stream.linear.gather [hbm4b:s12+s10], $0x7D0, $0x38;
	[tilespmem:$0x1FE80] =	vst v63  }
0x1b5: {  	_ =	swait.ge [sflag:s28], $0x7D0  }
0x1b6: {  	[sflag:s28] =	ssyncset.done $0x0  }
0x1b7: {  	[sflag:s28] =	ssyncadd.s32 $0xFFFFF830  }
0x1b8: {  	_ =	swait.ge [sflag:s28], $0x7D0  }
0x1b9: {  	[sflag:s28] =	ssyncset.done $0x0  }
0x1ba: {  	[sflag:s28] =	ssyncadd.s32 $0xFFFFF830  }
0x1bb: {  	_ =	swait.ge [sflag:s4], $0x1800  }
0x1bc: {  	[sflag:s4] =	ssyncset.done $0x0  }
0x1bd: {  	s26 =	simm.s32 $0x0;
	[sflag:s4] =	ssyncadd.s32 $0xFFFFE800  }
0x1be: {  	v2 =	vld [tilespmem:s26+$0x1AE00]  }
0x1bf: {  	v1 =	vld [tilespmem:s26+$0x1BE00];
	_ =	sdelay $0x3  }
0x1c0: {  	v3 =	vmul.u32 $0x3, v2  }
0x1c1: {  	v4 =	vmul.u32 $0x3, v1;
	_ =	sdelay $0x1  }
0x1c2: {  	v5 =	vadd.s32 $0x1, v3  }
0x1c3: {  	v6 =	vadd.s32 $0x1, v4  }
0x1c4: {  	v7 =	vadd.s32 $0x2, v3  }
0x1c5: {  	v8 =	vadd.s32 $0x2, v4;
	v63 =	vld.idx.msk [tilespmem:v3+s3+$0x0], $0xffff  }
0x1c6: {  	v4 =	vld.idx.msk [tilespmem:v4+s3+$0x0], $0xffff  }
0x1c7: {  	v3 =	vld.idx.msk [tilespmem:v5+s3+$0x0], $0xffff  }
0x1c8: {  	v5 =	vld.idx.msk [tilespmem:v6+s3+$0x0], $0xffff  }
0x1c9: {  	v7 =	vld.idx.msk [tilespmem:v7+s3+$0x0], $0xffff  }
0x1ca: {  	v8 =	vld.idx.msk [tilespmem:v8+s3+$0x0], $0xffff;
	_ =	sdelay $0x2  }
0x1cb: {  	s9 =	sadd.s32 s9, s13;
	v4 =	vsub.f32 v4, v63;
	v3 =	vsub.f32 v5, v3  }
0x1cc: {  	p0 =	slt.s32 s9, $0x3F0  }
0x1cd: {  	s11 =	simm.s32 $0x40;
	s9 =	simm.s32 @!p0 $0x3F0;
	v5 =	vsub.f32 v8, v7;
	v7 =	vmul.f32 v4, v4;
	v6 =	vmul.f32 v3, v3  }
.LBB2_10:
0x1ce: {  	p0 =	sne.s32 s11, $0x1F00;
	s12 =	smov.u32 s11;
	s11 =	sadd.s32 $0x40, s11  }
0x1cf: {  	v6 =	vadd.f32 v6, v7;
	v7 =	vmul.f32 v5, v5  }
0x1d0: {  	s12 =	sshra.s32 s12, $0x2  }
0x1d1: {  	v6 =	vadd.f32 v7, v6;
	_ =	sdelay $0x1  }
0x1d2: {  	v6 =	vadd.f32 $9.999999960e-13, v6;
	_ =	sdelay $0x1  }
0x1d3: {  	v7 =	vshrl.u32 v6, $0x1;
	v8 =	vmul.f32 $5.000000000e-01, v6  }
0x1d4: {  	v7 =	vsub.s32 $0x5F3759DF, v7  }
0x1d5: {  	v9 =	vmul.f32 v7, v8;
	_ =	sdelay $0x1  }
0x1d6: {  	v9 =	vmul.f32 v7, v9;
	_ =	sdelay $0x1  }
0x1d7: {  	v9 =	vsub.f32 $1.500000000e+00, v9;
	_ =	sdelay $0x1  }
0x1d8: {  	v7 =	vmul.f32 v7, v9;
	_ =	sdelay $0x1  }
0x1d9: {  	v9 =	vmul.f32 v7, v8;
	_ =	sdelay $0x1  }
0x1da: {  	v9 =	vmul.f32 v9, v7;
	_ =	sdelay $0x1  }
0x1db: {  	v9 =	vsub.f32 $1.500000000e+00, v9;
	_ =	sdelay $0x1  }
0x1dc: {  	v7 =	vmul.f32 v9, v7;
	_ =	sdelay $0x1  }
0x1dd: {  	v8 =	vmul.f32 v7, v8;
	_ =	sdelay $0x1  }
0x1de: {  	v8 =	vmul.f32 v8, v7;
	_ =	sdelay $0x1  }
0x1df: {  	v8 =	vsub.f32 $1.500000000e+00, v8;
	_ =	sdelay $0x1  }
0x1e0: {  	v8 =	vmul.f32 v8, v7;
	_ =	sdelay $0x1  }
0x1e1: {  	v7 =	vmul.f32 v8, v6;
	v6 =	vmul.f32 v8, v4  }
0x1e2: {  	v4 =	vmul.f32 v8, v3;
	v3 =	vmul.f32 v8, v5  }
0x1e3: {  	v5 =	vmul.f32 $5.235987900e-01, v7;
	v8 =	vmul.f32 $-5.000000000e-01, v7;
	v9 =	vadd.f32 $-8.571428650e-01, v7  }
0x1e4: {  	v10 =	vadd.f32 $-1.714285730e+00, v7;
	v11 =	vadd.f32 $-2.571428540e+00, v7  }
0x1e5: {  	v5 =	vmin.f32 v5, $3.141592740e+00;
	v8 =	vmul.f32 v8, v7;
	v12 =	vmul.f32 $-5.000000000e-01, v9  }
0x1e6: {  	v14 =	vadd.f32 $-3.428571460e+00, v7;
	v13 =	vmul.f32 $-5.000000000e-01, v10;
	v5 =	vmul.f32 v5, v5  }
0x1e7: {  	v8 =	vmul.f32 $1.442695020e+00, v8;
	v9 =	vmul.f32 v12, v9;
	v12 =	vadd.f32 $-4.285714150e+00, v7  }
0x1e8: {  	v10 =	vmul.f32 v13, v10;
	v13 =	vadd.f32 $-5.142857070e+00, v7;
	v15 =	vmul.f32 $1.729497770e-09, v5  }
0x1e9: {  	v17 =	vadd.f32 $-6.000000000e+00, v7;
	v16 =	vmul.f32 $-5.000000000e-01, v11;
	v9 =	vmul.f32 $1.442695020e+00, v9  }
0x1ea: {  	v18 =	vmul.f32 $-5.000000000e-01, v14;
	v19 =	vmul.f32 $-5.000000000e-01, v12;
	v15 =	vadd.f32 $-2.709447240e-07, v15  }
0x1eb: {  	v11 =	vmul.f32 v16, v11;
	v16 =	vmul.f32 $-5.000000000e-01, v13  }
0x1ec: {  	v14 =	vmul.f32 v18, v14;
	v15 =	vmul.f32 v15, v5  }
0x1ed: {  	v11 =	vmul.f32 $1.442695020e+00, v11;
	v12 =	vmul.f32 v19, v12  }
0x1ee: {  	v14 =	vmul.f32 $1.442695020e+00, v14;
	v13 =	vmul.f32 v16, v13;
	v15 =	vadd.f32 $2.477169980e-05, v15  }
0x1ef: {  	v16 =	vmul.f32 $-5.000000000e-01, v17;
	v12 =	vmul.f32 $1.442695020e+00, v12  }
0x1f0: {  	v13 =	vmul.f32 $1.442695020e+00, v13;
	v15 =	vmul.f32 v15, v5  }
0x1f1: {  	v16 =	vmul.f32 v16, v17  }
0x1f2: {  	v15 =	vadd.f32 $-1.388790440e-03, v15  }
0x1f3: {  	v16 =	vmul.f32 $1.442695020e+00, v16  }
0x1f4: {  	v15 =	vmul.f32 v15, v5;
	_ =	sdelay $0x1  }
0x1f5: {  	v15 =	vadd.f32 $4.166651520e-02, v15;
	_ =	sdelay $0x1  }
0x1f6: {  	v15 =	vmul.f32 v15, v5;
	_ =	sdelay $0x1  }
0x1f7: {  	v15 =	vadd.f32 $-4.999999110e-01, v15  }
0x1f8: {  	v10 =	vmul.f32 $1.442695020e+00, v10;
	(erf) = vpow2.f32 v8  }
0x1f9: {  	v5 =	vmul.f32 v15, v5;
	(erf) = vpow2.f32 v9  }
0x1fa: {  	(erf) = vpow2.f32 v10  }
0x1fb: {  	v5 =	vadd.f32 $1.000000000e+00, v5;
	(erf) = vpow2.f32 v11  }
0x1fc: {  	vm5 =	vlt.f32 v7, $6.000000000e+00;
	(erf) = vpow2.f32 v14  }
0x1fd: {  	v8 =	vmpcnt.ones.xlane vm5;
	v5 =	vadd.f32 $1.000000000e+00, v5;
	(erf) = vpow2.f32 v12  }
0x1fe: {  	v2 =	vshll.u32 v2, $0x3;
	(erf) = vpow2.f32 v13  }
0x1ff: {  	v5 =	vmul.f32 $5.000000000e-01, v5;
	(erf) = vpow2.f32 v16;
	(v2sf) =	vpush v8, $0x0  }
0x200: {  	v8 =	vor.u32 $0x1, v2  }
0x201: {  	v9 =	vor.u32 $0x2, v2;
	v5 =	vnsel vm5, $0x0, v5;
	v10 =	vpop (erf)  }
0x202: {  	v11 =	vor.u32 $0x3, v2;
	v10 =	vmul.f32 v5, v10;
	v12 =	vpop (erf)  }
0x203: {  	v13 =	vor.u32 $0x4, v2;
	v12 =	vmul.f32 v5, v12;
	v14 =	vpop (erf)  }
0x204: {  	[tilespmem:v2+s29+$0x0] =	vst.idx.add.f32.msk vm5, v10;
	v10 =	vmul.f32 v5, v14;
	v14 =	vor.u32 $0x5, v2;
	v15 =	vpop (erf)  }
0x205: {  	[tilespmem:v8+s29+$0x0] =	vst.idx.add.f32.msk vm5, v12;
	v8 =	vmul.f32 v5, v15;
	v12 =	vor.u32 $0x6, v2;
	v15 =	vpop (erf)  }
0x206: {  	[tilespmem:v9+s29+$0x0] =	vst.idx.add.f32.msk vm5, v10;
	v9 =	vmul.f32 v5, v15;
	v10 =	vor.u32 $0x7, v2;
	v15 =	vpop (erf)  }
0x207: {  	[tilespmem:v11+s29+$0x0] =	vst.idx.add.f32.msk vm5, v8;
	v8 =	vmul.f32 v5, v15;
	v11 =	vpop (erf)  }
0x208: {  	[tilespmem:v13+s29+$0x0] =	vst.idx.add.f32.msk vm5, v9;
	v9 =	vmul.f32 v5, v11;
	v11 =	vpop (erf)  }
0x209: {  	[tilespmem:v14+s29+$0x0] =	vst.idx.add.f32.msk vm5, v8;
	v5 =	vmul.f32 v5, v11  }
0x20a: {  	[tilespmem:v12+s29+$0x0] =	vst.idx.add.f32.msk vm5, v9  }
0x20b: {  	[tilespmem:v10+s29+$0x0] =	vst.idx.add.f32.msk vm5, v5  }
0x20c: {  	[tilespmem:s10+$0x1CE00] =	vst.msk vm5, v2  }
0x20d: {  	[tilespmem:s10+$0x1D200] =	vst.msk vm5, v1  }
0x20e: {  	[tilespmem:s10+$0x1D600] =	vst.msk vm5, v7;
	s25 =	spop (v2sf)  }
0x20f: {  	[tilespmem:s10+$0x1DA00] =	vst.msk vm5, v6;
	s25 =	sadd.s32 s10, s25  }
0x210: {  	[tilespmem:s10+$0x1DE00] =	vst.msk vm5, v4;
	p1 =	slt.s32 s25, $0x3F0  }
0x211: {  	[tilespmem:s10+$0x1E200] =	vst.msk vm5, v3;
	s10 =	smov.u32 s25  }
0x212: {  	s10 =	simm.s32 @!p1 $0x3F0  }
0x213: {  	v2 =	vld [tilespmem:s12+$0x1AE00]  }
0x214: {  	v1 =	vld [tilespmem:s12+$0x1BE00];
	_ =	sdelay $0x3  }
0x215: {  	v3 =	vmul.u32 $0x3, v2  }
0x216: {  	v4 =	vmul.u32 $0x3, v1  }
0x217: {  	v5 =	vadd.s32 $0x1, v3;
	v6 =	vadd.s32 $0x2, v3  }
0x218: {  	v7 =	vadd.s32 $0x1, v4;
	v8 =	vadd.s32 $0x2, v4;
	_ =	sdelay $0x2  }
0x219: {  	v9 =	vld.idx.msk [tilespmem:v3+s3+$0x0], $0xffff  }
0x21a: {  	v3 =	vld.idx.msk [tilespmem:v5+s3+$0x0], $0xffff  }
0x21b: {  	v5 =	vld.idx.msk [tilespmem:v7+s3+$0x0], $0xffff  }
0x21c: {  	v4 =	vld.idx.msk [tilespmem:v4+s3+$0x0], $0xffff  }
0x21d: {  	v7 =	vld.idx.msk [tilespmem:v6+s3+$0x0], $0xffff  }
0x21e: {  	v8 =	vld.idx.msk [tilespmem:v8+s3+$0x0], $0xffff;
	_ =	sdelay $0x1  }
.Ltmp4:
0x21f: {  	(pc) =	sbr.rel @p0 .LBB2_10-.Ltmp4, $4  }
0x220: {  	v3 =	vsub.f32 v5, v3  }
0x221: {  	v4 =	vsub.f32 v4, v9  }
0x222: {  	v6 =	vmul.f32 v3, v3  }
0x223: {  	v5 =	vsub.f32 v8, v7;
	v7 =	vmul.f32 v4, v4  }
0x224: {  	_ = 	snop  }
0x225: {  	v6 =	vadd.f32 v6, v7;
	v7 =	vmul.f32 v5, v5;
	_ =	sdelay $0x1  }
0x226: {  	v6 =	vadd.f32 v7, v6;
	_ =	sdelay $0x1  }
0x227: {  	v6 =	vadd.f32 $9.999999960e-13, v6;
	_ =	sdelay $0x1  }
0x228: {  	v7 =	vshrl.u32 v6, $0x1;
	v8 =	vmul.f32 $5.000000000e-01, v6  }
0x229: {  	v7 =	vsub.s32 $0x5F3759DF, v7  }
0x22a: {  	v9 =	vmul.f32 v7, v8;
	_ =	sdelay $0x1  }
0x22b: {  	v9 =	vmul.f32 v7, v9;
	_ =	sdelay $0x1  }
0x22c: {  	v9 =	vsub.f32 $1.500000000e+00, v9;
	_ =	sdelay $0x1  }
0x22d: {  	v7 =	vmul.f32 v7, v9;
	_ =	sdelay $0x1  }
0x22e: {  	v9 =	vmul.f32 v7, v8;
	_ =	sdelay $0x1  }
0x22f: {  	v9 =	vmul.f32 v9, v7;
	_ =	sdelay $0x1  }
0x230: {  	v9 =	vsub.f32 $1.500000000e+00, v9;
	_ =	sdelay $0x1  }
0x231: {  	v7 =	vmul.f32 v9, v7;
	_ =	sdelay $0x1  }
0x232: {  	v8 =	vmul.f32 v7, v8;
	_ =	sdelay $0x1  }
0x233: {  	v8 =	vmul.f32 v8, v7;
	_ =	sdelay $0x1  }
0x234: {  	v8 =	vsub.f32 $1.500000000e+00, v8;
	_ =	sdelay $0x1  }
0x235: {  	v7 =	vmul.f32 v8, v7;
	_ =	sdelay $0x1  }
0x236: {  	v6 =	vmul.f32 v7, v6;
	_ =	sdelay $0x1  }
0x237: {  	v8 =	vmul.f32 $5.235987900e-01, v6;
	_ =	sdelay $0x1  }
0x238: {  	v8 =	vmin.f32 v8, $3.141592740e+00  }
0x239: {  	v8 =	vmul.f32 v8, v8;
	_ =	sdelay $0x1  }
0x23a: {  	v33 =	vmul.f32 $1.729497770e-09, v8;
	_ =	sdelay $0x1  }
0x23b: {  	v9 =	vadd.f32 $-2.709447240e-07, v33;
	_ =	sdelay $0x1  }
0x23c: {  	v9 =	vmul.f32 v9, v8;
	_ =	sdelay $0x1  }
0x23d: {  	v11 =	vadd.f32 $-8.571428650e-01, v6;
	v9 =	vadd.f32 $2.477169980e-05, v9  }
0x23e: {  	v10 =	vmul.f32 $-5.000000000e-01, v6;
	v12 =	vadd.f32 $-1.714285730e+00, v6;
	v15 =	vadd.f32 $-2.571428540e+00, v6  }
0x23f: {  	v16 =	vadd.f32 $-3.428571460e+00, v6;
	v34 =	vadd.f32 $-4.285714150e+00, v6;
	v9 =	vmul.f32 v9, v8  }
0x240: {  	v17 =	vadd.f32 $-5.142857070e+00, v6;
	v10 =	vmul.f32 v10, v6;
	v13 =	vmul.f32 $-5.000000000e-01, v11  }
0x241: {  	v14 =	vmul.f32 $-5.000000000e-01, v12;
	v35 =	vmul.f32 $-5.000000000e-01, v15;
	v9 =	vadd.f32 $-1.388790440e-03, v9  }
0x242: {  	v37 =	vadd.f32 $-6.000000000e+00, v6;
	v18 =	vmul.f32 $-5.000000000e-01, v16;
	v19 =	vmul.f32 $-5.000000000e-01, v34  }
0x243: {  	v36 =	vmul.f32 $-5.000000000e-01, v17;
	v9 =	vmul.f32 v9, v8  }
0x244: {  	v38 =	vmul.f32 $-5.000000000e-01, v37;
	v10 =	vmul.f32 $1.442695020e+00, v10  }
0x245: {  	v11 =	vmul.f32 v13, v11;
	v12 =	vmul.f32 v14, v12;
	v9 =	vadd.f32 $4.166651520e-02, v9  }
0x246: {  	v14 =	vmul.f32 v35, v15;
	v16 =	vmul.f32 v18, v16  }
0x247: {  	v13 =	vmul.f32 v19, v34;
	v9 =	vmul.f32 v9, v8  }
0x248: {  	v15 =	vmul.f32 v36, v17;
	v40 =	vmul.f32 v38, v37  }
0x249: {  	v11 =	vmul.f32 $1.442695020e+00, v11;
	v14 =	vmul.f32 $1.442695020e+00, v14;
	v9 =	vadd.f32 $-4.999999110e-01, v9  }
0x24a: {  	v12 =	vmul.f32 $1.442695020e+00, v12;
	(erf) = vpow2.f32 v10  }
0x24b: {  	(erf) = vpow2.f32 v11;
	v8 =	vmul.f32 v9, v8  }
0x24c: {  	v16 =	vmul.f32 $1.442695020e+00, v16;
	(erf) = vpow2.f32 v12  }
0x24d: {  	v39 =	vmul.f32 $1.442695020e+00, v13;
	(erf) = vpow2.f32 v14;
	v8 =	vadd.f32 $1.000000000e+00, v8  }
0x24e: {  	v41 =	vmul.f32 $1.442695020e+00, v15;
	(erf) = vpow2.f32 v16  }
0x24f: {  	v10 =	vmul.f32 $1.442695020e+00, v40;
	(erf) = vpow2.f32 v39;
	v8 =	vadd.f32 $1.000000000e+00, v8  }
0x250: {  	vm5 =	vlt.f32 v6, $6.000000000e+00;
	(erf) = vpow2.f32 v41  }
0x251: {  	v2 =	vshll.u32 v2, $0x3;
	(erf) = vpow2.f32 v10;
	v8 =	vmul.f32 $5.000000000e-01, v8  }
0x252: {  	v42 =	vor.u32 $0x1, v2  }
0x253: {  	v43 =	vor.u32 $0x2, v2;
	v44 =	vpop (erf);
	v8 =	vnsel vm5, $0x0, v8  }
0x254: {  	v45 =	vor.u32 $0x3, v2;
	v46 =	vpop (erf);
	v11 =	vmul.f32 v8, v44  }
0x255: {  	v47 =	vor.u32 $0x4, v2;
	v48 =	vpop (erf);
	v13 =	vmul.f32 v8, v46  }
0x256: {  	v51 =	vor.u32 $0x5, v2;
	v49 =	vmpcnt.ones.xlane vm5;
	v52 =	vpop (erf);
	v50 =	vmul.f32 v8, v48;
	[tilespmem:v2+s29+$0x0] =	vst.idx.add.f32.msk vm5, v11  }
0x257: {  	v54 =	vor.u32 $0x6, v2;
	v55 =	vpop (erf);
	v53 =	vmul.f32 v8, v52;
	[tilespmem:v42+s29+$0x0] =	vst.idx.add.f32.msk vm5, v13  }
0x258: {  	v57 =	vor.u32 $0x7, v2;
	(v2sf) =	vpush v49, $0x0;
	v58 =	vpop (erf);
	v56 =	vmul.f32 v8, v55;
	[tilespmem:v43+s29+$0x0] =	vst.idx.add.f32.msk vm5, v50  }
0x259: {  	v60 =	vpop (erf);
	v59 =	vmul.f32 v8, v58;
	[tilespmem:v45+s29+$0x0] =	vst.idx.add.f32.msk vm5, v53  }
0x25a: {  	v62 =	vpop (erf);
	v61 =	vmul.f32 v8, v60;
	[tilespmem:v47+s29+$0x0] =	vst.idx.add.f32.msk vm5, v56  }
0x25b: {  	v8 =	vmul.f32 v8, v62;
	[tilespmem:v51+s29+$0x0] =	vst.idx.add.f32.msk vm5, v59  }
0x25c: {  	[tilespmem:v54+s29+$0x0] =	vst.idx.add.f32.msk vm5, v61  }
0x25d: {  	[tilespmem:v57+s29+$0x0] =	vst.idx.add.f32.msk vm5, v8  }
0x25e: {  	[tilespmem:s10+$0x1CE00] =	vst.msk vm5, v2  }
0x25f: {  	v2 =	vmul.f32 v7, v4;
	[tilespmem:s10+$0x1D200] =	vst.msk vm5, v1  }
0x260: {  	v1 =	vmul.f32 v7, v3;
	[tilespmem:s10+$0x1D600] =	vst.msk vm5, v6  }
0x261: {  	v3 =	vmul.f32 v7, v5;
	[tilespmem:s10+$0x1DA00] =	vst.msk vm5, v2  }
0x262: {  	[tilespmem:s10+$0x1DE00] =	vst.msk vm5, v1  }
0x263: {  	[tilespmem:s10+$0x1E200] =	vst.msk vm5, v3  }
0x264: {  	[hbm4b:s16+s30] =	stream.strided.scatter [tilespmem:s2], [sflag:$0x4], $0x1800, s31, s30, $0x38;
	[tilespmem:$0x1FE80] =	vst v63  }
0x265: {  	s11 =	simm.s32 $0x0;
	s12 =	rddreg [dreg:$0xf]  }
0x266: {  	[tilespmem:s22], [sflag:$0x2] =	stream.linear.gather [hbm4b:s12+s11], $0x7D0, $0x38;
	[tilespmem:$0x1FE80] =	vst v63  }
0x267: {  	s13 =	rddreg [dreg:$0x10];
	s26 =	spop (v2sf)  }
0x268: {  	[tilespmem:s23], [sflag:$0x2] =	stream.linear.gather [hbm4b:s13+s11], $0x7D0, $0x38;
	[tilespmem:$0x1FE80] =	vst v63  }
0x269: {  	_ =	swait.ge [sflag:s1], $0x7D0  }
0x26a: {  	[sflag:s1] =	ssyncset.done $0x0  }
0x26b: {  	[sflag:s1] =	ssyncadd.s32 $0xFFFFF830  }
0x26c: {  	_ =	swait.ge [sflag:s1], $0x7D0  }
0x26d: {  	[sflag:s1] =	ssyncset.done $0x0  }
0x26e: {  	[sflag:s1] =	ssyncadd.s32 $0xFFFFF830  }
0x26f: {  	_ =	swait.ge [sflag:s5], $0x1800  }
0x270: {  	[sflag:s5] =	ssyncset.done $0x0  }
0x271: {  	s25 =	simm.s32 $0x0;
	[sflag:s5] =	ssyncadd.s32 $0xFFFFE800  }
0x272: {  	v2 =	vld [tilespmem:s25+$0x1B5D0]  }
0x273: {  	v1 =	vld [tilespmem:s25+$0x1C5D0];
	_ =	sdelay $0x3  }
0x274: {  	v3 =	vmul.u32 $0x3, v2  }
0x275: {  	v4 =	vmul.u32 $0x3, v1;
	_ =	sdelay $0x1  }
0x276: {  	v5 =	vadd.s32 $0x1, v3  }
0x277: {  	v6 =	vadd.s32 $0x1, v4  }
0x278: {  	v7 =	vadd.s32 $0x2, v3  }
0x279: {  	v8 =	vadd.s32 $0x2, v4;
	v63 =	vld.idx.msk [tilespmem:v3+s3+$0x0], $0xffff  }
0x27a: {  	v4 =	vld.idx.msk [tilespmem:v4+s3+$0x0], $0xffff  }
0x27b: {  	v3 =	vld.idx.msk [tilespmem:v5+s3+$0x0], $0xffff  }
0x27c: {  	v5 =	vld.idx.msk [tilespmem:v6+s3+$0x0], $0xffff  }
0x27d: {  	v7 =	vld.idx.msk [tilespmem:v7+s3+$0x0], $0xffff  }
0x27e: {  	v8 =	vld.idx.msk [tilespmem:v8+s3+$0x0], $0xffff;
	_ =	sdelay $0x2  }
0x27f: {  	s10 =	sadd.s32 s10, s26;
	v4 =	vsub.f32 v4, v63;
	v3 =	vsub.f32 v5, v3  }
0x280: {  	p0 =	slt.s32 s10, $0x3F0  }
0x281: {  	s10 =	simm.s32 @!p0 $0x3F0;
	s25 =	simm.s32 $0x40;
	v5 =	vsub.f32 v8, v7;
	v7 =	vmul.f32 v4, v4;
	v6 =	vmul.f32 v3, v3  }
.LBB2_12:
0x282: {  	p0 =	sne.s32 s25, $0x1F00;
	s12 =	smov.u32 s25;
	s25 =	sadd.s32 $0x40, s25  }
0x283: {  	v6 =	vadd.f32 v6, v7;
	v7 =	vmul.f32 v5, v5  }
0x284: {  	s12 =	sshra.s32 s12, $0x2  }
0x285: {  	v6 =	vadd.f32 v7, v6;
	_ =	sdelay $0x1  }
0x286: {  	v6 =	vadd.f32 $9.999999960e-13, v6;
	_ =	sdelay $0x1  }
0x287: {  	v7 =	vshrl.u32 v6, $0x1;
	v8 =	vmul.f32 $5.000000000e-01, v6  }
0x288: {  	v7 =	vsub.s32 $0x5F3759DF, v7  }
0x289: {  	v9 =	vmul.f32 v7, v8;
	_ =	sdelay $0x1  }
0x28a: {  	v9 =	vmul.f32 v7, v9;
	_ =	sdelay $0x1  }
0x28b: {  	v9 =	vsub.f32 $1.500000000e+00, v9;
	_ =	sdelay $0x1  }
0x28c: {  	v7 =	vmul.f32 v7, v9;
	_ =	sdelay $0x1  }
0x28d: {  	v9 =	vmul.f32 v7, v8;
	_ =	sdelay $0x1  }
0x28e: {  	v9 =	vmul.f32 v9, v7;
	_ =	sdelay $0x1  }
0x28f: {  	v9 =	vsub.f32 $1.500000000e+00, v9;
	_ =	sdelay $0x1  }
0x290: {  	v7 =	vmul.f32 v9, v7;
	_ =	sdelay $0x1  }
0x291: {  	v8 =	vmul.f32 v7, v8;
	_ =	sdelay $0x1  }
0x292: {  	v8 =	vmul.f32 v8, v7;
	_ =	sdelay $0x1  }
0x293: {  	v8 =	vsub.f32 $1.500000000e+00, v8;
	_ =	sdelay $0x1  }
0x294: {  	v8 =	vmul.f32 v8, v7;
	_ =	sdelay $0x1  }
0x295: {  	v7 =	vmul.f32 v8, v6;
	v6 =	vmul.f32 v8, v4  }
0x296: {  	v4 =	vmul.f32 v8, v3;
	v3 =	vmul.f32 v8, v5  }
0x297: {  	v5 =	vmul.f32 $5.235987900e-01, v7;
	v8 =	vmul.f32 $-5.000000000e-01, v7;
	v9 =	vadd.f32 $-8.571428650e-01, v7  }
0x298: {  	v10 =	vadd.f32 $-1.714285730e+00, v7;
	v11 =	vadd.f32 $-2.571428540e+00, v7  }
0x299: {  	v5 =	vmin.f32 v5, $3.141592740e+00;
	v8 =	vmul.f32 v8, v7;
	v12 =	vmul.f32 $-5.000000000e-01, v9  }
0x29a: {  	v14 =	vadd.f32 $-3.428571460e+00, v7;
	v13 =	vmul.f32 $-5.000000000e-01, v10;
	v5 =	vmul.f32 v5, v5  }
0x29b: {  	v8 =	vmul.f32 $1.442695020e+00, v8;
	v9 =	vmul.f32 v12, v9;
	v12 =	vadd.f32 $-4.285714150e+00, v7  }
0x29c: {  	v10 =	vmul.f32 v13, v10;
	v13 =	vadd.f32 $-5.142857070e+00, v7;
	v15 =	vmul.f32 $1.729497770e-09, v5  }
0x29d: {  	v17 =	vadd.f32 $-6.000000000e+00, v7;
	v16 =	vmul.f32 $-5.000000000e-01, v11;
	v9 =	vmul.f32 $1.442695020e+00, v9  }
0x29e: {  	v18 =	vmul.f32 $-5.000000000e-01, v14;
	v19 =	vmul.f32 $-5.000000000e-01, v12;
	v15 =	vadd.f32 $-2.709447240e-07, v15  }
0x29f: {  	v11 =	vmul.f32 v16, v11;
	v16 =	vmul.f32 $-5.000000000e-01, v13  }
0x2a0: {  	v14 =	vmul.f32 v18, v14;
	v15 =	vmul.f32 v15, v5  }
0x2a1: {  	v11 =	vmul.f32 $1.442695020e+00, v11;
	v12 =	vmul.f32 v19, v12  }
0x2a2: {  	v14 =	vmul.f32 $1.442695020e+00, v14;
	v13 =	vmul.f32 v16, v13;
	v15 =	vadd.f32 $2.477169980e-05, v15  }
0x2a3: {  	v16 =	vmul.f32 $-5.000000000e-01, v17;
	v12 =	vmul.f32 $1.442695020e+00, v12  }
0x2a4: {  	v13 =	vmul.f32 $1.442695020e+00, v13;
	v15 =	vmul.f32 v15, v5  }
0x2a5: {  	v16 =	vmul.f32 v16, v17  }
0x2a6: {  	v15 =	vadd.f32 $-1.388790440e-03, v15  }
0x2a7: {  	v16 =	vmul.f32 $1.442695020e+00, v16  }
0x2a8: {  	v15 =	vmul.f32 v15, v5;
	_ =	sdelay $0x1  }
0x2a9: {  	v15 =	vadd.f32 $4.166651520e-02, v15;
	_ =	sdelay $0x1  }
0x2aa: {  	v15 =	vmul.f32 v15, v5;
	_ =	sdelay $0x1  }
0x2ab: {  	v15 =	vadd.f32 $-4.999999110e-01, v15  }
0x2ac: {  	v10 =	vmul.f32 $1.442695020e+00, v10;
	(erf) = vpow2.f32 v8  }
0x2ad: {  	v5 =	vmul.f32 v15, v5;
	(erf) = vpow2.f32 v9  }
0x2ae: {  	(erf) = vpow2.f32 v10  }
0x2af: {  	v5 =	vadd.f32 $1.000000000e+00, v5;
	(erf) = vpow2.f32 v11  }
0x2b0: {  	vm5 =	vlt.f32 v7, $6.000000000e+00;
	(erf) = vpow2.f32 v14  }
0x2b1: {  	v8 =	vmpcnt.ones.xlane vm5;
	v5 =	vadd.f32 $1.000000000e+00, v5;
	(erf) = vpow2.f32 v12  }
0x2b2: {  	v2 =	vshll.u32 v2, $0x3;
	(erf) = vpow2.f32 v13  }
0x2b3: {  	v5 =	vmul.f32 $5.000000000e-01, v5;
	(erf) = vpow2.f32 v16;
	(v2sf) =	vpush v8, $0x0  }
0x2b4: {  	v8 =	vor.u32 $0x1, v2  }
0x2b5: {  	v9 =	vor.u32 $0x2, v2;
	v5 =	vnsel vm5, $0x0, v5;
	v10 =	vpop (erf)  }
0x2b6: {  	v11 =	vor.u32 $0x3, v2;
	v10 =	vmul.f32 v5, v10;
	v12 =	vpop (erf)  }
0x2b7: {  	v13 =	vor.u32 $0x4, v2;
	v12 =	vmul.f32 v5, v12;
	v14 =	vpop (erf)  }
0x2b8: {  	[tilespmem:v2+s29+$0x0] =	vst.idx.add.f32.msk vm5, v10;
	v10 =	vmul.f32 v5, v14;
	v14 =	vor.u32 $0x5, v2;
	v15 =	vpop (erf)  }
0x2b9: {  	[tilespmem:v8+s29+$0x0] =	vst.idx.add.f32.msk vm5, v12;
	v8 =	vmul.f32 v5, v15;
	v12 =	vor.u32 $0x6, v2;
	v15 =	vpop (erf)  }
0x2ba: {  	[tilespmem:v9+s29+$0x0] =	vst.idx.add.f32.msk vm5, v10;
	v9 =	vmul.f32 v5, v15;
	v10 =	vor.u32 $0x7, v2;
	v15 =	vpop (erf)  }
0x2bb: {  	[tilespmem:v11+s29+$0x0] =	vst.idx.add.f32.msk vm5, v8;
	v8 =	vmul.f32 v5, v15;
	v11 =	vpop (erf)  }
0x2bc: {  	[tilespmem:v13+s29+$0x0] =	vst.idx.add.f32.msk vm5, v9;
	v9 =	vmul.f32 v5, v11;
	v11 =	vpop (erf)  }
0x2bd: {  	[tilespmem:v14+s29+$0x0] =	vst.idx.add.f32.msk vm5, v8;
	v5 =	vmul.f32 v5, v11  }
0x2be: {  	[tilespmem:v12+s29+$0x0] =	vst.idx.add.f32.msk vm5, v9  }
0x2bf: {  	[tilespmem:v10+s29+$0x0] =	vst.idx.add.f32.msk vm5, v5  }
0x2c0: {  	[tilespmem:s11+$0x1E600] =	vst.msk vm5, v2  }
0x2c1: {  	[tilespmem:s11+$0x1EA00] =	vst.msk vm5, v1  }
0x2c2: {  	[tilespmem:s11+$0x1EE00] =	vst.msk vm5, v7;
	s26 =	spop (v2sf)  }
0x2c3: {  	[tilespmem:s11+$0x1F200] =	vst.msk vm5, v6;
	s26 =	sadd.s32 s11, s26  }
0x2c4: {  	[tilespmem:s11+$0x1F600] =	vst.msk vm5, v4;
	p1 =	slt.s32 s26, $0x3F0  }
0x2c5: {  	[tilespmem:s11+$0x1FA00] =	vst.msk vm5, v3;
	s11 =	smov.u32 s26  }
0x2c6: {  	s11 =	simm.s32 @!p1 $0x3F0  }
0x2c7: {  	v2 =	vld [tilespmem:s12+$0x1B5D0]  }
0x2c8: {  	v1 =	vld [tilespmem:s12+$0x1C5D0];
	_ =	sdelay $0x3  }
0x2c9: {  	v3 =	vmul.u32 $0x3, v2  }
0x2ca: {  	v4 =	vmul.u32 $0x3, v1  }
0x2cb: {  	v5 =	vadd.s32 $0x1, v3;
	v6 =	vadd.s32 $0x2, v3  }
0x2cc: {  	v7 =	vadd.s32 $0x1, v4;
	v8 =	vadd.s32 $0x2, v4;
	_ =	sdelay $0x2  }
0x2cd: {  	v9 =	vld.idx.msk [tilespmem:v3+s3+$0x0], $0xffff  }
0x2ce: {  	v3 =	vld.idx.msk [tilespmem:v5+s3+$0x0], $0xffff  }
0x2cf: {  	v5 =	vld.idx.msk [tilespmem:v7+s3+$0x0], $0xffff  }
0x2d0: {  	v4 =	vld.idx.msk [tilespmem:v4+s3+$0x0], $0xffff  }
0x2d1: {  	v7 =	vld.idx.msk [tilespmem:v6+s3+$0x0], $0xffff  }
0x2d2: {  	v8 =	vld.idx.msk [tilespmem:v8+s3+$0x0], $0xffff;
	_ =	sdelay $0x1  }
.Ltmp5:
0x2d3: {  	(pc) =	sbr.rel @p0 .LBB2_12-.Ltmp5, $4  }
0x2d4: {  	v3 =	vsub.f32 v5, v3  }
0x2d5: {  	v4 =	vsub.f32 v4, v9  }
0x2d6: {  	v6 =	vmul.f32 v3, v3  }
0x2d7: {  	v5 =	vsub.f32 v8, v7;
	v7 =	vmul.f32 v4, v4  }
0x2d8: {  	_ = 	snop  }
0x2d9: {  	v6 =	vadd.f32 v6, v7;
	v7 =	vmul.f32 v5, v5;
	_ =	sdelay $0x1  }
0x2da: {  	v6 =	vadd.f32 v7, v6;
	_ =	sdelay $0x1  }
0x2db: {  	v6 =	vadd.f32 $9.999999960e-13, v6;
	_ =	sdelay $0x1  }
0x2dc: {  	v7 =	vshrl.u32 v6, $0x1;
	v8 =	vmul.f32 $5.000000000e-01, v6  }
0x2dd: {  	v7 =	vsub.s32 $0x5F3759DF, v7  }
0x2de: {  	v9 =	vmul.f32 v7, v8;
	_ =	sdelay $0x1  }
0x2df: {  	v9 =	vmul.f32 v7, v9;
	_ =	sdelay $0x1  }
0x2e0: {  	v9 =	vsub.f32 $1.500000000e+00, v9;
	_ =	sdelay $0x1  }
0x2e1: {  	v7 =	vmul.f32 v7, v9;
	_ =	sdelay $0x1  }
0x2e2: {  	v9 =	vmul.f32 v7, v8;
	_ =	sdelay $0x1  }
0x2e3: {  	v9 =	vmul.f32 v9, v7;
	_ =	sdelay $0x1  }
0x2e4: {  	v9 =	vsub.f32 $1.500000000e+00, v9;
	_ =	sdelay $0x1  }
0x2e5: {  	v7 =	vmul.f32 v9, v7;
	_ =	sdelay $0x1  }
0x2e6: {  	v8 =	vmul.f32 v7, v8;
	_ =	sdelay $0x1  }
0x2e7: {  	v8 =	vmul.f32 v8, v7;
	_ =	sdelay $0x1  }
0x2e8: {  	v8 =	vsub.f32 $1.500000000e+00, v8;
	_ =	sdelay $0x1  }
0x2e9: {  	v7 =	vmul.f32 v8, v7;
	_ =	sdelay $0x1  }
0x2ea: {  	v6 =	vmul.f32 v7, v6;
	_ =	sdelay $0x1  }
0x2eb: {  	v8 =	vmul.f32 $5.235987900e-01, v6;
	_ =	sdelay $0x1  }
0x2ec: {  	v8 =	vmin.f32 v8, $3.141592740e+00  }
0x2ed: {  	v8 =	vmul.f32 v8, v8;
	_ =	sdelay $0x1  }
0x2ee: {  	v32 =	vmul.f32 $1.729497770e-09, v8;
	_ =	sdelay $0x1  }
0x2ef: {  	v9 =	vadd.f32 $-2.709447240e-07, v32;
	_ =	sdelay $0x1  }
0x2f0: {  	v9 =	vmul.f32 v9, v8;
	_ =	sdelay $0x1  }
0x2f1: {  	v11 =	vadd.f32 $-8.571428650e-01, v6;
	v9 =	vadd.f32 $2.477169980e-05, v9  }
0x2f2: {  	v10 =	vmul.f32 $-5.000000000e-01, v6;
	v12 =	vadd.f32 $-1.714285730e+00, v6;
	v15 =	vadd.f32 $-2.571428540e+00, v6  }
0x2f3: {  	v16 =	vadd.f32 $-3.428571460e+00, v6;
	v33 =	vadd.f32 $-4.285714150e+00, v6;
	v9 =	vmul.f32 v9, v8  }
0x2f4: {  	v17 =	vadd.f32 $-5.142857070e+00, v6;
	v10 =	vmul.f32 v10, v6;
	v13 =	vmul.f32 $-5.000000000e-01, v11  }
0x2f5: {  	v14 =	vmul.f32 $-5.000000000e-01, v12;
	v34 =	vmul.f32 $-5.000000000e-01, v15;
	v9 =	vadd.f32 $-1.388790440e-03, v9  }
0x2f6: {  	v36 =	vadd.f32 $-6.000000000e+00, v6;
	v18 =	vmul.f32 $-5.000000000e-01, v16;
	v19 =	vmul.f32 $-5.000000000e-01, v33  }
0x2f7: {  	v35 =	vmul.f32 $-5.000000000e-01, v17;
	v9 =	vmul.f32 v9, v8  }
0x2f8: {  	v37 =	vmul.f32 $-5.000000000e-01, v36;
	v10 =	vmul.f32 $1.442695020e+00, v10  }
0x2f9: {  	v11 =	vmul.f32 v13, v11;
	v12 =	vmul.f32 v14, v12;
	v9 =	vadd.f32 $4.166651520e-02, v9  }
0x2fa: {  	v14 =	vmul.f32 v34, v15;
	v16 =	vmul.f32 v18, v16  }
0x2fb: {  	v13 =	vmul.f32 v19, v33;
	v9 =	vmul.f32 v9, v8  }
0x2fc: {  	v15 =	vmul.f32 v35, v17;
	v39 =	vmul.f32 v37, v36  }
0x2fd: {  	v11 =	vmul.f32 $1.442695020e+00, v11;
	v14 =	vmul.f32 $1.442695020e+00, v14;
	v9 =	vadd.f32 $-4.999999110e-01, v9  }
0x2fe: {  	v12 =	vmul.f32 $1.442695020e+00, v12;
	(erf) = vpow2.f32 v10  }
0x2ff: {  	(erf) = vpow2.f32 v11;
	v8 =	vmul.f32 v9, v8  }
0x300: {  	v16 =	vmul.f32 $1.442695020e+00, v16;
	(erf) = vpow2.f32 v12  }
0x301: {  	v38 =	vmul.f32 $1.442695020e+00, v13;
	(erf) = vpow2.f32 v14;
	v8 =	vadd.f32 $1.000000000e+00, v8  }
0x302: {  	v40 =	vmul.f32 $1.442695020e+00, v15;
	(erf) = vpow2.f32 v16  }
0x303: {  	v10 =	vmul.f32 $1.442695020e+00, v39;
	(erf) = vpow2.f32 v38;
	v8 =	vadd.f32 $1.000000000e+00, v8  }
0x304: {  	vm5 =	vlt.f32 v6, $6.000000000e+00;
	(erf) = vpow2.f32 v40  }
0x305: {  	v2 =	vshll.u32 v2, $0x3;
	(erf) = vpow2.f32 v10;
	v8 =	vmul.f32 $5.000000000e-01, v8  }
0x306: {  	v42 =	vor.u32 $0x1, v2;
	v41 =	vmpcnt.ones.xlane vm5  }
0x307: {  	v43 =	vor.u32 $0x2, v2;
	v44 =	vpop (erf);
	v8 =	vnsel vm5, $0x0, v8  }
0x308: {  	v46 =	vor.u32 $0x3, v2;
	(v2sf) =	vpush v41, $0x0;
	v47 =	vpop (erf);
	v45 =	vmul.f32 v8, v44  }
0x309: {  	v48 =	vor.u32 $0x4, v2;
	v49 =	vpop (erf);
	v13 =	vmul.f32 v8, v47  }
0x30a: {  	v51 =	vor.u32 $0x5, v2;
	v52 =	vpop (erf);
	v50 =	vmul.f32 v8, v49;
	[tilespmem:v2+s29+$0x0] =	vst.idx.add.f32.msk vm5, v45  }
0x30b: {  	v54 =	vor.u32 $0x6, v2;
	v55 =	vpop (erf);
	v53 =	vmul.f32 v8, v52;
	[tilespmem:v42+s29+$0x0] =	vst.idx.add.f32.msk vm5, v13  }
0x30c: {  	v57 =	vor.u32 $0x7, v2;
	v58 =	vpop (erf);
	v56 =	vmul.f32 v8, v55;
	[tilespmem:v43+s29+$0x0] =	vst.idx.add.f32.msk vm5, v50  }
0x30d: {  	v60 =	vpop (erf);
	v59 =	vmul.f32 v8, v58;
	[tilespmem:v46+s29+$0x0] =	vst.idx.add.f32.msk vm5, v53  }
0x30e: {  	v62 =	vpop (erf);
	v61 =	vmul.f32 v8, v60;
	[tilespmem:v48+s29+$0x0] =	vst.idx.add.f32.msk vm5, v56  }
0x30f: {  	v8 =	vmul.f32 v8, v62;
	[tilespmem:v51+s29+$0x0] =	vst.idx.add.f32.msk vm5, v59  }
0x310: {  	[tilespmem:v54+s29+$0x0] =	vst.idx.add.f32.msk vm5, v61  }
0x311: {  	[tilespmem:v57+s29+$0x0] =	vst.idx.add.f32.msk vm5, v8  }
0x312: {  	[tilespmem:s11+$0x1E600] =	vst.msk vm5, v2  }
0x313: {  	v2 =	vmul.f32 v7, v4;
	[tilespmem:s11+$0x1EA00] =	vst.msk vm5, v1  }
0x314: {  	v1 =	vmul.f32 v7, v3;
	[tilespmem:s11+$0x1EE00] =	vst.msk vm5, v6  }
0x315: {  	v3 =	vmul.f32 v7, v5;
	[tilespmem:s11+$0x1F200] =	vst.msk vm5, v2  }
0x316: {  	[tilespmem:s11+$0x1F600] =	vst.msk vm5, v1  }
0x317: {  	s12 =	spop (v2sf);
	[tilespmem:s11+$0x1FA00] =	vst.msk vm5, v3  }
0x318: {  	[hbm4b:s17+s30] =	stream.strided.scatter [tilespmem:s0], [sflag:$0x5], $0x1800, s31, s30, $0x38;
	[tilespmem:$0x1FE80] =	vst v63  }
0x319: {  	_ =	swait.ge [sflag:s28], $0x7D0  }
0x31a: {  	[sflag:s28] =	ssyncset.done $0x0  }
0x31b: {  	[sflag:s28] =	ssyncadd.s32 $0xFFFFF830  }
0x31c: {  	_ =	swait.ge [sflag:s28], $0x7D0  }
0x31d: {  	[sflag:s28] =	ssyncset.done $0x0  }
0x31e: {  	[sflag:s28] =	ssyncadd.s32 $0xFFFFF830  }
0x31f: {  	_ =	swait.ge [sflag:s4], $0x1800  }
0x320: {  	[sflag:s4] =	ssyncset.done $0x0  }
0x321: {  	s25 =	simm.s32 $0x0;
	[sflag:s4] =	ssyncadd.s32 $0xFFFFE800  }
0x322: {  	v2 =	vld [tilespmem:s25+$0x1AE00]  }
0x323: {  	v1 =	vld [tilespmem:s25+$0x1BE00];
	_ =	sdelay $0x3  }
0x324: {  	v3 =	vmul.u32 $0x3, v2  }
0x325: {  	v4 =	vmul.u32 $0x3, v1;
	_ =	sdelay $0x1  }
0x326: {  	v5 =	vadd.s32 $0x1, v3  }
0x327: {  	v6 =	vadd.s32 $0x1, v4  }
0x328: {  	v7 =	vadd.s32 $0x2, v3  }
0x329: {  	v8 =	vadd.s32 $0x2, v4;
	v63 =	vld.idx.msk [tilespmem:v3+s3+$0x0], $0xffff  }
0x32a: {  	v4 =	vld.idx.msk [tilespmem:v4+s3+$0x0], $0xffff  }
0x32b: {  	v3 =	vld.idx.msk [tilespmem:v5+s3+$0x0], $0xffff  }
0x32c: {  	v5 =	vld.idx.msk [tilespmem:v6+s3+$0x0], $0xffff  }
0x32d: {  	v7 =	vld.idx.msk [tilespmem:v7+s3+$0x0], $0xffff  }
0x32e: {  	v8 =	vld.idx.msk [tilespmem:v8+s3+$0x0], $0xffff;
	_ =	sdelay $0x2  }
0x32f: {  	s11 =	sadd.s32 s11, s12;
	v4 =	vsub.f32 v4, v63;
	v3 =	vsub.f32 v5, v3  }
0x330: {  	p0 =	slt.s32 s11, $0x3F0  }
0x331: {  	s12 =	simm.s32 $0x40;
	s11 =	simm.s32 @!p0 $0x3F0;
	s25 =	simm.s32 $0x0;
	v5 =	vsub.f32 v8, v7;
	v7 =	vmul.f32 v4, v4;
	v6 =	vmul.f32 v3, v3  }
.LBB2_14:
0x332: {  	p0 =	sne.s32 s12, $0x1F00;
	s26 =	smov.u32 s12;
	s12 =	sadd.s32 $0x40, s12  }
0x333: {  	v6 =	vadd.f32 v6, v7;
	v7 =	vmul.f32 v5, v5  }
0x334: {  	s26 =	sshra.s32 s26, $0x2  }
0x335: {  	v6 =	vadd.f32 v7, v6;
	_ =	sdelay $0x1  }
0x336: {  	v6 =	vadd.f32 $9.999999960e-13, v6;
	_ =	sdelay $0x1  }
0x337: {  	v7 =	vshrl.u32 v6, $0x1;
	v8 =	vmul.f32 $5.000000000e-01, v6  }
0x338: {  	v7 =	vsub.s32 $0x5F3759DF, v7  }
0x339: {  	v9 =	vmul.f32 v7, v8;
	_ =	sdelay $0x1  }
0x33a: {  	v9 =	vmul.f32 v7, v9;
	_ =	sdelay $0x1  }
0x33b: {  	v9 =	vsub.f32 $1.500000000e+00, v9;
	_ =	sdelay $0x1  }
0x33c: {  	v7 =	vmul.f32 v7, v9;
	_ =	sdelay $0x1  }
0x33d: {  	v9 =	vmul.f32 v7, v8;
	_ =	sdelay $0x1  }
0x33e: {  	v9 =	vmul.f32 v9, v7;
	_ =	sdelay $0x1  }
0x33f: {  	v9 =	vsub.f32 $1.500000000e+00, v9;
	_ =	sdelay $0x1  }
0x340: {  	v7 =	vmul.f32 v9, v7;
	_ =	sdelay $0x1  }
0x341: {  	v8 =	vmul.f32 v7, v8;
	_ =	sdelay $0x1  }
0x342: {  	v8 =	vmul.f32 v8, v7;
	_ =	sdelay $0x1  }
0x343: {  	v8 =	vsub.f32 $1.500000000e+00, v8;
	_ =	sdelay $0x1  }
0x344: {  	v8 =	vmul.f32 v8, v7;
	_ =	sdelay $0x1  }
0x345: {  	v7 =	vmul.f32 v8, v6;
	v6 =	vmul.f32 v8, v4  }
0x346: {  	v4 =	vmul.f32 v8, v3;
	v3 =	vmul.f32 v8, v5  }
0x347: {  	v5 =	vmul.f32 $5.235987900e-01, v7;
	v8 =	vmul.f32 $-5.000000000e-01, v7;
	v9 =	vadd.f32 $-8.571428650e-01, v7  }
0x348: {  	v10 =	vadd.f32 $-1.714285730e+00, v7;
	v11 =	vadd.f32 $-2.571428540e+00, v7  }
0x349: {  	v5 =	vmin.f32 v5, $3.141592740e+00;
	v8 =	vmul.f32 v8, v7;
	v12 =	vmul.f32 $-5.000000000e-01, v9  }
0x34a: {  	v14 =	vadd.f32 $-3.428571460e+00, v7;
	v13 =	vmul.f32 $-5.000000000e-01, v10;
	v5 =	vmul.f32 v5, v5  }
0x34b: {  	v8 =	vmul.f32 $1.442695020e+00, v8;
	v9 =	vmul.f32 v12, v9;
	v12 =	vadd.f32 $-4.285714150e+00, v7  }
0x34c: {  	v10 =	vmul.f32 v13, v10;
	v13 =	vadd.f32 $-5.142857070e+00, v7;
	v15 =	vmul.f32 $1.729497770e-09, v5  }
0x34d: {  	v17 =	vadd.f32 $-6.000000000e+00, v7;
	v16 =	vmul.f32 $-5.000000000e-01, v11;
	v9 =	vmul.f32 $1.442695020e+00, v9  }
0x34e: {  	v18 =	vmul.f32 $-5.000000000e-01, v14;
	v19 =	vmul.f32 $-5.000000000e-01, v12;
	v15 =	vadd.f32 $-2.709447240e-07, v15  }
0x34f: {  	v11 =	vmul.f32 v16, v11;
	v16 =	vmul.f32 $-5.000000000e-01, v13  }
0x350: {  	v14 =	vmul.f32 v18, v14;
	v15 =	vmul.f32 v15, v5  }
0x351: {  	v11 =	vmul.f32 $1.442695020e+00, v11;
	v12 =	vmul.f32 v19, v12  }
0x352: {  	v14 =	vmul.f32 $1.442695020e+00, v14;
	v13 =	vmul.f32 v16, v13;
	v15 =	vadd.f32 $2.477169980e-05, v15  }
0x353: {  	v16 =	vmul.f32 $-5.000000000e-01, v17;
	v12 =	vmul.f32 $1.442695020e+00, v12  }
0x354: {  	v13 =	vmul.f32 $1.442695020e+00, v13;
	v15 =	vmul.f32 v15, v5  }
0x355: {  	v16 =	vmul.f32 v16, v17  }
0x356: {  	v15 =	vadd.f32 $-1.388790440e-03, v15  }
0x357: {  	v16 =	vmul.f32 $1.442695020e+00, v16  }
0x358: {  	v15 =	vmul.f32 v15, v5;
	_ =	sdelay $0x1  }
0x359: {  	v15 =	vadd.f32 $4.166651520e-02, v15;
	_ =	sdelay $0x1  }
0x35a: {  	v15 =	vmul.f32 v15, v5;
	_ =	sdelay $0x1  }
0x35b: {  	v15 =	vadd.f32 $-4.999999110e-01, v15  }
0x35c: {  	v10 =	vmul.f32 $1.442695020e+00, v10;
	(erf) = vpow2.f32 v8  }
0x35d: {  	v5 =	vmul.f32 v15, v5;
	(erf) = vpow2.f32 v9  }
0x35e: {  	(erf) = vpow2.f32 v10  }
0x35f: {  	v5 =	vadd.f32 $1.000000000e+00, v5;
	(erf) = vpow2.f32 v11  }
0x360: {  	vm5 =	vlt.f32 v7, $6.000000000e+00;
	(erf) = vpow2.f32 v14  }
0x361: {  	v8 =	vmpcnt.ones.xlane vm5;
	v5 =	vadd.f32 $1.000000000e+00, v5;
	(erf) = vpow2.f32 v12  }
0x362: {  	v2 =	vshll.u32 v2, $0x3;
	(erf) = vpow2.f32 v13  }
0x363: {  	v5 =	vmul.f32 $5.000000000e-01, v5;
	(erf) = vpow2.f32 v16;
	(v2sf) =	vpush v8, $0x0  }
0x364: {  	v8 =	vor.u32 $0x1, v2  }
0x365: {  	v9 =	vor.u32 $0x2, v2;
	v5 =	vnsel vm5, $0x0, v5;
	v10 =	vpop (erf)  }
0x366: {  	v11 =	vor.u32 $0x3, v2;
	v10 =	vmul.f32 v5, v10;
	v12 =	vpop (erf)  }
0x367: {  	v13 =	vor.u32 $0x4, v2;
	v12 =	vmul.f32 v5, v12;
	v14 =	vpop (erf)  }
0x368: {  	[tilespmem:v2+s29+$0x0] =	vst.idx.add.f32.msk vm5, v10;
	v10 =	vmul.f32 v5, v14;
	v14 =	vor.u32 $0x5, v2;
	v15 =	vpop (erf)  }
0x369: {  	[tilespmem:v8+s29+$0x0] =	vst.idx.add.f32.msk vm5, v12;
	v8 =	vmul.f32 v5, v15;
	v12 =	vor.u32 $0x6, v2;
	v15 =	vpop (erf)  }
0x36a: {  	[tilespmem:v9+s29+$0x0] =	vst.idx.add.f32.msk vm5, v10;
	v9 =	vmul.f32 v5, v15;
	v10 =	vor.u32 $0x7, v2;
	v15 =	vpop (erf)  }
0x36b: {  	[tilespmem:v11+s29+$0x0] =	vst.idx.add.f32.msk vm5, v8;
	v8 =	vmul.f32 v5, v15;
	v11 =	vpop (erf)  }
0x36c: {  	[tilespmem:v13+s29+$0x0] =	vst.idx.add.f32.msk vm5, v9;
	v9 =	vmul.f32 v5, v11;
	v11 =	vpop (erf)  }
0x36d: {  	[tilespmem:v14+s29+$0x0] =	vst.idx.add.f32.msk vm5, v8;
	v5 =	vmul.f32 v5, v11  }
0x36e: {  	[tilespmem:v12+s29+$0x0] =	vst.idx.add.f32.msk vm5, v9  }
0x36f: {  	[tilespmem:v10+s29+$0x0] =	vst.idx.add.f32.msk vm5, v5  }
0x370: {  	[tilespmem:s25+$0x1CE00] =	vst.msk vm5, v2  }
0x371: {  	[tilespmem:s25+$0x1D200] =	vst.msk vm5, v1  }
0x372: {  	[tilespmem:s25+$0x1D600] =	vst.msk vm5, v7;
	s13 =	spop (v2sf)  }
0x373: {  	[tilespmem:s25+$0x1DA00] =	vst.msk vm5, v6;
	s13 =	sadd.s32 s25, s13  }
0x374: {  	[tilespmem:s25+$0x1DE00] =	vst.msk vm5, v4;
	p1 =	slt.s32 s13, $0x3F0  }
0x375: {  	[tilespmem:s25+$0x1E200] =	vst.msk vm5, v3;
	s25 =	smov.u32 s13  }
0x376: {  	s25 =	simm.s32 @!p1 $0x3F0  }
0x377: {  	v2 =	vld [tilespmem:s26+$0x1AE00]  }
0x378: {  	v1 =	vld [tilespmem:s26+$0x1BE00];
	_ =	sdelay $0x3  }
0x379: {  	v3 =	vmul.u32 $0x3, v2  }
0x37a: {  	v4 =	vmul.u32 $0x3, v1  }
0x37b: {  	v5 =	vadd.s32 $0x1, v3;
	v6 =	vadd.s32 $0x2, v3  }
0x37c: {  	v7 =	vadd.s32 $0x1, v4;
	v8 =	vadd.s32 $0x2, v4;
	_ =	sdelay $0x2  }
0x37d: {  	v9 =	vld.idx.msk [tilespmem:v3+s3+$0x0], $0xffff  }
0x37e: {  	v3 =	vld.idx.msk [tilespmem:v5+s3+$0x0], $0xffff  }
0x37f: {  	v5 =	vld.idx.msk [tilespmem:v7+s3+$0x0], $0xffff  }
0x380: {  	v4 =	vld.idx.msk [tilespmem:v4+s3+$0x0], $0xffff  }
0x381: {  	v7 =	vld.idx.msk [tilespmem:v6+s3+$0x0], $0xffff  }
0x382: {  	v8 =	vld.idx.msk [tilespmem:v8+s3+$0x0], $0xffff;
	_ =	sdelay $0x1  }
.Ltmp6:
0x383: {  	(pc) =	sbr.rel @p0 .LBB2_14-.Ltmp6, $4  }
0x384: {  	v3 =	vsub.f32 v5, v3  }
0x385: {  	v4 =	vsub.f32 v4, v9  }
0x386: {  	v6 =	vmul.f32 v3, v3  }
0x387: {  	v5 =	vsub.f32 v8, v7;
	v7 =	vmul.f32 v4, v4  }
0x388: {  	_ = 	snop  }
0x389: {  	v6 =	vadd.f32 v6, v7;
	v30 =	vmul.f32 v5, v5;
	_ =	sdelay $0x1  }
0x38a: {  	v6 =	vadd.f32 v30, v6;
	_ =	sdelay $0x1  }
0x38b: {  	v6 =	vadd.f32 $9.999999960e-13, v6;
	_ =	sdelay $0x1  }
0x38c: {  	v31 =	vshrl.u32 v6, $0x1;
	v8 =	vmul.f32 $5.000000000e-01, v6  }
0x38d: {  	v7 =	vsub.s32 $0x5F3759DF, v31  }
0x38e: {  	v9 =	vmul.f32 v7, v8;
	_ =	sdelay $0x1  }
0x38f: {  	v9 =	vmul.f32 v7, v9;
	_ =	sdelay $0x1  }
0x390: {  	v9 =	vsub.f32 $1.500000000e+00, v9;
	_ =	sdelay $0x1  }
0x391: {  	v7 =	vmul.f32 v7, v9;
	_ =	sdelay $0x1  }
0x392: {  	v9 =	vmul.f32 v7, v8;
	_ =	sdelay $0x1  }
0x393: {  	v9 =	vmul.f32 v9, v7;
	_ =	sdelay $0x1  }
0x394: {  	v9 =	vsub.f32 $1.500000000e+00, v9;
	_ =	sdelay $0x1  }
0x395: {  	v7 =	vmul.f32 v9, v7;
	_ =	sdelay $0x1  }
0x396: {  	v8 =	vmul.f32 v7, v8;
	_ =	sdelay $0x1  }
0x397: {  	v8 =	vmul.f32 v8, v7;
	_ =	sdelay $0x1  }
0x398: {  	v8 =	vsub.f32 $1.500000000e+00, v8;
	_ =	sdelay $0x1  }
0x399: {  	v7 =	vmul.f32 v8, v7;
	_ =	sdelay $0x1  }
0x39a: {  	v6 =	vmul.f32 v7, v6;
	_ =	sdelay $0x1  }
0x39b: {  	v32 =	vmul.f32 $5.235987900e-01, v6;
	_ =	sdelay $0x1  }
0x39c: {  	v8 =	vmin.f32 v32, $3.141592740e+00  }
0x39d: {  	v8 =	vmul.f32 v8, v8;
	_ =	sdelay $0x1  }
0x39e: {  	v33 =	vmul.f32 $1.729497770e-09, v8;
	_ =	sdelay $0x1  }
0x39f: {  	v9 =	vadd.f32 $-2.709447240e-07, v33;
	_ =	sdelay $0x1  }
0x3a0: {  	v9 =	vmul.f32 v9, v8;
	_ =	sdelay $0x1  }
0x3a1: {  	v11 =	vadd.f32 $-8.571428650e-01, v6;
	v9 =	vadd.f32 $2.477169980e-05, v9  }
0x3a2: {  	v10 =	vmul.f32 $-5.000000000e-01, v6;
	v12 =	vadd.f32 $-1.714285730e+00, v6;
	v15 =	vadd.f32 $-2.571428540e+00, v6  }
0x3a3: {  	v16 =	vadd.f32 $-3.428571460e+00, v6;
	v34 =	vadd.f32 $-4.285714150e+00, v6;
	v9 =	vmul.f32 v9, v8  }
0x3a4: {  	v17 =	vadd.f32 $-5.142857070e+00, v6;
	v10 =	vmul.f32 v10, v6;
	v13 =	vmul.f32 $-5.000000000e-01, v11  }
0x3a5: {  	v14 =	vmul.f32 $-5.000000000e-01, v12;
	v35 =	vmul.f32 $-5.000000000e-01, v15;
	v9 =	vadd.f32 $-1.388790440e-03, v9  }
0x3a6: {  	v37 =	vadd.f32 $-6.000000000e+00, v6;
	v18 =	vmul.f32 $-5.000000000e-01, v16;
	v19 =	vmul.f32 $-5.000000000e-01, v34  }
0x3a7: {  	v36 =	vmul.f32 $-5.000000000e-01, v17;
	v9 =	vmul.f32 v9, v8  }
0x3a8: {  	v38 =	vmul.f32 $-5.000000000e-01, v37;
	v10 =	vmul.f32 $1.442695020e+00, v10  }
0x3a9: {  	v11 =	vmul.f32 v13, v11;
	v12 =	vmul.f32 v14, v12;
	v9 =	vadd.f32 $4.166651520e-02, v9  }
0x3aa: {  	v14 =	vmul.f32 v35, v15;
	v16 =	vmul.f32 v18, v16  }
0x3ab: {  	v13 =	vmul.f32 v19, v34;
	v9 =	vmul.f32 v9, v8  }
0x3ac: {  	v15 =	vmul.f32 v36, v17;
	v40 =	vmul.f32 v38, v37  }
0x3ad: {  	v11 =	vmul.f32 $1.442695020e+00, v11;
	v14 =	vmul.f32 $1.442695020e+00, v14;
	v9 =	vadd.f32 $-4.999999110e-01, v9  }
0x3ae: {  	v12 =	vmul.f32 $1.442695020e+00, v12;
	(erf) = vpow2.f32 v10  }
0x3af: {  	(erf) = vpow2.f32 v11;
	v8 =	vmul.f32 v9, v8  }
0x3b0: {  	v16 =	vmul.f32 $1.442695020e+00, v16;
	(erf) = vpow2.f32 v12  }
0x3b1: {  	v39 =	vmul.f32 $1.442695020e+00, v13;
	(erf) = vpow2.f32 v14;
	v8 =	vadd.f32 $1.000000000e+00, v8  }
0x3b2: {  	v41 =	vmul.f32 $1.442695020e+00, v15;
	(erf) = vpow2.f32 v16  }
0x3b3: {  	v10 =	vmul.f32 $1.442695020e+00, v40;
	(erf) = vpow2.f32 v39;
	v8 =	vadd.f32 $1.000000000e+00, v8  }
0x3b4: {  	vm5 =	vlt.f32 v6, $6.000000000e+00;
	(erf) = vpow2.f32 v41  }
0x3b5: {  	v2 =	vshll.u32 v2, $0x3;
	(erf) = vpow2.f32 v10;
	v8 =	vmul.f32 $5.000000000e-01, v8  }
0x3b6: {  	v43 =	vor.u32 $0x1, v2;
	v42 =	vmpcnt.ones.xlane vm5  }
0x3b7: {  	v44 =	vor.u32 $0x2, v2;
	v45 =	vpop (erf);
	v8 =	vnsel vm5, $0x0, v8  }
0x3b8: {  	v47 =	vor.u32 $0x3, v2;
	(v2sf) =	vpush v42, $0x0;
	v48 =	vpop (erf);
	v46 =	vmul.f32 v8, v45  }
0x3b9: {  	v49 =	vor.u32 $0x4, v2;
	v50 =	vpop (erf);
	v13 =	vmul.f32 v8, v48  }
0x3ba: {  	v52 =	vor.u32 $0x5, v2;
	v53 =	vpop (erf);
	v51 =	vmul.f32 v8, v50;
	[tilespmem:v2+s29+$0x0] =	vst.idx.add.f32.msk vm5, v46  }
0x3bb: {  	v55 =	vor.u32 $0x6, v2;
	v56 =	vpop (erf);
	v54 =	vmul.f32 v8, v53;
	[tilespmem:v43+s29+$0x0] =	vst.idx.add.f32.msk vm5, v13  }
0x3bc: {  	v58 =	vor.u32 $0x7, v2;
	v59 =	vpop (erf);
	v57 =	vmul.f32 v8, v56;
	[tilespmem:v44+s29+$0x0] =	vst.idx.add.f32.msk vm5, v51  }
0x3bd: {  	v61 =	vpop (erf);
	v60 =	vmul.f32 v8, v59;
	[tilespmem:v47+s29+$0x0] =	vst.idx.add.f32.msk vm5, v54  }
0x3be: {  	v63 =	vpop (erf);
	v62 =	vmul.f32 v8, v61;
	[tilespmem:v49+s29+$0x0] =	vst.idx.add.f32.msk vm5, v57  }
0x3bf: {  	v8 =	vmul.f32 v8, v63;
	[tilespmem:v52+s29+$0x0] =	vst.idx.add.f32.msk vm5, v60  }
0x3c0: {  	[tilespmem:v55+s29+$0x0] =	vst.idx.add.f32.msk vm5, v62  }
0x3c1: {  	[tilespmem:v58+s29+$0x0] =	vst.idx.add.f32.msk vm5, v8  }
0x3c2: {  	[tilespmem:s25+$0x1CE00] =	vst.msk vm5, v2  }
0x3c3: {  	v2 =	vmul.f32 v7, v4;
	[tilespmem:s25+$0x1D200] =	vst.msk vm5, v1  }
0x3c4: {  	v1 =	vmul.f32 v7, v3;
	[tilespmem:s25+$0x1D600] =	vst.msk vm5, v6  }
0x3c5: {  	v3 =	vmul.f32 v7, v5;
	[tilespmem:s25+$0x1DA00] =	vst.msk vm5, v2  }
0x3c6: {  	[tilespmem:s25+$0x1DE00] =	vst.msk vm5, v1  }
0x3c7: {  	s12 =	spop (v2sf);
	[tilespmem:s25+$0x1E200] =	vst.msk vm5, v3  }
0x3c8: {  	[hbm4b:s18+s30] =	stream.strided.scatter [tilespmem:s2], [sflag:$0x4], $0x1800, s31, s30, $0x38;
	[tilespmem:$0x1FE80] =	vst v63  }
0x3c9: {  	v1 =	vmov s8;
	_ =	swait.ge [sflag:s5], $0x1800  }
0x3ca: {  	v1 =	vnsel vm0, $0x0, v1;
	[sflag:s5] =	ssyncset.done $0x0  }
0x3cb: {  	s8 =	sadd.s32 s25, s12;
	v1 =	vsel vm1, s9, v1;
	[sflag:s5] =	ssyncadd.s32 $0xFFFFE800  }
0x3cc: {  	p0 =	slt.s32 s8, $0x3F0;
	v1 =	vsel vm2, s10, v1;
	_ =	swait.ge [sflag:s4], $0x1800  }
0x3cd: {  	s8 =	simm.s32 @!p0 $0x3F0;
	v1 =	vsel vm3, s11, v1;
	[sflag:s4] =	ssyncset.done $0x0  }
0x3ce: {  	v1 =	vsel vm4, s8, v1;
	[sflag:s4] =	ssyncadd.s32 $0xFFFFE800  }
0x3cf: {  	[tilespmem:$0x1FE00] =	vst v1  }
0x3d0: {  	[hbm4b:s19+s30] =	stream.strided.scatter [tilespmem:s29], [sflag:$0x6], $0x13880, s31, s30, $0x38;
	[tilespmem:$0x1FE80] =	vst v63  }
0x3d1: {  	s7 =	sadd.s32 $0x1, s7;
	_ =	swait.ge [sflag:s6], $0x13880  }
0x3d2: {  	p0 =	sne.s32 s7, s21;
	[sflag:s6] =	ssyncset.done $0x0  }
.Ltmp7:
0x3d3: {  	s26 =	simm.s32 $0x1FE00;
	[sflag:s6] =	ssyncadd.s32 $0xFFFEC780;
	(pc) =	sbr.rel @p0 .LBB2_1-.Ltmp7, $4  }
0x3d4: {  	[hbm4b:s20+s3] =	stream.linear.scatter [tilespmem:s26], [sflag:$0x6], $0x80, $0x38;
	[tilespmem:$0x1FE80] =	vst v63  }
0x3d5: {  	_ =	swait.ge [sflag:s6], $0x80  }
0x3d6: {  	[sflag:s6] =	ssyncset.done $0x0  }
0x3d7: {  	s13 =	simm.s32 $0x1B5D0;
	s25 =	simm.s32 $0x1C5D0;
	[sflag:s6] =	ssyncadd.s32 $0xFFFFFF80  }
0x3d8: {  	_ =	sfence.sel $0x180000  }
0x3d9: {  	[bflag:$0x0] =	sbarrier.arrive $0xFFFF  }
0x3da: {  	_ =	strace $0x90000047  }
0x3db: {  	s0 =	stileid.u32;
	[bflag:$0x2] =	sbarrier.arrive $0xFFFF  }
0x3dc: {  	p0 =	sne.s32 s0, $0x0;
	s0 =	rddreg [dreg:$0x6]  }
0x3dd: {  	s0 =	sadd.s32 @!p0 $0x100000, s0  }
0x3de: {  	[sflag:s0] =	ssyncadd.tile.s32 @!p0 $0x1;
	_ =	shalt  }
.Lfunc_end2:
_tile_overlayer_lowered:
.L_overlay_start_2:
0x3df: {  	(tag) =	ssettag $0x2  }
0x3e0: {  	s0 =	rddreg [dreg:$0x0];
	s2 =	stileid.u32  }
0x3e1: {  	s1 =	rddreg [dreg:$0x1];
	p0 =	sne.s32 s2, $0x0  }
0x3e2: {  	s3 =	rddreg [dreg:$0x2];
	[bflag:$0x3] =	sbarrier.arrive $0xFFFF;
	s2 =	simm.s32 @!p0 $0x1C06  }
0x3e3: {  	[timem:s3], [sflag:s2] =	dma.local @!p0 [hbm:s0], s1  }
0x3e4: {  	s0 =	simm.s32 @!p0 $0x6  }
0x3e5: {  	_ =	swait.ge @!p0 [sflag:s0], s1  }
0x3e6: {  	s1 =	ssub.s32 @!p0 $0x0, s1;
	[sflag:s0] =	ssyncset.done @!p0 $0x0  }
0x3e7: {  	[sflag:s0] =	ssyncadd.s32 @!p0 s1  }
0x3e8: {  	[bflag:$0x3] =	sbarrier.arrive $0xFFFF  }
0x3e9: {  	_ =	shalt  }

</sc_bundles>
